<compile_context>
chip_gen: v7x
topology: tpu7x:2x2x1
jax: 0.10.2.dev20260603
libtpu: 0.0.44.dev20260713+nightly
codegen_flags: <defaults>
</compile_context>

<pallas_src>
import functools

import jax
import jax.numpy as jnp
from jax import lax
from jax.experimental import pallas as pl
from jax.experimental.pallas import tpu as pltpu
from jax.experimental.pallas import tpu_sc as plsc

D_MODEL = 64
SCALE = 8.0
NUM_CORES = 2
NUM_SUBCORES = 16
NUM_WORKERS = NUM_CORES * NUM_SUBCORES
BATCH = 16384
LANES = 16
VOCAB = 1_000_000
VT = (VOCAB + 127) // 128
BASE_T = VT // NUM_WORKERS
EXTRA = VT - BASE_T * NUM_WORKERS
ST = 4
SEC_W = ST * 128
NSEC = (BASE_T + 1 + ST - 1) // ST
FLUSH = 64


def _build():
    mesh = plsc.VectorSubcoreMesh(core_axis_name="c", subcore_axis_name="s")

    @functools.partial(
        pl.kernel,
        mesh=mesh,
        out_type=jax.ShapeDtypeStruct((BATCH, D_MODEL), jnp.float32),
        scratch_types=[
            pltpu.VMEM((BATCH,), jnp.int32),
            pltpu.VMEM((BATCH + LANES,), jnp.int32),
            pltpu.VMEM((BATCH + LANES,), jnp.int32),
            pltpu.VMEM((D_MODEL, SEC_W), jnp.float32),
            pltpu.VMEM((D_MODEL, SEC_W), jnp.float32),
            pltpu.VMEM((FLUSH, D_MODEL), jnp.float32),
            pltpu.SemaphoreType.DMA,
            pltpu.SemaphoreType.DMA,
            pltpu.SemaphoreType.DMA,
        ],
        compiler_params=pltpu.CompilerParams(
            use_tc_tiling_on_sc=True, needs_layout_passes=False
        ),
    )
    def sweep(tabT_hbm, idx_hbm, out_hbm, idx_v, hv_v, sh_v, sec_a, sec_b,
              ostage_v, sem_a, sem_b, sem_o):
        wid = lax.axis_index("s") * NUM_CORES + lax.axis_index("c")
        t_lo = BASE_T * wid + jnp.minimum(wid, EXTRA)
        nt = BASE_T + (wid < EXTRA).astype(jnp.int32)
        t_hi = t_lo + nt
        col_lim = nt * 128

        iota16 = lax.iota(jnp.int32, LANES)

        def fire_section(s, bufs, sems):
            st = jnp.minimum(t_lo + s * ST, t_hi - ST)
            for bb in range(8):
                pltpu.async_copy(
                    tabT_hbm.at[pl.ds(bb * 8, 8), pl.ds(st * 128, SEC_W)],
                    bufs.at[pl.ds(bb * 8, 8), :],
                    sems,
                )

        def drain_sec(sems):
            for bb in range(8):
                pltpu.make_async_copy(
                    tabT_hbm.at[pl.ds(bb * 8, 8), pl.ds(0, SEC_W)],
                    sec_a.at[pl.ds(bb * 8, 8), :],
                    sems,
                ).wait()

        fire_section(0, sec_a, sem_a)
        fire_section(1, sec_b, sem_b)

        pltpu.sync_copy(idx_hbm, idx_v)

        def scan_body(a, hcnt):
            v = idx_v[pl.ds(a * LANES, LANES)]
            t = jnp.right_shift(v, 7)
            m = (t - t_lo).astype(jnp.uint32) < nt.astype(jnp.uint32)
            packed = jnp.bitwise_or(
                jnp.left_shift(v - t_lo * 128, 14), a * LANES + iota16
            )
            plsc.store_compressed(hv_v.at[pl.ds(hcnt, LANES)], packed, mask=m)
            return hcnt + plsc.all_reduce_population_count(m)[0]

        hcnt = lax.fori_loop(0, BATCH // LANES, scan_body, 0)
        n_hvec = lax.div(hcnt + LANES - 1, LANES)

        rows_q = [iota16 + q * LANES for q in range(D_MODEL // LANES)]

        def process_section(s, buf):
            st = jnp.minimum(t_lo + s * ST, t_hi - ST)
            st_col = (st - t_lo) * 128
            nom_lo = s * SEC_W
            nom_hi = jnp.minimum(nom_lo + SEC_W, col_lim)

            def rescan_body(j, scnt):
                hp = hv_v[pl.ds(j * LANES, LANES)]
                cr = jnp.right_shift(hp, 14)
                m = jnp.logical_and(cr >= nom_lo, cr < nom_hi)
                m = jnp.logical_and(m, j * LANES + iota16 < hcnt)
                plsc.store_compressed(sh_v.at[pl.ds(scnt, LANES)], hp, mask=m)
                return scnt + plsc.all_reduce_population_count(m)[0]

            scnt = lax.fori_loop(0, n_hvec, rescan_body, 0)

            def batch_body(g, carry):
                cnt = jnp.minimum(scnt - g * FLUSH, FLUSH)

                def ext_body(k, c2):
                    hp = sh_v[pl.ds(g * FLUSH + k, LANES)][0]
                    col = jnp.right_shift(hp, 14) - st_col
                    cols = jnp.full((LANES,), col, jnp.int32)
                    for q in range(D_MODEL // LANES):
                        vals = plsc.load_gather(buf, [rows_q[q], cols])
                        ostage_v[k, pl.ds(q * LANES, LANES)] = vals * SCALE
                    return c2

                lax.fori_loop(0, cnt, ext_body, 0)

                def fire_body(r, c2):
                    hp = sh_v[pl.ds(g * FLUSH + r, LANES)][0]
                    b = jnp.bitwise_and(hp, 16383)
                    pltpu.async_copy(
                        ostage_v.at[pl.ds(r, 1), :],
                        out_hbm.at[pl.ds(b, 1), :],
                        sem_o,
                    )
                    return c2

                lax.fori_loop(0, cnt, fire_body, 0)

                def drain_body(r, c2):
                    pltpu.make_async_copy(
                        ostage_v.at[pl.ds(0, 1), :],
                        out_hbm.at[pl.ds(0, 1), :],
                        sem_o,
                    ).wait()
                    return c2

                lax.fori_loop(0, cnt, drain_body, 0)
                return carry

            lax.fori_loop(0, lax.div(scnt + FLUSH - 1, FLUSH), batch_body, 0)

        def pair_body(p, carry):
            drain_sec(sem_a)
            process_section(2 * p, sec_a)
            fire_section(jnp.minimum(2 * p + 2, NSEC - 1), sec_a, sem_a)
            drain_sec(sem_b)
            process_section(2 * p + 1, sec_b)
            fire_section(jnp.minimum(2 * p + 3, NSEC - 1), sec_b, sem_b)
            return carry

        lax.fori_loop(0, NSEC // 2, pair_body, 0)
        drain_sec(sem_a)
        drain_sec(sem_b)

    return sweep


_sweep = _build()


@jax.jit
def kernel(spec, table):
    idx = spec.reshape(-1).astype(jnp.int32)
    return _sweep(table.T, idx)

# --- scband reference (transcript-rebuilt; emitter-appended) ---
"""Pipeline reference for scband-spec-direct-embed-78091095376354 (READ-ONLY COPY).

The authoritative reference and input builder live on the scoring server;
editing this copy changes nothing except your own understanding.
"""

import jax, jax.numpy as jnp
import numpy as np

D_MODEL = 64
SRC_VOCAB = 1000000
BATCH = 16384


def setup_inputs(seed: int = 0) -> dict:
    key = jax.random.key(seed)
    k1, k2 = jax.random.split(key)
    spec = jax.random.randint(k1, (BATCH, 1), 0, SRC_VOCAB, dtype=jnp.int64 if jax.config.jax_enable_x64 else jnp.int32)
    table = jax.random.normal(k2, (SRC_VOCAB, D_MODEL), dtype=jnp.float32)
    return {"spec": spec, "table": table}


def reference(spec, table):
    # Embeddings module: lookup then scale by sqrt(d_model) (standard transformer Embeddings)
    idx = spec.astype(jnp.int32)
    emb = jnp.take(table, idx, axis=0) * jnp.sqrt(jnp.asarray(D_MODEL, dtype=jnp.float32))
    # emb: [B, 1, d_model] -> squeeze(1)
    return jnp.squeeze(emb, axis=1)

if __name__ == "__main__":
    import jax
    _d = setup_inputs()
    print(jax.jit(kernel)(*tuple(_d.values())))

</pallas_src>

<mosaic_0001>
#map = affine_map<(d0, d1) -> (0, 0)>
#map1 = affine_map<(d0, d1) -> (0)>
module attributes {stable_mosaic.version = 14 : i64} {
  func.func @sweep(%arg0: i32, %arg1: i32, %arg2: memref<64x1000000xf32, #tpu.memory_space<hbm>>, %arg3: memref<16384xi32, #tpu.memory_space<hbm>>, %arg4: memref<16384x64xf32, #tpu.memory_space<hbm>>, %arg5: memref<16384xi32, #tpu.memory_space<vmem>>, %arg6: memref<16400xi32, #tpu.memory_space<vmem>>, %arg7: memref<16400xi32, #tpu.memory_space<vmem>>, %arg8: memref<64x512xf32, #tpu.memory_space<vmem>>, %arg9: memref<64x512xf32, #tpu.memory_space<vmem>>, %arg10: memref<64x64xf32, #tpu.memory_space<vmem>>, %arg11: memref<!tpu.dma_semaphore, #tpu.memory_space<semaphore_mem>>, %arg12: memref<!tpu.dma_semaphore, #tpu.memory_space<semaphore_mem>>, %arg13: memref<!tpu.dma_semaphore, #tpu.memory_space<semaphore_mem>>) attributes {dimension_semantics = [#tpu.dimension_semantics<core_parallel>, #tpu.dimension_semantics<subcore_parallel>], iteration_bounds = array<i64: 2, 16>, scalar_prefetch = 0 : i64, scratch_operands = 9 : i64, tpu.core_type = #tpu.core_type<sc_vector_subcore>, window_params = [{transform_indices = #map}, {transform_indices = #map1}, {transform_indices = #map}]} {
    %mul3A = arith.constant 2 : i32
    %mul3A_0 = arith.muli %arg1, %mul3A : i32
    %add3A = arith.addi %mul3A_0, %arg0 : i32
    %mul3A_1 = arith.constant 244 : i32
    %mul3A_2 = arith.muli %mul3A_1, %add3A : i32
    %min3A = arith.constant 5 : i32
    %min3A_3 = arith.minsi %add3A, %min3A : i32
    %add3A_4 = arith.addi %mul3A_2, %min3A_3 : i32
    %lt3A = arith.constant 5 : i32
    %lt3A_5 = arith.cmpi slt, %add3A, %lt3A : i32
    %convert_element_type3A = arith.extui %lt3A_5 : i1 to i32
    %add3A_6 = arith.constant 244 : i32
    %add3A_7 = arith.addi %add3A_6, %convert_element_type3A : i32
    %add3A_8 = arith.addi %add3A_4, %add3A_7 : i32
    %mul3A_9 = arith.constant 128 : i32
    %mul3A_10 = arith.muli %add3A_7, %mul3A_9 : i32
    %iota3A = tpu.iota {dimensions = array<i32: 0>} : vector<16xi32>
    %add3A_11 = arith.constant 0 : i32
    %add3A_12 = arith.addi %add3A_4, %add3A_11 : i32
    %sub3A = arith.constant 4 : i32
    %sub3A_13 = arith.subi %add3A_8, %sub3A : i32
    %min3A_14 = arith.minsi %add3A_12, %sub3A_13 : i32
    %mul3A_15 = arith.constant 128 : i32
    %mul3A_16 = arith.muli %min3A_14, %mul3A_15 : i32
    %dma_start3A = arith.constant 0 : i32
    %dma_start3A_17 = arith.constant 0 : i32
    %dma_start3A_18 = tpu.memref_slice %arg8[%dma_start3A, %dma_start3A_17] : memref<64x512xf32, #tpu.memory_space<vmem>> -> memref<8x512xf32, #tpu.memory_space<vmem>>
    %dma_start3A_19 = arith.constant 0 : i32
    %dma_start3A_20 = tpu.memref_slice %arg2[%dma_start3A_19, %mul3A_16] : memref<64x1000000xf32, #tpu.memory_space<hbm>> -> memref<8x512xf32, #tpu.memory_space<hbm>>
    %dma_start3A_21 = arith.constant 0 : i32
    %dma_start3A_22 = arith.constant 0 : i32
    %dma_start3A_23 = tpu.memref_slice %arg8[%dma_start3A_21, %dma_start3A_22] : memref<64x512xf32, #tpu.memory_space<vmem>> -> memref<8x512xf32, #tpu.memory_space<vmem>>
    %dma_start3A_24 = arith.constant 0 : i32
    %dma_start3A_25 = tpu.memref_slice %arg2[%dma_start3A_24, %mul3A_16] : memref<64x1000000xf32, #tpu.memory_space<hbm>> -> memref<8x512xf32, #tpu.memory_space<hbm>>
    tpu.enqueue_dma source(%dma_start3A_25 : memref<8x512xf32, #tpu.memory_space<hbm>>) target(%dma_start3A_23 : memref<8x512xf32, #tpu.memory_space<vmem>>) target_semaphore(%arg11 : memref<!tpu.dma_semaphore, #tpu.memory_space<semaphore_mem>>)
    %mul3A_26 = arith.constant 128 : i32
    %mul3A_27 = arith.muli %min3A_14, %mul3A_26 : i32
    %dma_start3A_28 = arith.constant 8 : i32
    %dma_start3A_29 = arith.constant 0 : i32
    %dma_start3A_30 = tpu.memref_slice %arg8[%dma_start3A_28, %dma_start3A_29] : memref<64x512xf32, #tpu.memory_space<vmem>> -> memref<8x512xf32, #tpu.memory_space<vmem>>
    %dma_start3A_31 = arith.constant 8 : i32
    %dma_start3A_32 = tpu.memref_slice %arg2[%dma_start3A_31, %mul3A_27] : memref<64x1000000xf32, #tpu.memory_space<hbm>> -> memref<8x512xf32, #tpu.memory_space<hbm>>
    %dma_start3A_33 = arith.constant 8 : i32
    %dma_start3A_34 = arith.constant 0 : i32
    %dma_start3A_35 = tpu.memref_slice %arg8[%dma_start3A_33, %dma_start3A_34] : memref<64x512xf32, #tpu.memory_space<vmem>> -> memref<8x512xf32, #tpu.memory_space<vmem>>
    %dma_start3A_36 = arith.constant 8 : i32
    %dma_start3A_37 = tpu.memref_slice %arg2[%dma_start3A_36, %mul3A_27] : memref<64x1000000xf32, #tpu.memory_space<hbm>> -> memref<8x512xf32, #tpu.memory_space<hbm>>
    tpu.enqueue_dma source(%dma_start3A_37 : memref<8x512xf32, #tpu.memory_space<hbm>>) target(%dma_start3A_35 : memref<8x512xf32, #tpu.memory_space<vmem>>) target_semaphore(%arg11 : memref<!tpu.dma_semaphore, #tpu.memory_space<semaphore_mem>>)
    %mul3A_38 = arith.constant 128 : i32
    %mul3A_39 = arith.muli %min3A_14, %mul3A_38 : i32
    %dma_start3A_40 = arith.constant 16 : i32
    %dma_start3A_41 = arith.constant 0 : i32
    %dma_start3A_42 = tpu.memref_slice %arg8[%dma_start3A_40, %dma_start3A_41] : memref<64x512xf32, #tpu.memory_space<vmem>> -> memref<8x512xf32, #tpu.memory_space<vmem>>
    %dma_start3A_43 = arith.constant 16 : i32
    %dma_start3A_44 = tpu.memref_slice %arg2[%dma_start3A_43, %mul3A_39] : memref<64x1000000xf32, #tpu.memory_space<hbm>> -> memref<8x512xf32, #tpu.memory_space<hbm>>
    %dma_start3A_45 = arith.constant 16 : i32
    %dma_start3A_46 = arith.constant 0 : i32
    %dma_start3A_47 = tpu.memref_slice %arg8[%dma_start3A_45, %dma_start3A_46] : memref<64x512xf32, #tpu.memory_space<vmem>> -> memref<8x512xf32, #tpu.memory_space<vmem>>
    %dma_start3A_48 = arith.constant 16 : i32
    %dma_start3A_49 = tpu.memref_slice %arg2[%dma_start3A_48, %mul3A_39] : memref<64x1000000xf32, #tpu.memory_space<hbm>> -> memref<8x512xf32, #tpu.memory_space<hbm>>
    tpu.enqueue_dma source(%dma_start3A_49 : memref<8x512xf32, #tpu.memory_space<hbm>>) target(%dma_start3A_47 : memref<8x512xf32, #tpu.memory_space<vmem>>) target_semaphore(%arg11 : memref<!tpu.dma_semaphore, #tpu.memory_space<semaphore_mem>>)
    %mul3A_50 = arith.constant 128 : i32
    %mul3A_51 = arith.muli %min3A_14, %mul3A_50 : i32
    %dma_start3A_52 = arith.constant 24 : i32
    %dma_start3A_53 = arith.constant 0 : i32
    %dma_start3A_54 = tpu.memref_slice %arg8[%dma_start3A_52, %dma_start3A_53] : memref<64x512xf32, #tpu.memory_space<vmem>> -> memref<8x512xf32, #tpu.memory_space<vmem>>
    %dma_start3A_55 = arith.constant 24 : i32
    %dma_start3A_56 = tpu.memref_slice %arg2[%dma_start3A_55, %mul3A_51] : memref<64x1000000xf32, #tpu.memory_space<hbm>> -> memref<8x512xf32, #tpu.memory_space<hbm>>
    %dma_start3A_57 = arith.constant 24 : i32
    %dma_start3A_58 = arith.constant 0 : i32
    %dma_start3A_59 = tpu.memref_slice %arg8[%dma_start3A_57, %dma_start3A_58] : memref<64x512xf32, #tpu.memory_space<vmem>> -> memref<8x512xf32, #tpu.memory_space<vmem>>
    %dma_start3A_60 = arith.constant 24 : i32
    %dma_start3A_61 = tpu.memref_slice %arg2[%dma_start3A_60, %mul3A_51] : memref<64x1000000xf32, #tpu.memory_space<hbm>> -> memref<8x512xf32, #tpu.memory_space<hbm>>
    tpu.enqueue_dma source(%dma_start3A_61 : memref<8x512xf32, #tpu.memory_space<hbm>>) target(%dma_start3A_59 : memref<8x512xf32, #tpu.memory_space<vmem>>) target_semaphore(%arg11 : memref<!tpu.dma_semaphore, #tpu.memory_space<semaphore_mem>>)
    %mul3A_62 = arith.constant 128 : i32
    %mul3A_63 = arith.muli %min3A_14, %mul3A_62 : i32
    %dma_start3A_64 = arith.constant 32 : i32
    %dma_start3A_65 = arith.constant 0 : i32
    %dma_start3A_66 = tpu.memref_slice %arg8[%dma_start3A_64, %dma_start3A_65] : memref<64x512xf32, #tpu.memory_space<vmem>> -> memref<8x512xf32, #tpu.memory_space<vmem>>
    %dma_start3A_67 = arith.constant 32 : i32
    %dma_start3A_68 = tpu.memref_slice %arg2[%dma_start3A_67, %mul3A_63] : memref<64x1000000xf32, #tpu.memory_space<hbm>> -> memref<8x512xf32, #tpu.memory_space<hbm>>
    %dma_start3A_69 = arith.constant 32 : i32
    %dma_start3A_70 = arith.constant 0 : i32
    %dma_start3A_71 = tpu.memref_slice %arg8[%dma_start3A_69, %dma_start3A_70] : memref<64x512xf32, #tpu.memory_space<vmem>> -> memref<8x512xf32, #tpu.memory_space<vmem>>
    %dma_start3A_72 = arith.constant 32 : i32
    %dma_start3A_73 = tpu.memref_slice %arg2[%dma_start3A_72, %mul3A_63] : memref<64x1000000xf32, #tpu.memory_space<hbm>> -> memref<8x512xf32, #tpu.memory_space<hbm>>
    tpu.enqueue_dma source(%dma_start3A_73 : memref<8x512xf32, #tpu.memory_space<hbm>>) target(%dma_start3A_71 : memref<8x512xf32, #tpu.memory_space<vmem>>) target_semaphore(%arg11 : memref<!tpu.dma_semaphore, #tpu.memory_space<semaphore_mem>>)
    %mul3A_74 = arith.constant 128 : i32
    %mul3A_75 = arith.muli %min3A_14, %mul3A_74 : i32
    %dma_start3A_76 = arith.constant 40 : i32
    %dma_start3A_77 = arith.constant 0 : i32
    %dma_start3A_78 = tpu.memref_slice %arg8[%dma_start3A_76, %dma_start3A_77] : memref<64x512xf32, #tpu.memory_space<vmem>> -> memref<8x512xf32, #tpu.memory_space<vmem>>
    %dma_start3A_79 = arith.constant 40 : i32
    %dma_start3A_80 = tpu.memref_slice %arg2[%dma_start3A_79, %mul3A_75] : memref<64x1000000xf32, #tpu.memory_space<hbm>> -> memref<8x512xf32, #tpu.memory_space<hbm>>
    %dma_start3A_81 = arith.constant 40 : i32
    %dma_start3A_82 = arith.constant 0 : i32
    %dma_start3A_83 = tpu.memref_slice %arg8[%dma_start3A_81, %dma_start3A_82] : memref<64x512xf32, #tpu.memory_space<vmem>> -> memref<8x512xf32, #tpu.memory_space<vmem>>
    %dma_start3A_84 = arith.constant 40 : i32
    %dma_start3A_85 = tpu.memref_slice %arg2[%dma_start3A_84, %mul3A_75] : memref<64x1000000xf32, #tpu.memory_space<hbm>> -> memref<8x512xf32, #tpu.memory_space<hbm>>
    tpu.enqueue_dma source(%dma_start3A_85 : memref<8x512xf32, #tpu.memory_space<hbm>>) target(%dma_start3A_83 : memref<8x512xf32, #tpu.memory_space<vmem>>) target_semaphore(%arg11 : memref<!tpu.dma_semaphore, #tpu.memory_space<semaphore_mem>>)
    %mul3A_86 = arith.constant 128 : i32
    %mul3A_87 = arith.muli %min3A_14, %mul3A_86 : i32
    %dma_start3A_88 = arith.constant 48 : i32
    %dma_start3A_89 = arith.constant 0 : i32
    %dma_start3A_90 = tpu.memref_slice %arg8[%dma_start3A_88, %dma_start3A_89] : memref<64x512xf32, #tpu.memory_space<vmem>> -> memref<8x512xf32, #tpu.memory_space<vmem>>
    %dma_start3A_91 = arith.constant 48 : i32
    %dma_start3A_92 = tpu.memref_slice %arg2[%dma_start3A_91, %mul3A_87] : memref<64x1000000xf32, #tpu.memory_space<hbm>> -> memref<8x512xf32, #tpu.memory_space<hbm>>
    %dma_start3A_93 = arith.constant 48 : i32
    %dma_start3A_94 = arith.constant 0 : i32
    %dma_start3A_95 = tpu.memref_slice %arg8[%dma_start3A_93, %dma_start3A_94] : memref<64x512xf32, #tpu.memory_space<vmem>> -> memref<8x512xf32, #tpu.memory_space<vmem>>
    %dma_start3A_96 = arith.constant 48 : i32
    %dma_start3A_97 = tpu.memref_slice %arg2[%dma_start3A_96, %mul3A_87] : memref<64x1000000xf32, #tpu.memory_space<hbm>> -> memref<8x512xf32, #tpu.memory_space<hbm>>
    tpu.enqueue_dma source(%dma_start3A_97 : memref<8x512xf32, #tpu.memory_space<hbm>>) target(%dma_start3A_95 : memref<8x512xf32, #tpu.memory_space<vmem>>) target_semaphore(%arg11 : memref<!tpu.dma_semaphore, #tpu.memory_space<semaphore_mem>>)
    %mul3A_98 = arith.constant 128 : i32
    %mul3A_99 = arith.muli %min3A_14, %mul3A_98 : i32
    %dma_start3A_100 = arith.constant 56 : i32
    %dma_start3A_101 = arith.constant 0 : i32
    %dma_start3A_102 = tpu.memref_slice %arg8[%dma_start3A_100, %dma_start3A_101] : memref<64x512xf32, #tpu.memory_space<vmem>> -> memref<8x512xf32, #tpu.memory_space<vmem>>
    %dma_start3A_103 = arith.constant 56 : i32
    %dma_start3A_104 = tpu.memref_slice %arg2[%dma_start3A_103, %mul3A_99] : memref<64x1000000xf32, #tpu.memory_space<hbm>> -> memref<8x512xf32, #tpu.memory_space<hbm>>
    %dma_start3A_105 = arith.constant 56 : i32
    %dma_start3A_106 = arith.constant 0 : i32
    %dma_start3A_107 = tpu.memref_slice %arg8[%dma_start3A_105, %dma_start3A_106] : memref<64x512xf32, #tpu.memory_space<vmem>> -> memref<8x512xf32, #tpu.memory_space<vmem>>
    %dma_start3A_108 = arith.constant 56 : i32
    %dma_start3A_109 = tpu.memref_slice %arg2[%dma_start3A_108, %mul3A_99] : memref<64x1000000xf32, #tpu.memory_space<hbm>> -> memref<8x512xf32, #tpu.memory_space<hbm>>
    tpu.enqueue_dma source(%dma_start3A_109 : memref<8x512xf32, #tpu.memory_space<hbm>>) target(%dma_start3A_107 : memref<8x512xf32, #tpu.memory_space<vmem>>) target_semaphore(%arg11 : memref<!tpu.dma_semaphore, #tpu.memory_space<semaphore_mem>>)
    %add3A_110 = arith.constant 4 : i32
    %add3A_111 = arith.addi %add3A_4, %add3A_110 : i32
    %sub3A_112 = arith.constant 4 : i32
    %sub3A_113 = arith.subi %add3A_8, %sub3A_112 : i32
    %min3A_114 = arith.minsi %add3A_111, %sub3A_113 : i32
    %mul3A_115 = arith.constant 128 : i32
    %mul3A_116 = arith.muli %min3A_114, %mul3A_115 : i32
    %dma_start3A_117 = arith.constant 0 : i32
    %dma_start3A_118 = arith.constant 0 : i32
    %dma_start3A_119 = tpu.memref_slice %arg9[%dma_start3A_117, %dma_start3A_118] : memref<64x512xf32, #tpu.memory_space<vmem>> -> memref<8x512xf32, #tpu.memory_space<vmem>>
    %dma_start3A_120 = arith.constant 0 : i32
    %dma_start3A_121 = tpu.memref_slice %arg2[%dma_start3A_120, %mul3A_116] : memref<64x1000000xf32, #tpu.memory_space<hbm>> -> memref<8x512xf32, #tpu.memory_space<hbm>>
    %dma_start3A_122 = arith.constant 0 : i32
    %dma_start3A_123 = arith.constant 0 : i32
    %dma_start3A_124 = tpu.memref_slice %arg9[%dma_start3A_122, %dma_start3A_123] : memref<64x512xf32, #tpu.memory_space<vmem>> -> memref<8x512xf32, #tpu.memory_space<vmem>>
    %dma_start3A_125 = arith.constant 0 : i32
    %dma_start3A_126 = tpu.memref_slice %arg2[%dma_start3A_125, %mul3A_116] : memref<64x1000000xf32, #tpu.memory_space<hbm>> -> memref<8x512xf32, #tpu.memory_space<hbm>>
    tpu.enqueue_dma source(%dma_start3A_126 : memref<8x512xf32, #tpu.memory_space<hbm>>) target(%dma_start3A_124 : memref<8x512xf32, #tpu.memory_space<vmem>>) target_semaphore(%arg12 : memref<!tpu.dma_semaphore, #tpu.memory_space<semaphore_mem>>)
    %mul3A_127 = arith.constant 128 : i32
    %mul3A_128 = arith.muli %min3A_114, %mul3A_127 : i32
    %dma_start3A_129 = arith.constant 8 : i32
    %dma_start3A_130 = arith.constant 0 : i32
    %dma_start3A_131 = tpu.memref_slice %arg9[%dma_start3A_129, %dma_start3A_130] : memref<64x512xf32, #tpu.memory_space<vmem>> -> memref<8x512xf32, #tpu.memory_space<vmem>>
    %dma_start3A_132 = arith.constant 8 : i32
    %dma_start3A_133 = tpu.memref_slice %arg2[%dma_start3A_132, %mul3A_128] : memref<64x1000000xf32, #tpu.memory_space<hbm>> -> memref<8x512xf32, #tpu.memory_space<hbm>>
    %dma_start3A_134 = arith.constant 8 : i32
    %dma_start3A_135 = arith.constant 0 : i32
    %dma_start3A_136 = tpu.memref_slice %arg9[%dma_start3A_134, %dma_start3A_135] : memref<64x512xf32, #tpu.memory_space<vmem>> -> memref<8x512xf32, #tpu.memory_space<vmem>>
    %dma_start3A_137 = arith.constant 8 : i32
    %dma_start3A_138 = tpu.memref_slice %arg2[%dma_start3A_137, %mul3A_128] : memref<64x1000000xf32, #tpu.memory_space<hbm>> -> memref<8x512xf32, #tpu.memory_space<hbm>>
    tpu.enqueue_dma source(%dma_start3A_138 : memref<8x512xf32, #tpu.memory_space<hbm>>) target(%dma_start3A_136 : memref<8x512xf32, #tpu.memory_space<vmem>>) target_semaphore(%arg12 : memref<!tpu.dma_semaphore, #tpu.memory_space<semaphore_mem>>)
    %mul3A_139 = arith.constant 128 : i32
    %mul3A_140 = arith.muli %min3A_114, %mul3A_139 : i32
    %dma_start3A_141 = arith.constant 16 : i32
    %dma_start3A_142 = arith.constant 0 : i32
    %dma_start3A_143 = tpu.memref_slice %arg9[%dma_start3A_141, %dma_start3A_142] : memref<64x512xf32, #tpu.memory_space<vmem>> -> memref<8x512xf32, #tpu.memory_space<vmem>>
    %dma_start3A_144 = arith.constant 16 : i32
    %dma_start3A_145 = tpu.memref_slice %arg2[%dma_start3A_144, %mul3A_140] : memref<64x1000000xf32, #tpu.memory_space<hbm>> -> memref<8x512xf32, #tpu.memory_space<hbm>>
    %dma_start3A_146 = arith.constant 16 : i32
    %dma_start3A_147 = arith.constant 0 : i32
    %dma_start3A_148 = tpu.memref_slice %arg9[%dma_start3A_146, %dma_start3A_147] : memref<64x512xf32, #tpu.memory_space<vmem>> -> memref<8x512xf32, #tpu.memory_space<vmem>>
    %dma_start3A_149 = arith.constant 16 : i32
    %dma_start3A_150 = tpu.memref_slice %arg2[%dma_start3A_149, %mul3A_140] : memref<64x1000000xf32, #tpu.memory_space<hbm>> -> memref<8x512xf32, #tpu.memory_space<hbm>>
    tpu.enqueue_dma source(%dma_start3A_150 : memref<8x512xf32, #tpu.memory_space<hbm>>) target(%dma_start3A_148 : memref<8x512xf32, #tpu.memory_space<vmem>>) target_semaphore(%arg12 : memref<!tpu.dma_semaphore, #tpu.memory_space<semaphore_mem>>)
    %mul3A_151 = arith.constant 128 : i32
    %mul3A_152 = arith.muli %min3A_114, %mul3A_151 : i32
    %dma_start3A_153 = arith.constant 24 : i32
    %dma_start3A_154 = arith.constant 0 : i32
    %dma_start3A_155 = tpu.memref_slice %arg9[%dma_start3A_153, %dma_start3A_154] : memref<64x512xf32, #tpu.memory_space<vmem>> -> memref<8x512xf32, #tpu.memory_space<vmem>>
    %dma_start3A_156 = arith.constant 24 : i32
    %dma_start3A_157 = tpu.memref_slice %arg2[%dma_start3A_156, %mul3A_152] : memref<64x1000000xf32, #tpu.memory_space<hbm>> -> memref<8x512xf32, #tpu.memory_space<hbm>>
    %dma_start3A_158 = arith.constant 24 : i32
    %dma_start3A_159 = arith.constant 0 : i32
    %dma_start3A_160 = tpu.memref_slice %arg9[%dma_start3A_158, %dma_start3A_159] : memref<64x512xf32, #tpu.memory_space<vmem>> -> memref<8x512xf32, #tpu.memory_space<vmem>>
    %dma_start3A_161 = arith.constant 24 : i32
    %dma_start3A_162 = tpu.memref_slice %arg2[%dma_start3A_161, %mul3A_152] : memref<64x1000000xf32, #tpu.memory_space<hbm>> -> memref<8x512xf32, #tpu.memory_space<hbm>>
    tpu.enqueue_dma source(%dma_start3A_162 : memref<8x512xf32, #tpu.memory_space<hbm>>) target(%dma_start3A_160 : memref<8x512xf32, #tpu.memory_space<vmem>>) target_semaphore(%arg12 : memref<!tpu.dma_semaphore, #tpu.memory_space<semaphore_mem>>)
    %mul3A_163 = arith.constant 128 : i32
    %mul3A_164 = arith.muli %min3A_114, %mul3A_163 : i32
    %dma_start3A_165 = arith.constant 32 : i32
    %dma_start3A_166 = arith.constant 0 : i32
    %dma_start3A_167 = tpu.memref_slice %arg9[%dma_start3A_165, %dma_start3A_166] : memref<64x512xf32, #tpu.memory_space<vmem>> -> memref<8x512xf32, #tpu.memory_space<vmem>>
    %dma_start3A_168 = arith.constant 32 : i32
    %dma_start3A_169 = tpu.memref_slice %arg2[%dma_start3A_168, %mul3A_164] : memref<64x1000000xf32, #tpu.memory_space<hbm>> -> memref<8x512xf32, #tpu.memory_space<hbm>>
    %dma_start3A_170 = arith.constant 32 : i32
    %dma_start3A_171 = arith.constant 0 : i32
    %dma_start3A_172 = tpu.memref_slice %arg9[%dma_start3A_170, %dma_start3A_171] : memref<64x512xf32, #tpu.memory_space<vmem>> -> memref<8x512xf32, #tpu.memory_space<vmem>>
    %dma_start3A_173 = arith.constant 32 : i32
    %dma_start3A_174 = tpu.memref_slice %arg2[%dma_start3A_173, %mul3A_164] : memref<64x1000000xf32, #tpu.memory_space<hbm>> -> memref<8x512xf32, #tpu.memory_space<hbm>>
    tpu.enqueue_dma source(%dma_start3A_174 : memref<8x512xf32, #tpu.memory_space<hbm>>) target(%dma_start3A_172 : memref<8x512xf32, #tpu.memory_space<vmem>>) target_semaphore(%arg12 : memref<!tpu.dma_semaphore, #tpu.memory_space<semaphore_mem>>)
    %mul3A_175 = arith.constant 128 : i32
    %mul3A_176 = arith.muli %min3A_114, %mul3A_175 : i32
    %dma_start3A_177 = arith.constant 40 : i32
    %dma_start3A_178 = arith.constant 0 : i32
    %dma_start3A_179 = tpu.memref_slice %arg9[%dma_start3A_177, %dma_start3A_178] : memref<64x512xf32, #tpu.memory_space<vmem>> -> memref<8x512xf32, #tpu.memory_space<vmem>>
    %dma_start3A_180 = arith.constant 40 : i32
    %dma_start3A_181 = tpu.memref_slice %arg2[%dma_start3A_180, %mul3A_176] : memref<64x1000000xf32, #tpu.memory_space<hbm>> -> memref<8x512xf32, #tpu.memory_space<hbm>>
    %dma_start3A_182 = arith.constant 40 : i32
    %dma_start3A_183 = arith.constant 0 : i32
    %dma_start3A_184 = tpu.memref_slice %arg9[%dma_start3A_182, %dma_start3A_183] : memref<64x512xf32, #tpu.memory_space<vmem>> -> memref<8x512xf32, #tpu.memory_space<vmem>>
    %dma_start3A_185 = arith.constant 40 : i32
    %dma_start3A_186 = tpu.memref_slice %arg2[%dma_start3A_185, %mul3A_176] : memref<64x1000000xf32, #tpu.memory_space<hbm>> -> memref<8x512xf32, #tpu.memory_space<hbm>>
    tpu.enqueue_dma source(%dma_start3A_186 : memref<8x512xf32, #tpu.memory_space<hbm>>) target(%dma_start3A_184 : memref<8x512xf32, #tpu.memory_space<vmem>>) target_semaphore(%arg12 : memref<!tpu.dma_semaphore, #tpu.memory_space<semaphore_mem>>)
    %mul3A_187 = arith.constant 128 : i32
    %mul3A_188 = arith.muli %min3A_114, %mul3A_187 : i32
    %dma_start3A_189 = arith.constant 48 : i32
    %dma_start3A_190 = arith.constant 0 : i32
    %dma_start3A_191 = tpu.memref_slice %arg9[%dma_start3A_189, %dma_start3A_190] : memref<64x512xf32, #tpu.memory_space<vmem>> -> memref<8x512xf32, #tpu.memory_space<vmem>>
    %dma_start3A_192 = arith.constant 48 : i32
    %dma_start3A_193 = tpu.memref_slice %arg2[%dma_start3A_192, %mul3A_188] : memref<64x1000000xf32, #tpu.memory_space<hbm>> -> memref<8x512xf32, #tpu.memory_space<hbm>>
    %dma_start3A_194 = arith.constant 48 : i32
    %dma_start3A_195 = arith.constant 0 : i32
    %dma_start3A_196 = tpu.memref_slice %arg9[%dma_start3A_194, %dma_start3A_195] : memref<64x512xf32, #tpu.memory_space<vmem>> -> memref<8x512xf32, #tpu.memory_space<vmem>>
    %dma_start3A_197 = arith.constant 48 : i32
    %dma_start3A_198 = tpu.memref_slice %arg2[%dma_start3A_197, %mul3A_188] : memref<64x1000000xf32, #tpu.memory_space<hbm>> -> memref<8x512xf32, #tpu.memory_space<hbm>>
    tpu.enqueue_dma source(%dma_start3A_198 : memref<8x512xf32, #tpu.memory_space<hbm>>) target(%dma_start3A_196 : memref<8x512xf32, #tpu.memory_space<vmem>>) target_semaphore(%arg12 : memref<!tpu.dma_semaphore, #tpu.memory_space<semaphore_mem>>)
    %mul3A_199 = arith.constant 128 : i32
    %mul3A_200 = arith.muli %min3A_114, %mul3A_199 : i32
    %dma_start3A_201 = arith.constant 56 : i32
    %dma_start3A_202 = arith.constant 0 : i32
    %dma_start3A_203 = tpu.memref_slice %arg9[%dma_start3A_201, %dma_start3A_202] : memref<64x512xf32, #tpu.memory_space<vmem>> -> memref<8x512xf32, #tpu.memory_space<vmem>>
    %dma_start3A_204 = arith.constant 56 : i32
    %dma_start3A_205 = tpu.memref_slice %arg2[%dma_start3A_204, %mul3A_200] : memref<64x1000000xf32, #tpu.memory_space<hbm>> -> memref<8x512xf32, #tpu.memory_space<hbm>>
    %dma_start3A_206 = arith.constant 56 : i32
    %dma_start3A_207 = arith.constant 0 : i32
    %dma_start3A_208 = tpu.memref_slice %arg9[%dma_start3A_206, %dma_start3A_207] : memref<64x512xf32, #tpu.memory_space<vmem>> -> memref<8x512xf32, #tpu.memory_space<vmem>>
    %dma_start3A_209 = arith.constant 56 : i32
    %dma_start3A_210 = tpu.memref_slice %arg2[%dma_start3A_209, %mul3A_200] : memref<64x1000000xf32, #tpu.memory_space<hbm>> -> memref<8x512xf32, #tpu.memory_space<hbm>>
    tpu.enqueue_dma source(%dma_start3A_210 : memref<8x512xf32, #tpu.memory_space<hbm>>) target(%dma_start3A_208 : memref<8x512xf32, #tpu.memory_space<vmem>>) target_semaphore(%arg12 : memref<!tpu.dma_semaphore, #tpu.memory_space<semaphore_mem>>)
    "tpu.region"() ({
      %run_scoped3A = tpu.sem_alloc : memref<!tpu.dma_semaphore, #tpu.memory_space<semaphore_mem>>
      tpu.enqueue_dma source(%arg3 : memref<16384xi32, #tpu.memory_space<hbm>>) target(%arg5 : memref<16384xi32, #tpu.memory_space<vmem>>) target_semaphore(%run_scoped3A : memref<!tpu.dma_semaphore, #tpu.memory_space<semaphore_mem>>)
      tpu.wait_dma2 semaphore(%run_scoped3A : memref<!tpu.dma_semaphore, #tpu.memory_space<semaphore_mem>>) src(%arg3 : memref<16384xi32, #tpu.memory_space<hbm>>) dst(%arg5 : memref<16384xi32, #tpu.memory_space<vmem>>)
      tpu.yield
    }) : () -> ()
    %scan3A = arith.constant 0 : i32
    %scan3A_211 = arith.constant 0 : i32
    %scan3A_212 = arith.constant 1024 : i32
    %scan3A_213 = arith.addi %scan3A_211, %scan3A_212 : i32
    %scan3A_214 = arith.constant 1 : i32
    %scan3A_215 = scf.for %scan3A_431 = %scan3A_211 to %scan3A_213 step %scan3A_214 iter_args(%scan3A_432 = %scan3A) -> (i32)  : i32 {
      %mul3A_433 = arith.constant 16 : i32
      %mul3A_434 = arith.muli %scan3A_431, %mul3A_433 : i32
      %get3A = arith.index_cast %mul3A_434 : i32 to index
      %get3A_435 = tpu.vector_load %arg5[%get3A] {strides = array<i32>} : memref<16384xi32, #tpu.memory_space<vmem>>, vector<16xi32>,
      %shift_right_arithmetic3A = arith.constant 7 : i32
      %shift_right_arithmetic3A_436 = vector.broadcast %shift_right_arithmetic3A : i32 to vector<16xi32>
      %shift_right_arithmetic3A_437 = arith.shrsi %get3A_435, %shift_right_arithmetic3A_436 : vector<16xi32>
      %sub3A_438 = vector.broadcast %add3A_4 : i32 to vector<16xi32>
      %sub3A_439 = arith.subi %shift_right_arithmetic3A_437, %sub3A_438 : vector<16xi32>
      %lt3A_440 = vector.broadcast %add3A_7 : i32 to vector<16xi32>
      %lt3A_441 = arith.cmpi ult, %sub3A_439, %lt3A_440 : vector<16xi32>
      %mul3A_442 = arith.constant 128 : i32
      %mul3A_443 = arith.muli %add3A_4, %mul3A_442 : i32
      %sub3A_444 = vector.broadcast %mul3A_443 : i32 to vector<16xi32>
      %sub3A_445 = arith.subi %get3A_435, %sub3A_444 : vector<16xi32>
      %shift_left3A = arith.constant 14 : i32
      %shift_left3A_446 = vector.broadcast %shift_left3A : i32 to vector<16xi32>
      %shift_left3A_447 = arith.shli %sub3A_445, %shift_left3A_446 : vector<16xi32>
      %mul3A_448 = arith.constant 16 : i32
      %mul3A_449 = arith.muli %scan3A_431, %mul3A_448 : i32
      %add3A_450 = vector.broadcast %mul3A_449 : i32 to vector<16xi32>
      %add3A_451 = arith.addi %add3A_450, %iota3A : vector<16xi32>
      %or3A = arith.ori %shift_left3A_447, %add3A_451 : vector<16xi32>
      %swap3A = arith.index_cast %scan3A_432 : i32 to index
      %swap3A_452 = tpu.vector_load %arg6[%swap3A] masked %lt3A_441 {strides = array<i32>} : memref<16400xi32, #tpu.memory_space<vmem>>, vector<16xi32>, vector<16xi1>
      tpu.vector_store %arg6[%swap3A], %or3A masked %lt3A_441 {strides = array<i32>} : memref<16400xi32, #tpu.memory_space<vmem>>, vector<16xi32>, vector<16xi1>
      %all_reduce_population_count3A = tpu.all_reduce %lt3A_441 {dim = 0 : i64, kind = #tpu.reduction_kind<sum>} : vector<16xi1> -> vector<16xi32>
      %slice3A = vector.extract_strided_slice %all_reduce_population_count3A {offsets = [0], sizes = [1], strides = [1]} : vector<16xi32> to vector<1xi32>
      %squeeze3A = vector.extract %slice3A[0] : i32 from vector<1xi32>
      %add3A_453 = arith.addi %scan3A_432, %squeeze3A : i32
      scf.yield %add3A_453 : i32
    }
    %scan3A_216 = arith.constant 1024 : i32
    %add3A_217 = arith.constant 16 : i32
    %add3A_218 = arith.addi %scan3A_215, %add3A_217 : i32
    %sub3A_219 = arith.constant 1 : i32
    %sub3A_220 = arith.subi %add3A_218, %sub3A_219 : i32
    %div3A = arith.constant 16 : i32
    %div3A_221 = arith.divsi %sub3A_220, %div3A : i32
    %add3A_222 = arith.constant 0 : i32
    %add3A_223 = vector.broadcast %add3A_222 : i32 to vector<16xi32>
    %add3A_224 = arith.addi %iota3A, %add3A_223 : vector<16xi32>
    %add3A_225 = arith.constant 16 : i32
    %add3A_226 = vector.broadcast %add3A_225 : i32 to vector<16xi32>
    %add3A_227 = arith.addi %iota3A, %add3A_226 : vector<16xi32>
    %add3A_228 = arith.constant 32 : i32
    %add3A_229 = vector.broadcast %add3A_228 : i32 to vector<16xi32>
    %add3A_230 = arith.addi %iota3A, %add3A_229 : vector<16xi32>
    %add3A_231 = arith.constant 48 : i32
    %add3A_232 = vector.broadcast %add3A_231 : i32 to vector<16xi32>
    %add3A_233 = arith.addi %iota3A, %add3A_232 : vector<16xi32>
    %scan3A_234 = arith.constant 0 : i32
    %scan3A_235 = arith.constant 0 : i32
    %scan3A_236 = arith.constant 31 : i32
    %scan3A_237 = arith.addi %scan3A_235, %scan3A_236 : i32
    %scan3A_238 = arith.constant 1 : i32
    scf.for %scan3A_431 = %scan3A_235 to %scan3A_237 step %scan3A_238  : i32 {
      %dma_wait3A_432 = arith.constant 0 : i32
      %dma_wait3A_433 = arith.constant 0 : i32
      %dma_wait3A_434 = tpu.memref_slice %arg8[%dma_wait3A_432, %dma_wait3A_433] : memref<64x512xf32, #tpu.memory_space<vmem>> -> memref<8x512xf32, #tpu.memory_space<vmem>>
      %dma_wait3A_435 = arith.constant 0 : i32
      %dma_wait3A_436 = arith.constant 0 : i32
      %dma_wait3A_437 = tpu.memref_slice %arg2[%dma_wait3A_435, %dma_wait3A_436] : memref<64x1000000xf32, #tpu.memory_space<hbm>> -> memref<8x512xf32, #tpu.memory_space<hbm>>
      %dma_wait3A_438 = arith.constant 0 : i32
      %dma_wait3A_439 = arith.constant 0 : i32
      %dma_wait3A_440 = tpu.memref_slice %arg8[%dma_wait3A_438, %dma_wait3A_439] : memref<64x512xf32, #tpu.memory_space<vmem>> -> memref<8x512xf32, #tpu.memory_space<vmem>>
      %dma_wait3A_441 = arith.constant 0 : i32
      %dma_wait3A_442 = arith.constant 0 : i32
      %dma_wait3A_443 = tpu.memref_slice %arg2[%dma_wait3A_441, %dma_wait3A_442] : memref<64x1000000xf32, #tpu.memory_space<hbm>> -> memref<8x512xf32, #tpu.memory_space<hbm>>
      tpu.wait_dma2 semaphore(%arg11 : memref<!tpu.dma_semaphore, #tpu.memory_space<semaphore_mem>>) src(%dma_wait3A_443 : memref<8x512xf32, #tpu.memory_space<hbm>>) dst(%dma_wait3A_440 : memref<8x512xf32, #tpu.memory_space<vmem>>)
      %dma_wait3A_444 = arith.constant 8 : i32
      %dma_wait3A_445 = arith.constant 0 : i32
      %dma_wait3A_446 = tpu.memref_slice %arg8[%dma_wait3A_444, %dma_wait3A_445] : memref<64x512xf32, #tpu.memory_space<vmem>> -> memref<8x512xf32, #tpu.memory_space<vmem>>
      %dma_wait3A_447 = arith.constant 8 : i32
      %dma_wait3A_448 = arith.constant 0 : i32
      %dma_wait3A_449 = tpu.memref_slice %arg2[%dma_wait3A_447, %dma_wait3A_448] : memref<64x1000000xf32, #tpu.memory_space<hbm>> -> memref<8x512xf32, #tpu.memory_space<hbm>>
      %dma_wait3A_450 = arith.constant 8 : i32
      %dma_wait3A_451 = arith.constant 0 : i32
      %dma_wait3A_452 = tpu.memref_slice %arg8[%dma_wait3A_450, %dma_wait3A_451] : memref<64x512xf32, #tpu.memory_space<vmem>> -> memref<8x512xf32, #tpu.memory_space<vmem>>
      %dma_wait3A_453 = arith.constant 8 : i32
      %dma_wait3A_454 = arith.constant 0 : i32
      %dma_wait3A_455 = tpu.memref_slice %arg2[%dma_wait3A_453, %dma_wait3A_454] : memref<64x1000000xf32, #tpu.memory_space<hbm>> -> memref<8x512xf32, #tpu.memory_space<hbm>>
      tpu.wait_dma2 semaphore(%arg11 : memref<!tpu.dma_semaphore, #tpu.memory_space<semaphore_mem>>) src(%dma_wait3A_455 : memref<8x512xf32, #tpu.memory_space<hbm>>) dst(%dma_wait3A_452 : memref<8x512xf32, #tpu.memory_space<vmem>>)
      %dma_wait3A_456 = arith.constant 16 : i32
      %dma_wait3A_457 = arith.constant 0 : i32
      %dma_wait3A_458 = tpu.memref_slice %arg8[%dma_wait3A_456, %dma_wait3A_457] : memref<64x512xf32, #tpu.memory_space<vmem>> -> memref<8x512xf32, #tpu.memory_space<vmem>>
      %dma_wait3A_459 = arith.constant 16 : i32
      %dma_wait3A_460 = arith.constant 0 : i32
      %dma_wait3A_461 = tpu.memref_slice %arg2[%dma_wait3A_459, %dma_wait3A_460] : memref<64x1000000xf32, #tpu.memory_space<hbm>> -> memref<8x512xf32, #tpu.memory_space<hbm>>
      %dma_wait3A_462 = arith.constant 16 : i32
      %dma_wait3A_463 = arith.constant 0 : i32
      %dma_wait3A_464 = tpu.memref_slice %arg8[%dma_wait3A_462, %dma_wait3A_463] : memref<64x512xf32, #tpu.memory_space<vmem>> -> memref<8x512xf32, #tpu.memory_space<vmem>>
      %dma_wait3A_465 = arith.constant 16 : i32
      %dma_wait3A_466 = arith.constant 0 : i32
      %dma_wait3A_467 = tpu.memref_slice %arg2[%dma_wait3A_465, %dma_wait3A_466] : memref<64x1000000xf32, #tpu.memory_space<hbm>> -> memref<8x512xf32, #tpu.memory_space<hbm>>
      tpu.wait_dma2 semaphore(%arg11 : memref<!tpu.dma_semaphore, #tpu.memory_space<semaphore_mem>>) src(%dma_wait3A_467 : memref<8x512xf32, #tpu.memory_space<hbm>>) dst(%dma_wait3A_464 : memref<8x512xf32, #tpu.memory_space<vmem>>)
      %dma_wait3A_468 = arith.constant 24 : i32
      %dma_wait3A_469 = arith.constant 0 : i32
      %dma_wait3A_470 = tpu.memref_slice %arg8[%dma_wait3A_468, %dma_wait3A_469] : memref<64x512xf32, #tpu.memory_space<vmem>> -> memref<8x512xf32, #tpu.memory_space<vmem>>
      %dma_wait3A_471 = arith.constant 24 : i32
      %dma_wait3A_472 = arith.constant 0 : i32
      %dma_wait3A_473 = tpu.memref_slice %arg2[%dma_wait3A_471, %dma_wait3A_472] : memref<64x1000000xf32, #tpu.memory_space<hbm>> -> memref<8x512xf32, #tpu.memory_space<hbm>>
      %dma_wait3A_474 = arith.constant 24 : i32
      %dma_wait3A_475 = arith.constant 0 : i32
      %dma_wait3A_476 = tpu.memref_slice %arg8[%dma_wait3A_474, %dma_wait3A_475] : memref<64x512xf32, #tpu.memory_space<vmem>> -> memref<8x512xf32, #tpu.memory_space<vmem>>
      %dma_wait3A_477 = arith.constant 24 : i32
      %dma_wait3A_478 = arith.constant 0 : i32
      %dma_wait3A_479 = tpu.memref_slice %arg2[%dma_wait3A_477, %dma_wait3A_478] : memref<64x1000000xf32, #tpu.memory_space<hbm>> -> memref<8x512xf32, #tpu.memory_space<hbm>>
      tpu.wait_dma2 semaphore(%arg11 : memref<!tpu.dma_semaphore, #tpu.memory_space<semaphore_mem>>) src(%dma_wait3A_479 : memref<8x512xf32, #tpu.memory_space<hbm>>) dst(%dma_wait3A_476 : memref<8x512xf32, #tpu.memory_space<vmem>>)
      %dma_wait3A_480 = arith.constant 32 : i32
      %dma_wait3A_481 = arith.constant 0 : i32
      %dma_wait3A_482 = tpu.memref_slice %arg8[%dma_wait3A_480, %dma_wait3A_481] : memref<64x512xf32, #tpu.memory_space<vmem>> -> memref<8x512xf32, #tpu.memory_space<vmem>>
      %dma_wait3A_483 = arith.constant 32 : i32
      %dma_wait3A_484 = arith.constant 0 : i32
      %dma_wait3A_485 = tpu.memref_slice %arg2[%dma_wait3A_483, %dma_wait3A_484] : memref<64x1000000xf32, #tpu.memory_space<hbm>> -> memref<8x512xf32, #tpu.memory_space<hbm>>
      %dma_wait3A_486 = arith.constant 32 : i32
      %dma_wait3A_487 = arith.constant 0 : i32
      %dma_wait3A_488 = tpu.memref_slice %arg8[%dma_wait3A_486, %dma_wait3A_487] : memref<64x512xf32, #tpu.memory_space<vmem>> -> memref<8x512xf32, #tpu.memory_space<vmem>>
      %dma_wait3A_489 = arith.constant 32 : i32
      %dma_wait3A_490 = arith.constant 0 : i32
      %dma_wait3A_491 = tpu.memref_slice %arg2[%dma_wait3A_489, %dma_wait3A_490] : memref<64x1000000xf32, #tpu.memory_space<hbm>> -> memref<8x512xf32, #tpu.memory_space<hbm>>
      tpu.wait_dma2 semaphore(%arg11 : memref<!tpu.dma_semaphore, #tpu.memory_space<semaphore_mem>>) src(%dma_wait3A_491 : memref<8x512xf32, #tpu.memory_space<hbm>>) dst(%dma_wait3A_488 : memref<8x512xf32, #tpu.memory_space<vmem>>)
      %dma_wait3A_492 = arith.constant 40 : i32
      %dma_wait3A_493 = arith.constant 0 : i32
      %dma_wait3A_494 = tpu.memref_slice %arg8[%dma_wait3A_492, %dma_wait3A_493] : memref<64x512xf32, #tpu.memory_space<vmem>> -> memref<8x512xf32, #tpu.memory_space<vmem>>
      %dma_wait3A_495 = arith.constant 40 : i32
      %dma_wait3A_496 = arith.constant 0 : i32
      %dma_wait3A_497 = tpu.memref_slice %arg2[%dma_wait3A_495, %dma_wait3A_496] : memref<64x1000000xf32, #tpu.memory_space<hbm>> -> memref<8x512xf32, #tpu.memory_space<hbm>>
      %dma_wait3A_498 = arith.constant 40 : i32
      %dma_wait3A_499 = arith.constant 0 : i32
      %dma_wait3A_500 = tpu.memref_slice %arg8[%dma_wait3A_498, %dma_wait3A_499] : memref<64x512xf32, #tpu.memory_space<vmem>> -> memref<8x512xf32, #tpu.memory_space<vmem>>
      %dma_wait3A_501 = arith.constant 40 : i32
      %dma_wait3A_502 = arith.constant 0 : i32
      %dma_wait3A_503 = tpu.memref_slice %arg2[%dma_wait3A_501, %dma_wait3A_502] : memref<64x1000000xf32, #tpu.memory_space<hbm>> -> memref<8x512xf32, #tpu.memory_space<hbm>>
      tpu.wait_dma2 semaphore(%arg11 : memref<!tpu.dma_semaphore, #tpu.memory_space<semaphore_mem>>) src(%dma_wait3A_503 : memref<8x512xf32, #tpu.memory_space<hbm>>) dst(%dma_wait3A_500 : memref<8x512xf32, #tpu.memory_space<vmem>>)
      %dma_wait3A_504 = arith.constant 48 : i32
      %dma_wait3A_505 = arith.constant 0 : i32
      %dma_wait3A_506 = tpu.memref_slice %arg8[%dma_wait3A_504, %dma_wait3A_505] : memref<64x512xf32, #tpu.memory_space<vmem>> -> memref<8x512xf32, #tpu.memory_space<vmem>>
      %dma_wait3A_507 = arith.constant 48 : i32
      %dma_wait3A_508 = arith.constant 0 : i32
      %dma_wait3A_509 = tpu.memref_slice %arg2[%dma_wait3A_507, %dma_wait3A_508] : memref<64x1000000xf32, #tpu.memory_space<hbm>> -> memref<8x512xf32, #tpu.memory_space<hbm>>
      %dma_wait3A_510 = arith.constant 48 : i32
      %dma_wait3A_511 = arith.constant 0 : i32
      %dma_wait3A_512 = tpu.memref_slice %arg8[%dma_wait3A_510, %dma_wait3A_511] : memref<64x512xf32, #tpu.memory_space<vmem>> -> memref<8x512xf32, #tpu.memory_space<vmem>>
      %dma_wait3A_513 = arith.constant 48 : i32
      %dma_wait3A_514 = arith.constant 0 : i32
      %dma_wait3A_515 = tpu.memref_slice %arg2[%dma_wait3A_513, %dma_wait3A_514] : memref<64x1000000xf32, #tpu.memory_space<hbm>> -> memref<8x512xf32, #tpu.memory_space<hbm>>
      tpu.wait_dma2 semaphore(%arg11 : memref<!tpu.dma_semaphore, #tpu.memory_space<semaphore_mem>>) src(%dma_wait3A_515 : memref<8x512xf32, #tpu.memory_space<hbm>>) dst(%dma_wait3A_512 : memref<8x512xf32, #tpu.memory_space<vmem>>)
      %dma_wait3A_516 = arith.constant 56 : i32
      %dma_wait3A_517 = arith.constant 0 : i32
      %dma_wait3A_518 = tpu.memref_slice %arg8[%dma_wait3A_516, %dma_wait3A_517] : memref<64x512xf32, #tpu.memory_space<vmem>> -> memref<8x512xf32, #tpu.memory_space<vmem>>
      %dma_wait3A_519 = arith.constant 56 : i32
      %dma_wait3A_520 = arith.constant 0 : i32
      %dma_wait3A_521 = tpu.memref_slice %arg2[%dma_wait3A_519, %dma_wait3A_520] : memref<64x1000000xf32, #tpu.memory_space<hbm>> -> memref<8x512xf32, #tpu.memory_space<hbm>>
      %dma_wait3A_522 = arith.constant 56 : i32
      %dma_wait3A_523 = arith.constant 0 : i32
      %dma_wait3A_524 = tpu.memref_slice %arg8[%dma_wait3A_522, %dma_wait3A_523] : memref<64x512xf32, #tpu.memory_space<vmem>> -> memref<8x512xf32, #tpu.memory_space<vmem>>
      %dma_wait3A_525 = arith.constant 56 : i32
      %dma_wait3A_526 = arith.constant 0 : i32
      %dma_wait3A_527 = tpu.memref_slice %arg2[%dma_wait3A_525, %dma_wait3A_526] : memref<64x1000000xf32, #tpu.memory_space<hbm>> -> memref<8x512xf32, #tpu.memory_space<hbm>>
      tpu.wait_dma2 semaphore(%arg11 : memref<!tpu.dma_semaphore, #tpu.memory_space<semaphore_mem>>) src(%dma_wait3A_527 : memref<8x512xf32, #tpu.memory_space<hbm>>) dst(%dma_wait3A_524 : memref<8x512xf32, #tpu.memory_space<vmem>>)
      %mul3A_528 = arith.constant 2 : i32
      %mul3A_529 = arith.muli %mul3A_528, %scan3A_431 : i32
      %mul3A_530 = arith.constant 4 : i32
      %mul3A_531 = arith.muli %mul3A_529, %mul3A_530 : i32
      %add3A_532 = arith.addi %add3A_4, %mul3A_531 : i32
      %sub3A_533 = arith.constant 4 : i32
      %sub3A_534 = arith.subi %add3A_8, %sub3A_533 : i32
      %min3A_535 = arith.minsi %add3A_532, %sub3A_534 : i32
      %sub3A_536 = arith.subi %min3A_535, %add3A_4 : i32
      %mul3A_537 = arith.constant 128 : i32
      %mul3A_538 = arith.muli %sub3A_536, %mul3A_537 : i32
      %mul3A_539 = arith.constant 512 : i32
      %mul3A_540 = arith.muli %mul3A_529, %mul3A_539 : i32
      %add3A_541 = arith.constant 512 : i32
      %add3A_542 = arith.addi %mul3A_540, %add3A_541 : i32
      %min3A_543 = arith.minsi %add3A_542, %mul3A_10 : i32
      %while3A = arith.constant 0 : i32
      %while3A_544 = arith.constant 0 : i32
      %while3A_545 = arith.subi %div3A_221, %while3A : i32
      %while3A_546 = arith.addi %while3A, %while3A_545 : i32
      %while3A_547 = arith.constant 1 : i32
      %while3A_548 = arith.divsi %while3A_545, %while3A_547 : i32
      %while3A_549 = arith.muli %while3A_548, %while3A_547 : i32
      %while3A_550 = arith.addi %while3A, %while3A_549 : i32
      %while3A_551 = arith.constant 1 : i32
      %while3A_552 = scf.for %while3A_929 = %while3A to %while3A_550 step %while3A_551 iter_args(%while3A_930 = %while3A_544) -> (i32)  : i32 {
        %mul3A_931 = arith.constant 16 : i32
        %mul3A_932 = arith.muli %while3A_929, %mul3A_931 : i32
        %get3A = arith.index_cast %mul3A_932 : i32 to index
        %get3A_933 = tpu.vector_load %arg6[%get3A] {strides = array<i32>} : memref<16400xi32, #tpu.memory_space<vmem>>, vector<16xi32>,
        %shift_right_arithmetic3A = arith.constant 14 : i32
        %shift_right_arithmetic3A_934 = vector.broadcast %shift_right_arithmetic3A : i32 to vector<16xi32>
        %shift_right_arithmetic3A_935 = arith.shrsi %get3A_933, %shift_right_arithmetic3A_934 : vector<16xi32>
        %ge3A = vector.broadcast %mul3A_540 : i32 to vector<16xi32>
        %ge3A_936 = arith.cmpi sge, %shift_right_arithmetic3A_935, %ge3A : vector<16xi32>
        %lt3A_937 = vector.broadcast %min3A_543 : i32 to vector<16xi32>
        %lt3A_938 = arith.cmpi slt, %shift_right_arithmetic3A_935, %lt3A_937 : vector<16xi32>
        %and3A = arith.andi %ge3A_936, %lt3A_938 : vector<16xi1>
        %mul3A_939 = arith.constant 16 : i32
        %mul3A_940 = arith.muli %while3A_929, %mul3A_939 : i32
        %add3A_941 = vector.broadcast %mul3A_940 : i32 to vector<16xi32>
        %add3A_942 = arith.addi %add3A_941, %iota3A : vector<16xi32>
        %lt3A_943 = vector.broadcast %scan3A_215 : i32 to vector<16xi32>
        %lt3A_944 = arith.cmpi slt, %add3A_942, %lt3A_943 : vector<16xi32>
        %and3A_945 = arith.andi %and3A, %lt3A_944 : vector<16xi1>
        %swap3A = arith.index_cast %while3A_930 : i32 to index
        %swap3A_946 = tpu.vector_load %arg7[%swap3A] masked %and3A_945 {strides = array<i32>} : memref<16400xi32, #tpu.memory_space<vmem>>, vector<16xi32>, vector<16xi1>
        tpu.vector_store %arg7[%swap3A], %get3A_933 masked %and3A_945 {strides = array<i32>} : memref<16400xi32, #tpu.memory_space<vmem>>, vector<16xi32>, vector<16xi1>
        %all_reduce_population_count3A = tpu.all_reduce %and3A_945 {dim = 0 : i64, kind = #tpu.reduction_kind<sum>} : vector<16xi1> -> vector<16xi32>
        %slice3A = vector.extract_strided_slice %all_reduce_population_count3A {offsets = [0], sizes = [1], strides = [1]} : vector<16xi32> to vector<1xi32>
        %squeeze3A = vector.extract %slice3A[0] : i32 from vector<1xi32>
        %add3A_947 = arith.addi %while3A_930, %squeeze3A : i32
        scf.yield %add3A_947 : i32
      }
      %while3A_553 = arith.constant 1 : i32
      %while3A_554 = scf.for %while3A_929 = %while3A_550 to %while3A_546 step %while3A_553 iter_args(%while3A_930 = %while3A_552) -> (i32)  : i32 {
        %mul3A_931 = arith.constant 16 : i32
        %mul3A_932 = arith.muli %while3A_929, %mul3A_931 : i32
        %get3A = arith.index_cast %mul3A_932 : i32 to index
        %get3A_933 = tpu.vector_load %arg6[%get3A] {strides = array<i32>} : memref<16400xi32, #tpu.memory_space<vmem>>, vector<16xi32>,
        %shift_right_arithmetic3A = arith.constant 14 : i32
        %shift_right_arithmetic3A_934 = vector.broadcast %shift_right_arithmetic3A : i32 to vector<16xi32>
        %shift_right_arithmetic3A_935 = arith.shrsi %get3A_933, %shift_right_arithmetic3A_934 : vector<16xi32>
        %ge3A = vector.broadcast %mul3A_540 : i32 to vector<16xi32>
        %ge3A_936 = arith.cmpi sge, %shift_right_arithmetic3A_935, %ge3A : vector<16xi32>
        %lt3A_937 = vector.broadcast %min3A_543 : i32 to vector<16xi32>
        %lt3A_938 = arith.cmpi slt, %shift_right_arithmetic3A_935, %lt3A_937 : vector<16xi32>
        %and3A = arith.andi %ge3A_936, %lt3A_938 : vector<16xi1>
        %mul3A_939 = arith.constant 16 : i32
        %mul3A_940 = arith.muli %while3A_929, %mul3A_939 : i32
        %add3A_941 = vector.broadcast %mul3A_940 : i32 to vector<16xi32>
        %add3A_942 = arith.addi %add3A_941, %iota3A : vector<16xi32>
        %lt3A_943 = vector.broadcast %scan3A_215 : i32 to vector<16xi32>
        %lt3A_944 = arith.cmpi slt, %add3A_942, %lt3A_943 : vector<16xi32>
        %and3A_945 = arith.andi %and3A, %lt3A_944 : vector<16xi1>
        %swap3A = arith.index_cast %while3A_930 : i32 to index
        %swap3A_946 = tpu.vector_load %arg7[%swap3A] masked %and3A_945 {strides = array<i32>} : memref<16400xi32, #tpu.memory_space<vmem>>, vector<16xi32>, vector<16xi1>
        tpu.vector_store %arg7[%swap3A], %get3A_933 masked %and3A_945 {strides = array<i32>} : memref<16400xi32, #tpu.memory_space<vmem>>, vector<16xi32>, vector<16xi1>
        %all_reduce_population_count3A = tpu.all_reduce %and3A_945 {dim = 0 : i64, kind = #tpu.reduction_kind<sum>} : vector<16xi1> -> vector<16xi32>
        %slice3A = vector.extract_strided_slice %all_reduce_population_count3A {offsets = [0], sizes = [1], strides = [1]} : vector<16xi32> to vector<1xi32>
        %squeeze3A = vector.extract %slice3A[0] : i32 from vector<1xi32>
        %add3A_947 = arith.addi %while3A_930, %squeeze3A : i32
        scf.yield %add3A_947 : i32
      }
      %add3A_555 = arith.constant 64 : i32
      %add3A_556 = arith.addi %while3A_554, %add3A_555 : i32
      %sub3A_557 = arith.constant 1 : i32
      %sub3A_558 = arith.subi %add3A_556, %sub3A_557 : i32
      %div3A_559 = arith.constant 64 : i32
      %div3A_560 = arith.divsi %sub3A_558, %div3A_559 : i32
      %while3A_561 = arith.constant 0 : i32
      %while3A_562 = arith.constant 0 : i32
      %while3A_563 = arith.subi %div3A_560, %while3A_562 : i32
      %while3A_564 = arith.addi %while3A_562, %while3A_563 : i32
      %while3A_565 = arith.constant 1 : i32
      %while3A_566 = arith.divsi %while3A_563, %while3A_565 : i32
      %while3A_567 = arith.muli %while3A_566, %while3A_565 : i32
      %while3A_568 = arith.addi %while3A_562, %while3A_567 : i32
      %while3A_569 = arith.constant 1 : i32
      scf.for %while3A_929 = %while3A_562 to %while3A_568 step %while3A_569  : i32 {
        %mul3A_930 = arith.constant 64 : i32
        %mul3A_931 = arith.muli %while3A_929, %mul3A_930 : i32
        %sub3A_932 = arith.subi %while3A_554, %mul3A_931 : i32
        %min3A_933 = arith.constant 64 : i32
        %min3A_934 = arith.minsi %sub3A_932, %min3A_933 : i32
        %while3A_935 = arith.constant 0 : i32
        %while3A_936 = arith.constant 0 : i32
        %while3A_937 = arith.subi %min3A_934, %while3A_936 : i32
        %while3A_938 = arith.addi %while3A_936, %while3A_937 : i32
        %while3A_939 = arith.constant 1 : i32
        %while3A_940 = arith.divsi %while3A_937, %while3A_939 : i32
        %while3A_941 = arith.muli %while3A_940, %while3A_939 : i32
        %while3A_942 = arith.addi %while3A_936, %while3A_941 : i32
        %while3A_943 = arith.constant 1 : i32
        scf.for %while3A_965 = %while3A_936 to %while3A_942 step %while3A_943  : i32 {
          %mul3A_966 = arith.constant 64 : i32
          %mul3A_967 = arith.muli %while3A_929, %mul3A_966 : i32
          %add3A_968 = arith.addi %mul3A_967, %while3A_965 : i32
          %get3A = arith.index_cast %add3A_968 : i32 to index
          %get3A_969 = tpu.vector_load %arg7[%get3A] {strides = array<i32>} : memref<16400xi32, #tpu.memory_space<vmem>>, vector<16xi32>,
          %slice3A = vector.extract_strided_slice %get3A_969 {offsets = [0], sizes = [1], strides = [1]} : vector<16xi32> to vector<1xi32>
          %squeeze3A = vector.extract %slice3A[0] : i32 from vector<1xi32>
          %shift_right_arithmetic3A = arith.constant 14 : i32
          %shift_right_arithmetic3A_970 = arith.shrsi %squeeze3A, %shift_right_arithmetic3A : i32
          %sub3A_971 = arith.subi %shift_right_arithmetic3A_970, %mul3A_538 : i32
          %broadcast_in_dim3A = vector.broadcast %sub3A_971 : i32 to vector<16xi32>
          %gather3A = tpu.vector_load_idx %arg8[%add3A_224, %broadcast_in_dim3A] : memref<64x512xf32, #tpu.memory_space<vmem>>[vector<16xi32>, vector<16xi32>], vector<16xf32>,
          %mul3A_972 = arith.constant 8.000000e+00 : f32
          %mul3A_973 = vector.broadcast %mul3A_972 : f32 to vector<16xf32>
          %mul3A_974 = arith.mulf %gather3A, %mul3A_973 : vector<16xf32>
          %swap3A = arith.index_cast %while3A_965 : i32 to index
          %swap3A_975 = arith.constant 0 : index
          %swap3A_976 = tpu.vector_load %arg10[%swap3A, %swap3A_975] {strides = array<i32>} : memref<64x64xf32, #tpu.memory_space<vmem>>, vector<16xf32>,
          tpu.vector_store %arg10[%swap3A, %swap3A_975], %mul3A_974 {strides = array<i32>} : memref<64x64xf32, #tpu.memory_space<vmem>>, vector<16xf32>,
          %gather3A_977 = tpu.vector_load_idx %arg8[%add3A_227, %broadcast_in_dim3A] : memref<64x512xf32, #tpu.memory_space<vmem>>[vector<16xi32>, vector<16xi32>], vector<16xf32>,
          %mul3A_978 = arith.constant 8.000000e+00 : f32
          %mul3A_979 = vector.broadcast %mul3A_978 : f32 to vector<16xf32>
          %mul3A_980 = arith.mulf %gather3A_977, %mul3A_979 : vector<16xf32>
          %swap3A_981 = arith.index_cast %while3A_965 : i32 to index
          %swap3A_982 = arith.constant 16 : index
          %swap3A_983 = tpu.vector_load %arg10[%swap3A_981, %swap3A_982] {strides = array<i32>} : memref<64x64xf32, #tpu.memory_space<vmem>>, vector<16xf32>,
          tpu.vector_store %arg10[%swap3A_981, %swap3A_982], %mul3A_980 {strides = array<i32>} : memref<64x64xf32, #tpu.memory_space<vmem>>, vector<16xf32>,
          %gather3A_984 = tpu.vector_load_idx %arg8[%add3A_230, %broadcast_in_dim3A] : memref<64x512xf32, #tpu.memory_space<vmem>>[vector<16xi32>, vector<16xi32>], vector<16xf32>,
          %mul3A_985 = arith.constant 8.000000e+00 : f32
          %mul3A_986 = vector.broadcast %mul3A_985 : f32 to vector<16xf32>
          %mul3A_987 = arith.mulf %gather3A_984, %mul3A_986 : vector<16xf32>
          %swap3A_988 = arith.index_cast %while3A_965 : i32 to index
          %swap3A_989 = arith.constant 32 : index
          %swap3A_990 = tpu.vector_load %arg10[%swap3A_988, %swap3A_989] {strides = array<i32>} : memref<64x64xf32, #tpu.memory_space<vmem>>, vector<16xf32>,
          tpu.vector_store %arg10[%swap3A_988, %swap3A_989], %mul3A_987 {strides = array<i32>} : memref<64x64xf32, #tpu.memory_space<vmem>>, vector<16xf32>,
          %gather3A_991 = tpu.vector_load_idx %arg8[%add3A_233, %broadcast_in_dim3A] : memref<64x512xf32, #tpu.memory_space<vmem>>[vector<16xi32>, vector<16xi32>], vector<16xf32>,
          %mul3A_992 = arith.constant 8.000000e+00 : f32
          %mul3A_993 = vector.broadcast %mul3A_992 : f32 to vector<16xf32>
          %mul3A_994 = arith.mulf %gather3A_991, %mul3A_993 : vector<16xf32>
          %swap3A_995 = arith.index_cast %while3A_965 : i32 to index
          %swap3A_996 = arith.constant 48 : index
          %swap3A_997 = tpu.vector_load %arg10[%swap3A_995, %swap3A_996] {strides = array<i32>} : memref<64x64xf32, #tpu.memory_space<vmem>>, vector<16xf32>,
          tpu.vector_store %arg10[%swap3A_995, %swap3A_996], %mul3A_994 {strides = array<i32>} : memref<64x64xf32, #tpu.memory_space<vmem>>, vector<16xf32>,
        }
        %while3A_944 = arith.constant 1 : i32
        scf.for %while3A_965 = %while3A_942 to %while3A_938 step %while3A_944  : i32 {
          %mul3A_966 = arith.constant 64 : i32
          %mul3A_967 = arith.muli %while3A_929, %mul3A_966 : i32
          %add3A_968 = arith.addi %mul3A_967, %while3A_965 : i32
          %get3A = arith.index_cast %add3A_968 : i32 to index
          %get3A_969 = tpu.vector_load %arg7[%get3A] {strides = array<i32>} : memref<16400xi32, #tpu.memory_space<vmem>>, vector<16xi32>,
          %slice3A = vector.extract_strided_slice %get3A_969 {offsets = [0], sizes = [1], strides = [1]} : vector<16xi32> to vector<1xi32>
          %squeeze3A = vector.extract %slice3A[0] : i32 from vector<1xi32>
          %shift_right_arithmetic3A = arith.constant 14 : i32
          %shift_right_arithmetic3A_970 = arith.shrsi %squeeze3A, %shift_right_arithmetic3A : i32
          %sub3A_971 = arith.subi %shift_right_arithmetic3A_970, %mul3A_538 : i32
          %broadcast_in_dim3A = vector.broadcast %sub3A_971 : i32 to vector<16xi32>
          %gather3A = tpu.vector_load_idx %arg8[%add3A_224, %broadcast_in_dim3A] : memref<64x512xf32, #tpu.memory_space<vmem>>[vector<16xi32>, vector<16xi32>], vector<16xf32>,
          %mul3A_972 = arith.constant 8.000000e+00 : f32
          %mul3A_973 = vector.broadcast %mul3A_972 : f32 to vector<16xf32>
          %mul3A_974 = arith.mulf %gather3A, %mul3A_973 : vector<16xf32>
          %swap3A = arith.index_cast %while3A_965 : i32 to index
          %swap3A_975 = arith.constant 0 : index
          %swap3A_976 = tpu.vector_load %arg10[%swap3A, %swap3A_975] {strides = array<i32>} : memref<64x64xf32, #tpu.memory_space<vmem>>, vector<16xf32>,
          tpu.vector_store %arg10[%swap3A, %swap3A_975], %mul3A_974 {strides = array<i32>} : memref<64x64xf32, #tpu.memory_space<vmem>>, vector<16xf32>,
          %gather3A_977 = tpu.vector_load_idx %arg8[%add3A_227, %broadcast_in_dim3A] : memref<64x512xf32, #tpu.memory_space<vmem>>[vector<16xi32>, vector<16xi32>], vector<16xf32>,
          %mul3A_978 = arith.constant 8.000000e+00 : f32
          %mul3A_979 = vector.broadcast %mul3A_978 : f32 to vector<16xf32>
          %mul3A_980 = arith.mulf %gather3A_977, %mul3A_979 : vector<16xf32>
          %swap3A_981 = arith.index_cast %while3A_965 : i32 to index
          %swap3A_982 = arith.constant 16 : index
          %swap3A_983 = tpu.vector_load %arg10[%swap3A_981, %swap3A_982] {strides = array<i32>} : memref<64x64xf32, #tpu.memory_space<vmem>>, vector<16xf32>,
          tpu.vector_store %arg10[%swap3A_981, %swap3A_982], %mul3A_980 {strides = array<i32>} : memref<64x64xf32, #tpu.memory_space<vmem>>, vector<16xf32>,
          %gather3A_984 = tpu.vector_load_idx %arg8[%add3A_230, %broadcast_in_dim3A] : memref<64x512xf32, #tpu.memory_space<vmem>>[vector<16xi32>, vector<16xi32>], vector<16xf32>,
          %mul3A_985 = arith.constant 8.000000e+00 : f32
          %mul3A_986 = vector.broadcast %mul3A_985 : f32 to vector<16xf32>
          %mul3A_987 = arith.mulf %gather3A_984, %mul3A_986 : vector<16xf32>
          %swap3A_988 = arith.index_cast %while3A_965 : i32 to index
          %swap3A_989 = arith.constant 32 : index
          %swap3A_990 = tpu.vector_load %arg10[%swap3A_988, %swap3A_989] {strides = array<i32>} : memref<64x64xf32, #tpu.memory_space<vmem>>, vector<16xf32>,
          tpu.vector_store %arg10[%swap3A_988, %swap3A_989], %mul3A_987 {strides = array<i32>} : memref<64x64xf32, #tpu.memory_space<vmem>>, vector<16xf32>,
          %gather3A_991 = tpu.vector_load_idx %arg8[%add3A_233, %broadcast_in_dim3A] : memref<64x512xf32, #tpu.memory_space<vmem>>[vector<16xi32>, vector<16xi32>], vector<16xf32>,
          %mul3A_992 = arith.constant 8.000000e+00 : f32
          %mul3A_993 = vector.broadcast %mul3A_992 : f32 to vector<16xf32>
          %mul3A_994 = arith.mulf %gather3A_991, %mul3A_993 : vector<16xf32>
          %swap3A_995 = arith.index_cast %while3A_965 : i32 to index
          %swap3A_996 = arith.constant 48 : index
          %swap3A_997 = tpu.vector_load %arg10[%swap3A_995, %swap3A_996] {strides = array<i32>} : memref<64x64xf32, #tpu.memory_space<vmem>>, vector<16xf32>,
          tpu.vector_store %arg10[%swap3A_995, %swap3A_996], %mul3A_994 {strides = array<i32>} : memref<64x64xf32, #tpu.memory_space<vmem>>, vector<16xf32>,
        }
        %while3A_945 = arith.constant 0 : i32
        %while3A_946 = arith.constant 0 : i32
        %while3A_947 = arith.subi %min3A_934, %while3A_946 : i32
        %while3A_948 = arith.addi %while3A_946, %while3A_947 : i32
        %while3A_949 = arith.constant 1 : i32
        %while3A_950 = arith.divsi %while3A_947, %while3A_949 : i32
        %while3A_951 = arith.muli %while3A_950, %while3A_949 : i32
        %while3A_952 = arith.addi %while3A_946, %while3A_951 : i32
        %while3A_953 = arith.constant 1 : i32
        scf.for %while3A_965 = %while3A_946 to %while3A_952 step %while3A_953  : i32 {
          %mul3A_966 = arith.constant 64 : i32
          %mul3A_967 = arith.muli %while3A_929, %mul3A_966 : i32
          %add3A_968 = arith.addi %mul3A_967, %while3A_965 : i32
          %get3A = arith.index_cast %add3A_968 : i32 to index
          %get3A_969 = tpu.vector_load %arg7[%get3A] {strides = array<i32>} : memref<16400xi32, #tpu.memory_space<vmem>>, vector<16xi32>,
          %slice3A = vector.extract_strided_slice %get3A_969 {offsets = [0], sizes = [1], strides = [1]} : vector<16xi32> to vector<1xi32>
          %squeeze3A = vector.extract %slice3A[0] : i32 from vector<1xi32>
          %and3A = arith.constant 16383 : i32
          %and3A_970 = arith.andi %squeeze3A, %and3A : i32
          %dma_start3A_971 = arith.constant 0 : i32
          %dma_start3A_972 = tpu.memref_slice %arg10[%while3A_965, %dma_start3A_971] : memref<64x64xf32, #tpu.memory_space<vmem>> -> memref<1x64xf32, #tpu.memory_space<vmem>>
          %dma_start3A_973 = arith.constant 0 : i32
          %dma_start3A_974 = tpu.memref_slice %arg4[%and3A_970, %dma_start3A_973] : memref<16384x64xf32, #tpu.memory_space<hbm>> -> memref<1x64xf32, #tpu.memory_space<hbm>>
          %dma_start3A_975 = arith.constant 0 : i32
          %dma_start3A_976 = tpu.memref_slice %arg4[%and3A_970, %dma_start3A_975] : memref<16384x64xf32, #tpu.memory_space<hbm>> -> memref<1x64xf32, #tpu.memory_space<hbm>>
          %dma_start3A_977 = arith.constant 0 : i32
          %dma_start3A_978 = tpu.memref_slice %arg10[%while3A_965, %dma_start3A_977] : memref<64x64xf32, #tpu.memory_space<vmem>> -> memref<1x64xf32, #tpu.memory_space<vmem>>
          tpu.enqueue_dma source(%dma_start3A_978 : memref<1x64xf32, #tpu.memory_space<vmem>>) target(%dma_start3A_976 : memref<1x64xf32, #tpu.memory_space<hbm>>) target_semaphore(%arg13 : memref<!tpu.dma_semaphore, #tpu.memory_space<semaphore_mem>>)
        }
        %while3A_954 = arith.constant 1 : i32
        scf.for %while3A_965 = %while3A_952 to %while3A_948 step %while3A_954  : i32 {
          %mul3A_966 = arith.constant 64 : i32
          %mul3A_967 = arith.muli %while3A_929, %mul3A_966 : i32
          %add3A_968 = arith.addi %mul3A_967, %while3A_965 : i32
          %get3A = arith.index_cast %add3A_968 : i32 to index
          %get3A_969 = tpu.vector_load %arg7[%get3A] {strides = array<i32>} : memref<16400xi32, #tpu.memory_space<vmem>>, vector<16xi32>,
          %slice3A = vector.extract_strided_slice %get3A_969 {offsets = [0], sizes = [1], strides = [1]} : vector<16xi32> to vector<1xi32>
          %squeeze3A = vector.extract %slice3A[0] : i32 from vector<1xi32>
          %and3A = arith.constant 16383 : i32
          %and3A_970 = arith.andi %squeeze3A, %and3A : i32
          %dma_start3A_971 = arith.constant 0 : i32
          %dma_start3A_972 = tpu.memref_slice %arg10[%while3A_965, %dma_start3A_971] : memref<64x64xf32, #tpu.memory_space<vmem>> -> memref<1x64xf32, #tpu.memory_space<vmem>>
          %dma_start3A_973 = arith.constant 0 : i32
          %dma_start3A_974 = tpu.memref_slice %arg4[%and3A_970, %dma_start3A_973] : memref<16384x64xf32, #tpu.memory_space<hbm>> -> memref<1x64xf32, #tpu.memory_space<hbm>>
          %dma_start3A_975 = arith.constant 0 : i32
          %dma_start3A_976 = tpu.memref_slice %arg4[%and3A_970, %dma_start3A_975] : memref<16384x64xf32, #tpu.memory_space<hbm>> -> memref<1x64xf32, #tpu.memory_space<hbm>>
          %dma_start3A_977 = arith.constant 0 : i32
          %dma_start3A_978 = tpu.memref_slice %arg10[%while3A_965, %dma_start3A_977] : memref<64x64xf32, #tpu.memory_space<vmem>> -> memref<1x64xf32, #tpu.memory_space<vmem>>
          tpu.enqueue_dma source(%dma_start3A_978 : memref<1x64xf32, #tpu.memory_space<vmem>>) target(%dma_start3A_976 : memref<1x64xf32, #tpu.memory_space<hbm>>) target_semaphore(%arg13 : memref<!tpu.dma_semaphore, #tpu.memory_space<semaphore_mem>>)
        }
        %while3A_955 = arith.constant 0 : i32
        %while3A_956 = arith.constant 0 : i32
        %while3A_957 = arith.subi %min3A_934, %while3A_956 : i32
        %while3A_958 = arith.addi %while3A_956, %while3A_957 : i32
        %while3A_959 = arith.constant 1 : i32
        %while3A_960 = arith.divsi %while3A_957, %while3A_959 : i32
        %while3A_961 = arith.muli %while3A_960, %while3A_959 : i32
        %while3A_962 = arith.addi %while3A_956, %while3A_961 : i32
        %while3A_963 = arith.constant 1 : i32
        scf.for %while3A_965 = %while3A_956 to %while3A_962 step %while3A_963  : i32 {
          %dma_wait3A_966 = arith.constant 0 : i32
          %dma_wait3A_967 = arith.constant 0 : i32
          %dma_wait3A_968 = tpu.memref_slice %arg10[%dma_wait3A_966, %dma_wait3A_967] : memref<64x64xf32, #tpu.memory_space<vmem>> -> memref<1x64xf32, #tpu.memory_space<vmem>>
          %dma_wait3A_969 = arith.constant 0 : i32
          %dma_wait3A_970 = arith.constant 0 : i32
          %dma_wait3A_971 = tpu.memref_slice %arg4[%dma_wait3A_969, %dma_wait3A_970] : memref<16384x64xf32, #tpu.memory_space<hbm>> -> memref<1x64xf32, #tpu.memory_space<hbm>>
          %dma_wait3A_972 = arith.constant 0 : i32
          %dma_wait3A_973 = arith.constant 0 : i32
          %dma_wait3A_974 = tpu.memref_slice %arg4[%dma_wait3A_972, %dma_wait3A_973] : memref<16384x64xf32, #tpu.memory_space<hbm>> -> memref<1x64xf32, #tpu.memory_space<hbm>>
          %dma_wait3A_975 = arith.constant 0 : i32
          %dma_wait3A_976 = arith.constant 0 : i32
          %dma_wait3A_977 = tpu.memref_slice %arg10[%dma_wait3A_975, %dma_wait3A_976] : memref<64x64xf32, #tpu.memory_space<vmem>> -> memref<1x64xf32, #tpu.memory_space<vmem>>
          tpu.wait_dma2 semaphore(%arg13 : memref<!tpu.dma_semaphore, #tpu.memory_space<semaphore_mem>>) src(%dma_wait3A_977 : memref<1x64xf32, #tpu.memory_space<vmem>>) dst(%dma_wait3A_974 : memref<1x64xf32, #tpu.memory_space<hbm>>)
        }
        %while3A_964 = arith.constant 1 : i32
        scf.for %while3A_965 = %while3A_962 to %while3A_958 step %while3A_964  : i32 {
          %dma_wait3A_966 = arith.constant 0 : i32
          %dma_wait3A_967 = arith.constant 0 : i32
          %dma_wait3A_968 = tpu.memref_slice %arg10[%dma_wait3A_966, %dma_wait3A_967] : memref<64x64xf32, #tpu.memory_space<vmem>> -> memref<1x64xf32, #tpu.memory_space<vmem>>
          %dma_wait3A_969 = arith.constant 0 : i32
          %dma_wait3A_970 = arith.constant 0 : i32
          %dma_wait3A_971 = tpu.memref_slice %arg4[%dma_wait3A_969, %dma_wait3A_970] : memref<16384x64xf32, #tpu.memory_space<hbm>> -> memref<1x64xf32, #tpu.memory_space<hbm>>
          %dma_wait3A_972 = arith.constant 0 : i32
          %dma_wait3A_973 = arith.constant 0 : i32
          %dma_wait3A_974 = tpu.memref_slice %arg4[%dma_wait3A_972, %dma_wait3A_973] : memref<16384x64xf32, #tpu.memory_space<hbm>> -> memref<1x64xf32, #tpu.memory_space<hbm>>
          %dma_wait3A_975 = arith.constant 0 : i32
          %dma_wait3A_976 = arith.constant 0 : i32
          %dma_wait3A_977 = tpu.memref_slice %arg10[%dma_wait3A_975, %dma_wait3A_976] : memref<64x64xf32, #tpu.memory_space<vmem>> -> memref<1x64xf32, #tpu.memory_space<vmem>>
          tpu.wait_dma2 semaphore(%arg13 : memref<!tpu.dma_semaphore, #tpu.memory_space<semaphore_mem>>) src(%dma_wait3A_977 : memref<1x64xf32, #tpu.memory_space<vmem>>) dst(%dma_wait3A_974 : memref<1x64xf32, #tpu.memory_space<hbm>>)
        }
      }
      %while3A_570 = arith.constant 1 : i32
      scf.for %while3A_929 = %while3A_568 to %while3A_564 step %while3A_570  : i32 {
        %mul3A_930 = arith.constant 64 : i32
        %mul3A_931 = arith.muli %while3A_929, %mul3A_930 : i32
        %sub3A_932 = arith.subi %while3A_554, %mul3A_931 : i32
        %min3A_933 = arith.constant 64 : i32
        %min3A_934 = arith.minsi %sub3A_932, %min3A_933 : i32
        %while3A_935 = arith.constant 0 : i32
        %while3A_936 = arith.constant 0 : i32
        %while3A_937 = arith.subi %min3A_934, %while3A_936 : i32
        %while3A_938 = arith.addi %while3A_936, %while3A_937 : i32
        %while3A_939 = arith.constant 1 : i32
        %while3A_940 = arith.divsi %while3A_937, %while3A_939 : i32
        %while3A_941 = arith.muli %while3A_940, %while3A_939 : i32
        %while3A_942 = arith.addi %while3A_936, %while3A_941 : i32
        %while3A_943 = arith.constant 1 : i32
        scf.for %while3A_965 = %while3A_936 to %while3A_942 step %while3A_943  : i32 {
          %mul3A_966 = arith.constant 64 : i32
          %mul3A_967 = arith.muli %while3A_929, %mul3A_966 : i32
          %add3A_968 = arith.addi %mul3A_967, %while3A_965 : i32
          %get3A = arith.index_cast %add3A_968 : i32 to index
          %get3A_969 = tpu.vector_load %arg7[%get3A] {strides = array<i32>} : memref<16400xi32, #tpu.memory_space<vmem>>, vector<16xi32>,
          %slice3A = vector.extract_strided_slice %get3A_969 {offsets = [0], sizes = [1], strides = [1]} : vector<16xi32> to vector<1xi32>
          %squeeze3A = vector.extract %slice3A[0] : i32 from vector<1xi32>
          %shift_right_arithmetic3A = arith.constant 14 : i32
          %shift_right_arithmetic3A_970 = arith.shrsi %squeeze3A, %shift_right_arithmetic3A : i32
          %sub3A_971 = arith.subi %shift_right_arithmetic3A_970, %mul3A_538 : i32
          %broadcast_in_dim3A = vector.broadcast %sub3A_971 : i32 to vector<16xi32>
          %gather3A = tpu.vector_load_idx %arg8[%add3A_224, %broadcast_in_dim3A] : memref<64x512xf32, #tpu.memory_space<vmem>>[vector<16xi32>, vector<16xi32>], vector<16xf32>,
          %mul3A_972 = arith.constant 8.000000e+00 : f32
          %mul3A_973 = vector.broadcast %mul3A_972 : f32 to vector<16xf32>
          %mul3A_974 = arith.mulf %gather3A, %mul3A_973 : vector<16xf32>
          %swap3A = arith.index_cast %while3A_965 : i32 to index
          %swap3A_975 = arith.constant 0 : index
          %swap3A_976 = tpu.vector_load %arg10[%swap3A, %swap3A_975] {strides = array<i32>} : memref<64x64xf32, #tpu.memory_space<vmem>>, vector<16xf32>,
          tpu.vector_store %arg10[%swap3A, %swap3A_975], %mul3A_974 {strides = array<i32>} : memref<64x64xf32, #tpu.memory_space<vmem>>, vector<16xf32>,
          %gather3A_977 = tpu.vector_load_idx %arg8[%add3A_227, %broadcast_in_dim3A] : memref<64x512xf32, #tpu.memory_space<vmem>>[vector<16xi32>, vector<16xi32>], vector<16xf32>,
          %mul3A_978 = arith.constant 8.000000e+00 : f32
          %mul3A_979 = vector.broadcast %mul3A_978 : f32 to vector<16xf32>
          %mul3A_980 = arith.mulf %gather3A_977, %mul3A_979 : vector<16xf32>
          %swap3A_981 = arith.index_cast %while3A_965 : i32 to index
          %swap3A_982 = arith.constant 16 : index
          %swap3A_983 = tpu.vector_load %arg10[%swap3A_981, %swap3A_982] {strides = array<i32>} : memref<64x64xf32, #tpu.memory_space<vmem>>, vector<16xf32>,
          tpu.vector_store %arg10[%swap3A_981, %swap3A_982], %mul3A_980 {strides = array<i32>} : memref<64x64xf32, #tpu.memory_space<vmem>>, vector<16xf32>,
          %gather3A_984 = tpu.vector_load_idx %arg8[%add3A_230, %broadcast_in_dim3A] : memref<64x512xf32, #tpu.memory_space<vmem>>[vector<16xi32>, vector<16xi32>], vector<16xf32>,
          %mul3A_985 = arith.constant 8.000000e+00 : f32
          %mul3A_986 = vector.broadcast %mul3A_985 : f32 to vector<16xf32>
          %mul3A_987 = arith.mulf %gather3A_984, %mul3A_986 : vector<16xf32>
          %swap3A_988 = arith.index_cast %while3A_965 : i32 to index
          %swap3A_989 = arith.constant 32 : index
          %swap3A_990 = tpu.vector_load %arg10[%swap3A_988, %swap3A_989] {strides = array<i32>} : memref<64x64xf32, #tpu.memory_space<vmem>>, vector<16xf32>,
          tpu.vector_store %arg10[%swap3A_988, %swap3A_989], %mul3A_987 {strides = array<i32>} : memref<64x64xf32, #tpu.memory_space<vmem>>, vector<16xf32>,
          %gather3A_991 = tpu.vector_load_idx %arg8[%add3A_233, %broadcast_in_dim3A] : memref<64x512xf32, #tpu.memory_space<vmem>>[vector<16xi32>, vector<16xi32>], vector<16xf32>,
          %mul3A_992 = arith.constant 8.000000e+00 : f32
          %mul3A_993 = vector.broadcast %mul3A_992 : f32 to vector<16xf32>
          %mul3A_994 = arith.mulf %gather3A_991, %mul3A_993 : vector<16xf32>
          %swap3A_995 = arith.index_cast %while3A_965 : i32 to index
          %swap3A_996 = arith.constant 48 : index
          %swap3A_997 = tpu.vector_load %arg10[%swap3A_995, %swap3A_996] {strides = array<i32>} : memref<64x64xf32, #tpu.memory_space<vmem>>, vector<16xf32>,
          tpu.vector_store %arg10[%swap3A_995, %swap3A_996], %mul3A_994 {strides = array<i32>} : memref<64x64xf32, #tpu.memory_space<vmem>>, vector<16xf32>,
        }
        %while3A_944 = arith.constant 1 : i32
        scf.for %while3A_965 = %while3A_942 to %while3A_938 step %while3A_944  : i32 {
          %mul3A_966 = arith.constant 64 : i32
          %mul3A_967 = arith.muli %while3A_929, %mul3A_966 : i32
          %add3A_968 = arith.addi %mul3A_967, %while3A_965 : i32
          %get3A = arith.index_cast %add3A_968 : i32 to index
          %get3A_969 = tpu.vector_load %arg7[%get3A] {strides = array<i32>} : memref<16400xi32, #tpu.memory_space<vmem>>, vector<16xi32>,
          %slice3A = vector.extract_strided_slice %get3A_969 {offsets = [0], sizes = [1], strides = [1]} : vector<16xi32> to vector<1xi32>
          %squeeze3A = vector.extract %slice3A[0] : i32 from vector<1xi32>
          %shift_right_arithmetic3A = arith.constant 14 : i32
          %shift_right_arithmetic3A_970 = arith.shrsi %squeeze3A, %shift_right_arithmetic3A : i32
          %sub3A_971 = arith.subi %shift_right_arithmetic3A_970, %mul3A_538 : i32
          %broadcast_in_dim3A = vector.broadcast %sub3A_971 : i32 to vector<16xi32>
          %gather3A = tpu.vector_load_idx %arg8[%add3A_224, %broadcast_in_dim3A] : memref<64x512xf32, #tpu.memory_space<vmem>>[vector<16xi32>, vector<16xi32>], vector<16xf32>,
          %mul3A_972 = arith.constant 8.000000e+00 : f32
          %mul3A_973 = vector.broadcast %mul3A_972 : f32 to vector<16xf32>
          %mul3A_974 = arith.mulf %gather3A, %mul3A_973 : vector<16xf32>
          %swap3A = arith.index_cast %while3A_965 : i32 to index
          %swap3A_975 = arith.constant 0 : index
          %swap3A_976 = tpu.vector_load %arg10[%swap3A, %swap3A_975] {strides = array<i32>} : memref<64x64xf32, #tpu.memory_space<vmem>>, vector<16xf32>,
          tpu.vector_store %arg10[%swap3A, %swap3A_975], %mul3A_974 {strides = array<i32>} : memref<64x64xf32, #tpu.memory_space<vmem>>, vector<16xf32>,
          %gather3A_977 = tpu.vector_load_idx %arg8[%add3A_227, %broadcast_in_dim3A] : memref<64x512xf32, #tpu.memory_space<vmem>>[vector<16xi32>, vector<16xi32>], vector<16xf32>,
          %mul3A_978 = arith.constant 8.000000e+00 : f32
          %mul3A_979 = vector.broadcast %mul3A_978 : f32 to vector<16xf32>
          %mul3A_980 = arith.mulf %gather3A_977, %mul3A_979 : vector<16xf32>
          %swap3A_981 = arith.index_cast %while3A_965 : i32 to index
          %swap3A_982 = arith.constant 16 : index
          %swap3A_983 = tpu.vector_load %arg10[%swap3A_981, %swap3A_982] {strides = array<i32>} : memref<64x64xf32, #tpu.memory_space<vmem>>, vector<16xf32>,
          tpu.vector_store %arg10[%swap3A_981, %swap3A_982], %mul3A_980 {strides = array<i32>} : memref<64x64xf32, #tpu.memory_space<vmem>>, vector<16xf32>,
          %gather3A_984 = tpu.vector_load_idx %arg8[%add3A_230, %broadcast_in_dim3A] : memref<64x512xf32, #tpu.memory_space<vmem>>[vector<16xi32>, vector<16xi32>], vector<16xf32>,
          %mul3A_985 = arith.constant 8.000000e+00 : f32
          %mul3A_986 = vector.broadcast %mul3A_985 : f32 to vector<16xf32>
          %mul3A_987 = arith.mulf %gather3A_984, %mul3A_986 : vector<16xf32>
          %swap3A_988 = arith.index_cast %while3A_965 : i32 to index
          %swap3A_989 = arith.constant 32 : index
          %swap3A_990 = tpu.vector_load %arg10[%swap3A_988, %swap3A_989] {strides = array<i32>} : memref<64x64xf32, #tpu.memory_space<vmem>>, vector<16xf32>,
          tpu.vector_store %arg10[%swap3A_988, %swap3A_989], %mul3A_987 {strides = array<i32>} : memref<64x64xf32, #tpu.memory_space<vmem>>, vector<16xf32>,
          %gather3A_991 = tpu.vector_load_idx %arg8[%add3A_233, %broadcast_in_dim3A] : memref<64x512xf32, #tpu.memory_space<vmem>>[vector<16xi32>, vector<16xi32>], vector<16xf32>,
          %mul3A_992 = arith.constant 8.000000e+00 : f32
          %mul3A_993 = vector.broadcast %mul3A_992 : f32 to vector<16xf32>
          %mul3A_994 = arith.mulf %gather3A_991, %mul3A_993 : vector<16xf32>
          %swap3A_995 = arith.index_cast %while3A_965 : i32 to index
          %swap3A_996 = arith.constant 48 : index
          %swap3A_997 = tpu.vector_load %arg10[%swap3A_995, %swap3A_996] {strides = array<i32>} : memref<64x64xf32, #tpu.memory_space<vmem>>, vector<16xf32>,
          tpu.vector_store %arg10[%swap3A_995, %swap3A_996], %mul3A_994 {strides = array<i32>} : memref<64x64xf32, #tpu.memory_space<vmem>>, vector<16xf32>,
        }
        %while3A_945 = arith.constant 0 : i32
        %while3A_946 = arith.constant 0 : i32
        %while3A_947 = arith.subi %min3A_934, %while3A_946 : i32
        %while3A_948 = arith.addi %while3A_946, %while3A_947 : i32
        %while3A_949 = arith.constant 1 : i32
        %while3A_950 = arith.divsi %while3A_947, %while3A_949 : i32
        %while3A_951 = arith.muli %while3A_950, %while3A_949 : i32
        %while3A_952 = arith.addi %while3A_946, %while3A_951 : i32
        %while3A_953 = arith.constant 1 : i32
        scf.for %while3A_965 = %while3A_946 to %while3A_952 step %while3A_953  : i32 {
          %mul3A_966 = arith.constant 64 : i32
          %mul3A_967 = arith.muli %while3A_929, %mul3A_966 : i32
          %add3A_968 = arith.addi %mul3A_967, %while3A_965 : i32
          %get3A = arith.index_cast %add3A_968 : i32 to index
          %get3A_969 = tpu.vector_load %arg7[%get3A] {strides = array<i32>} : memref<16400xi32, #tpu.memory_space<vmem>>, vector<16xi32>,
          %slice3A = vector.extract_strided_slice %get3A_969 {offsets = [0], sizes = [1], strides = [1]} : vector<16xi32> to vector<1xi32>
          %squeeze3A = vector.extract %slice3A[0] : i32 from vector<1xi32>
          %and3A = arith.constant 16383 : i32
          %and3A_970 = arith.andi %squeeze3A, %and3A : i32
          %dma_start3A_971 = arith.constant 0 : i32
          %dma_start3A_972 = tpu.memref_slice %arg10[%while3A_965, %dma_start3A_971] : memref<64x64xf32, #tpu.memory_space<vmem>> -> memref<1x64xf32, #tpu.memory_space<vmem>>
          %dma_start3A_973 = arith.constant 0 : i32
          %dma_start3A_974 = tpu.memref_slice %arg4[%and3A_970, %dma_start3A_973] : memref<16384x64xf32, #tpu.memory_space<hbm>> -> memref<1x64xf32, #tpu.memory_space<hbm>>
          %dma_start3A_975 = arith.constant 0 : i32
          %dma_start3A_976 = tpu.memref_slice %arg4[%and3A_970, %dma_start3A_975] : memref<16384x64xf32, #tpu.memory_space<hbm>> -> memref<1x64xf32, #tpu.memory_space<hbm>>
          %dma_start3A_977 = arith.constant 0 : i32
          %dma_start3A_978 = tpu.memref_slice %arg10[%while3A_965, %dma_start3A_977] : memref<64x64xf32, #tpu.memory_space<vmem>> -> memref<1x64xf32, #tpu.memory_space<vmem>>
          tpu.enqueue_dma source(%dma_start3A_978 : memref<1x64xf32, #tpu.memory_space<vmem>>) target(%dma_start3A_976 : memref<1x64xf32, #tpu.memory_space<hbm>>) target_semaphore(%arg13 : memref<!tpu.dma_semaphore, #tpu.memory_space<semaphore_mem>>)
        }
        %while3A_954 = arith.constant 1 : i32
        scf.for %while3A_965 = %while3A_952 to %while3A_948 step %while3A_954  : i32 {
          %mul3A_966 = arith.constant 64 : i32
          %mul3A_967 = arith.muli %while3A_929, %mul3A_966 : i32
          %add3A_968 = arith.addi %mul3A_967, %while3A_965 : i32
          %get3A = arith.index_cast %add3A_968 : i32 to index
          %get3A_969 = tpu.vector_load %arg7[%get3A] {strides = array<i32>} : memref<16400xi32, #tpu.memory_space<vmem>>, vector<16xi32>,
          %slice3A = vector.extract_strided_slice %get3A_969 {offsets = [0], sizes = [1], strides = [1]} : vector<16xi32> to vector<1xi32>
          %squeeze3A = vector.extract %slice3A[0] : i32 from vector<1xi32>
          %and3A = arith.constant 16383 : i32
          %and3A_970 = arith.andi %squeeze3A, %and3A : i32
          %dma_start3A_971 = arith.constant 0 : i32
          %dma_start3A_972 = tpu.memref_slice %arg10[%while3A_965, %dma_start3A_971] : memref<64x64xf32, #tpu.memory_space<vmem>> -> memref<1x64xf32, #tpu.memory_space<vmem>>
          %dma_start3A_973 = arith.constant 0 : i32
          %dma_start3A_974 = tpu.memref_slice %arg4[%and3A_970, %dma_start3A_973] : memref<16384x64xf32, #tpu.memory_space<hbm>> -> memref<1x64xf32, #tpu.memory_space<hbm>>
          %dma_start3A_975 = arith.constant 0 : i32
          %dma_start3A_976 = tpu.memref_slice %arg4[%and3A_970, %dma_start3A_975] : memref<16384x64xf32, #tpu.memory_space<hbm>> -> memref<1x64xf32, #tpu.memory_space<hbm>>
          %dma_start3A_977 = arith.constant 0 : i32
          %dma_start3A_978 = tpu.memref_slice %arg10[%while3A_965, %dma_start3A_977] : memref<64x64xf32, #tpu.memory_space<vmem>> -> memref<1x64xf32, #tpu.memory_space<vmem>>
          tpu.enqueue_dma source(%dma_start3A_978 : memref<1x64xf32, #tpu.memory_space<vmem>>) target(%dma_start3A_976 : memref<1x64xf32, #tpu.memory_space<hbm>>) target_semaphore(%arg13 : memref<!tpu.dma_semaphore, #tpu.memory_space<semaphore_mem>>)
        }
        %while3A_955 = arith.constant 0 : i32
        %while3A_956 = arith.constant 0 : i32
        %while3A_957 = arith.subi %min3A_934, %while3A_956 : i32
        %while3A_958 = arith.addi %while3A_956, %while3A_957 : i32
        %while3A_959 = arith.constant 1 : i32
        %while3A_960 = arith.divsi %while3A_957, %while3A_959 : i32
        %while3A_961 = arith.muli %while3A_960, %while3A_959 : i32
        %while3A_962 = arith.addi %while3A_956, %while3A_961 : i32
        %while3A_963 = arith.constant 1 : i32
        scf.for %while3A_965 = %while3A_956 to %while3A_962 step %while3A_963  : i32 {
          %dma_wait3A_966 = arith.constant 0 : i32
          %dma_wait3A_967 = arith.constant 0 : i32
          %dma_wait3A_968 = tpu.memref_slice %arg10[%dma_wait3A_966, %dma_wait3A_967] : memref<64x64xf32, #tpu.memory_space<vmem>> -> memref<1x64xf32, #tpu.memory_space<vmem>>
          %dma_wait3A_969 = arith.constant 0 : i32
          %dma_wait3A_970 = arith.constant 0 : i32
          %dma_wait3A_971 = tpu.memref_slice %arg4[%dma_wait3A_969, %dma_wait3A_970] : memref<16384x64xf32, #tpu.memory_space<hbm>> -> memref<1x64xf32, #tpu.memory_space<hbm>>
          %dma_wait3A_972 = arith.constant 0 : i32
          %dma_wait3A_973 = arith.constant 0 : i32
          %dma_wait3A_974 = tpu.memref_slice %arg4[%dma_wait3A_972, %dma_wait3A_973] : memref<16384x64xf32, #tpu.memory_space<hbm>> -> memref<1x64xf32, #tpu.memory_space<hbm>>
          %dma_wait3A_975 = arith.constant 0 : i32
          %dma_wait3A_976 = arith.constant 0 : i32
          %dma_wait3A_977 = tpu.memref_slice %arg10[%dma_wait3A_975, %dma_wait3A_976] : memref<64x64xf32, #tpu.memory_space<vmem>> -> memref<1x64xf32, #tpu.memory_space<vmem>>
          tpu.wait_dma2 semaphore(%arg13 : memref<!tpu.dma_semaphore, #tpu.memory_space<semaphore_mem>>) src(%dma_wait3A_977 : memref<1x64xf32, #tpu.memory_space<vmem>>) dst(%dma_wait3A_974 : memref<1x64xf32, #tpu.memory_space<hbm>>)
        }
        %while3A_964 = arith.constant 1 : i32
        scf.for %while3A_965 = %while3A_962 to %while3A_958 step %while3A_964  : i32 {
          %dma_wait3A_966 = arith.constant 0 : i32
          %dma_wait3A_967 = arith.constant 0 : i32
          %dma_wait3A_968 = tpu.memref_slice %arg10[%dma_wait3A_966, %dma_wait3A_967] : memref<64x64xf32, #tpu.memory_space<vmem>> -> memref<1x64xf32, #tpu.memory_space<vmem>>
          %dma_wait3A_969 = arith.constant 0 : i32
          %dma_wait3A_970 = arith.constant 0 : i32
          %dma_wait3A_971 = tpu.memref_slice %arg4[%dma_wait3A_969, %dma_wait3A_970] : memref<16384x64xf32, #tpu.memory_space<hbm>> -> memref<1x64xf32, #tpu.memory_space<hbm>>
          %dma_wait3A_972 = arith.constant 0 : i32
          %dma_wait3A_973 = arith.constant 0 : i32
          %dma_wait3A_974 = tpu.memref_slice %arg4[%dma_wait3A_972, %dma_wait3A_973] : memref<16384x64xf32, #tpu.memory_space<hbm>> -> memref<1x64xf32, #tpu.memory_space<hbm>>
          %dma_wait3A_975 = arith.constant 0 : i32
          %dma_wait3A_976 = arith.constant 0 : i32
          %dma_wait3A_977 = tpu.memref_slice %arg10[%dma_wait3A_975, %dma_wait3A_976] : memref<64x64xf32, #tpu.memory_space<vmem>> -> memref<1x64xf32, #tpu.memory_space<vmem>>
          tpu.wait_dma2 semaphore(%arg13 : memref<!tpu.dma_semaphore, #tpu.memory_space<semaphore_mem>>) src(%dma_wait3A_977 : memref<1x64xf32, #tpu.memory_space<vmem>>) dst(%dma_wait3A_974 : memref<1x64xf32, #tpu.memory_space<hbm>>)
        }
      }
      %mul3A_571 = arith.constant 2 : i32
      %mul3A_572 = arith.muli %mul3A_571, %scan3A_431 : i32
      %add3A_573 = arith.constant 2 : i32
      %add3A_574 = arith.addi %mul3A_572, %add3A_573 : i32
      %min3A_575 = arith.constant 61 : i32
      %min3A_576 = arith.minsi %add3A_574, %min3A_575 : i32
      %mul3A_577 = arith.constant 4 : i32
      %mul3A_578 = arith.muli %min3A_576, %mul3A_577 : i32
      %add3A_579 = arith.addi %add3A_4, %mul3A_578 : i32
      %sub3A_580 = arith.constant 4 : i32
      %sub3A_581 = arith.subi %add3A_8, %sub3A_580 : i32
      %min3A_582 = arith.minsi %add3A_579, %sub3A_581 : i32
      %mul3A_583 = arith.constant 128 : i32
      %mul3A_584 = arith.muli %min3A_582, %mul3A_583 : i32
      %dma_start3A_585 = arith.constant 0 : i32
      %dma_start3A_586 = arith.constant 0 : i32
      %dma_start3A_587 = tpu.memref_slice %arg8[%dma_start3A_585, %dma_start3A_586] : memref<64x512xf32, #tpu.memory_space<vmem>> -> memref<8x512xf32, #tpu.memory_space<vmem>>
      %dma_start3A_588 = arith.constant 0 : i32
      %dma_start3A_589 = tpu.memref_slice %arg2[%dma_start3A_588, %mul3A_584] : memref<64x1000000xf32, #tpu.memory_space<hbm>> -> memref<8x512xf32, #tpu.memory_space<hbm>>
      %dma_start3A_590 = arith.constant 0 : i32
      %dma_start3A_591 = arith.constant 0 : i32
      %dma_start3A_592 = tpu.memref_slice %arg8[%dma_start3A_590, %dma_start3A_591] : memref<64x512xf32, #tpu.memory_space<vmem>> -> memref<8x512xf32, #tpu.memory_space<vmem>>
      %dma_start3A_593 = arith.constant 0 : i32
      %dma_start3A_594 = tpu.memref_slice %arg2[%dma_start3A_593, %mul3A_584] : memref<64x1000000xf32, #tpu.memory_space<hbm>> -> memref<8x512xf32, #tpu.memory_space<hbm>>
      tpu.enqueue_dma source(%dma_start3A_594 : memref<8x512xf32, #tpu.memory_space<hbm>>) target(%dma_start3A_592 : memref<8x512xf32, #tpu.memory_space<vmem>>) target_semaphore(%arg11 : memref<!tpu.dma_semaphore, #tpu.memory_space<semaphore_mem>>)
      %mul3A_595 = arith.constant 128 : i32
      %mul3A_596 = arith.muli %min3A_582, %mul3A_595 : i32
      %dma_start3A_597 = arith.constant 8 : i32
      %dma_start3A_598 = arith.constant 0 : i32
      %dma_start3A_599 = tpu.memref_slice %arg8[%dma_start3A_597, %dma_start3A_598] : memref<64x512xf32, #tpu.memory_space<vmem>> -> memref<8x512xf32, #tpu.memory_space<vmem>>
      %dma_start3A_600 = arith.constant 8 : i32
      %dma_start3A_601 = tpu.memref_slice %arg2[%dma_start3A_600, %mul3A_596] : memref<64x1000000xf32, #tpu.memory_space<hbm>> -> memref<8x512xf32, #tpu.memory_space<hbm>>
      %dma_start3A_602 = arith.constant 8 : i32
      %dma_start3A_603 = arith.constant 0 : i32
      %dma_start3A_604 = tpu.memref_slice %arg8[%dma_start3A_602, %dma_start3A_603] : memref<64x512xf32, #tpu.memory_space<vmem>> -> memref<8x512xf32, #tpu.memory_space<vmem>>
      %dma_start3A_605 = arith.constant 8 : i32
      %dma_start3A_606 = tpu.memref_slice %arg2[%dma_start3A_605, %mul3A_596] : memref<64x1000000xf32, #tpu.memory_space<hbm>> -> memref<8x512xf32, #tpu.memory_space<hbm>>
      tpu.enqueue_dma source(%dma_start3A_606 : memref<8x512xf32, #tpu.memory_space<hbm>>) target(%dma_start3A_604 : memref<8x512xf32, #tpu.memory_space<vmem>>) target_semaphore(%arg11 : memref<!tpu.dma_semaphore, #tpu.memory_space<semaphore_mem>>)
      %mul3A_607 = arith.constant 128 : i32
      %mul3A_608 = arith.muli %min3A_582, %mul3A_607 : i32
      %dma_start3A_609 = arith.constant 16 : i32
      %dma_start3A_610 = arith.constant 0 : i32
      %dma_start3A_611 = tpu.memref_slice %arg8[%dma_start3A_609, %dma_start3A_610] : memref<64x512xf32, #tpu.memory_space<vmem>> -> memref<8x512xf32, #tpu.memory_space<vmem>>
      %dma_start3A_612 = arith.constant 16 : i32
      %dma_start3A_613 = tpu.memref_slice %arg2[%dma_start3A_612, %mul3A_608] : memref<64x1000000xf32, #tpu.memory_space<hbm>> -> memref<8x512xf32, #tpu.memory_space<hbm>>
      %dma_start3A_614 = arith.constant 16 : i32
      %dma_start3A_615 = arith.constant 0 : i32
      %dma_start3A_616 = tpu.memref_slice %arg8[%dma_start3A_614, %dma_start3A_615] : memref<64x512xf32, #tpu.memory_space<vmem>> -> memref<8x512xf32, #tpu.memory_space<vmem>>
      %dma_start3A_617 = arith.constant 16 : i32
      %dma_start3A_618 = tpu.memref_slice %arg2[%dma_start3A_617, %mul3A_608] : memref<64x1000000xf32, #tpu.memory_space<hbm>> -> memref<8x512xf32, #tpu.memory_space<hbm>>
      tpu.enqueue_dma source(%dma_start3A_618 : memref<8x512xf32, #tpu.memory_space<hbm>>) target(%dma_start3A_616 : memref<8x512xf32, #tpu.memory_space<vmem>>) target_semaphore(%arg11 : memref<!tpu.dma_semaphore, #tpu.memory_space<semaphore_mem>>)
      %mul3A_619 = arith.constant 128 : i32
      %mul3A_620 = arith.muli %min3A_582, %mul3A_619 : i32
      %dma_start3A_621 = arith.constant 24 : i32
      %dma_start3A_622 = arith.constant 0 : i32
      %dma_start3A_623 = tpu.memref_slice %arg8[%dma_start3A_621, %dma_start3A_622] : memref<64x512xf32, #tpu.memory_space<vmem>> -> memref<8x512xf32, #tpu.memory_space<vmem>>
      %dma_start3A_624 = arith.constant 24 : i32
      %dma_start3A_625 = tpu.memref_slice %arg2[%dma_start3A_624, %mul3A_620] : memref<64x1000000xf32, #tpu.memory_space<hbm>> -> memref<8x512xf32, #tpu.memory_space<hbm>>
      %dma_start3A_626 = arith.constant 24 : i32
      %dma_start3A_627 = arith.constant 0 : i32
      %dma_start3A_628 = tpu.memref_slice %arg8[%dma_start3A_626, %dma_start3A_627] : memref<64x512xf32, #tpu.memory_space<vmem>> -> memref<8x512xf32, #tpu.memory_space<vmem>>
      %dma_start3A_629 = arith.constant 24 : i32
      %dma_start3A_630 = tpu.memref_slice %arg2[%dma_start3A_629, %mul3A_620] : memref<64x1000000xf32, #tpu.memory_space<hbm>> -> memref<8x512xf32, #tpu.memory_space<hbm>>
      tpu.enqueue_dma source(%dma_start3A_630 : memref<8x512xf32, #tpu.memory_space<hbm>>) target(%dma_start3A_628 : memref<8x512xf32, #tpu.memory_space<vmem>>) target_semaphore(%arg11 : memref<!tpu.dma_semaphore, #tpu.memory_space<semaphore_mem>>)
      %mul3A_631 = arith.constant 128 : i32
      %mul3A_632 = arith.muli %min3A_582, %mul3A_631 : i32
      %dma_start3A_633 = arith.constant 32 : i32
      %dma_start3A_634 = arith.constant 0 : i32
      %dma_start3A_635 = tpu.memref_slice %arg8[%dma_start3A_633, %dma_start3A_634] : memref<64x512xf32, #tpu.memory_space<vmem>> -> memref<8x512xf32, #tpu.memory_space<vmem>>
      %dma_start3A_636 = arith.constant 32 : i32
      %dma_start3A_637 = tpu.memref_slice %arg2[%dma_start3A_636, %mul3A_632] : memref<64x1000000xf32, #tpu.memory_space<hbm>> -> memref<8x512xf32, #tpu.memory_space<hbm>>
      %dma_start3A_638 = arith.constant 32 : i32
      %dma_start3A_639 = arith.constant 0 : i32
      %dma_start3A_640 = tpu.memref_slice %arg8[%dma_start3A_638, %dma_start3A_639] : memref<64x512xf32, #tpu.memory_space<vmem>> -> memref<8x512xf32, #tpu.memory_space<vmem>>
      %dma_start3A_641 = arith.constant 32 : i32
      %dma_start3A_642 = tpu.memref_slice %arg2[%dma_start3A_641, %mul3A_632] : memref<64x1000000xf32, #tpu.memory_space<hbm>> -> memref<8x512xf32, #tpu.memory_space<hbm>>
      tpu.enqueue_dma source(%dma_start3A_642 : memref<8x512xf32, #tpu.memory_space<hbm>>) target(%dma_start3A_640 : memref<8x512xf32, #tpu.memory_space<vmem>>) target_semaphore(%arg11 : memref<!tpu.dma_semaphore, #tpu.memory_space<semaphore_mem>>)
      %mul3A_643 = arith.constant 128 : i32
      %mul3A_644 = arith.muli %min3A_582, %mul3A_643 : i32
      %dma_start3A_645 = arith.constant 40 : i32
      %dma_start3A_646 = arith.constant 0 : i32
      %dma_start3A_647 = tpu.memref_slice %arg8[%dma_start3A_645, %dma_start3A_646] : memref<64x512xf32, #tpu.memory_space<vmem>> -> memref<8x512xf32, #tpu.memory_space<vmem>>
      %dma_start3A_648 = arith.constant 40 : i32
      %dma_start3A_649 = tpu.memref_slice %arg2[%dma_start3A_648, %mul3A_644] : memref<64x1000000xf32, #tpu.memory_space<hbm>> -> memref<8x512xf32, #tpu.memory_space<hbm>>
      %dma_start3A_650 = arith.constant 40 : i32
      %dma_start3A_651 = arith.constant 0 : i32
      %dma_start3A_652 = tpu.memref_slice %arg8[%dma_start3A_650, %dma_start3A_651] : memref<64x512xf32, #tpu.memory_space<vmem>> -> memref<8x512xf32, #tpu.memory_space<vmem>>
      %dma_start3A_653 = arith.constant 40 : i32
      %dma_start3A_654 = tpu.memref_slice %arg2[%dma_start3A_653, %mul3A_644] : memref<64x1000000xf32, #tpu.memory_space<hbm>> -> memref<8x512xf32, #tpu.memory_space<hbm>>
      tpu.enqueue_dma source(%dma_start3A_654 : memref<8x512xf32, #tpu.memory_space<hbm>>) target(%dma_start3A_652 : memref<8x512xf32, #tpu.memory_space<vmem>>) target_semaphore(%arg11 : memref<!tpu.dma_semaphore, #tpu.memory_space<semaphore_mem>>)
      %mul3A_655 = arith.constant 128 : i32
      %mul3A_656 = arith.muli %min3A_582, %mul3A_655 : i32
      %dma_start3A_657 = arith.constant 48 : i32
      %dma_start3A_658 = arith.constant 0 : i32
      %dma_start3A_659 = tpu.memref_slice %arg8[%dma_start3A_657, %dma_start3A_658] : memref<64x512xf32, #tpu.memory_space<vmem>> -> memref<8x512xf32, #tpu.memory_space<vmem>>
      %dma_start3A_660 = arith.constant 48 : i32
      %dma_start3A_661 = tpu.memref_slice %arg2[%dma_start3A_660, %mul3A_656] : memref<64x1000000xf32, #tpu.memory_space<hbm>> -> memref<8x512xf32, #tpu.memory_space<hbm>>
      %dma_start3A_662 = arith.constant 48 : i32
      %dma_start3A_663 = arith.constant 0 : i32
      %dma_start3A_664 = tpu.memref_slice %arg8[%dma_start3A_662, %dma_start3A_663] : memref<64x512xf32, #tpu.memory_space<vmem>> -> memref<8x512xf32, #tpu.memory_space<vmem>>
      %dma_start3A_665 = arith.constant 48 : i32
      %dma_start3A_666 = tpu.memref_slice %arg2[%dma_start3A_665, %mul3A_656] : memref<64x1000000xf32, #tpu.memory_space<hbm>> -> memref<8x512xf32, #tpu.memory_space<hbm>>
      tpu.enqueue_dma source(%dma_start3A_666 : memref<8x512xf32, #tpu.memory_space<hbm>>) target(%dma_start3A_664 : memref<8x512xf32, #tpu.memory_space<vmem>>) target_semaphore(%arg11 : memref<!tpu.dma_semaphore, #tpu.memory_space<semaphore_mem>>)
      %mul3A_667 = arith.constant 128 : i32
      %mul3A_668 = arith.muli %min3A_582, %mul3A_667 : i32
      %dma_start3A_669 = arith.constant 56 : i32
      %dma_start3A_670 = arith.constant 0 : i32
      %dma_start3A_671 = tpu.memref_slice %arg8[%dma_start3A_669, %dma_start3A_670] : memref<64x512xf32, #tpu.memory_space<vmem>> -> memref<8x512xf32, #tpu.memory_space<vmem>>
      %dma_start3A_672 = arith.constant 56 : i32
      %dma_start3A_673 = tpu.memref_slice %arg2[%dma_start3A_672, %mul3A_668] : memref<64x1000000xf32, #tpu.memory_space<hbm>> -> memref<8x512xf32, #tpu.memory_space<hbm>>
      %dma_start3A_674 = arith.constant 56 : i32
      %dma_start3A_675 = arith.constant 0 : i32
      %dma_start3A_676 = tpu.memref_slice %arg8[%dma_start3A_674, %dma_start3A_675] : memref<64x512xf32, #tpu.memory_space<vmem>> -> memref<8x512xf32, #tpu.memory_space<vmem>>
      %dma_start3A_677 = arith.constant 56 : i32
      %dma_start3A_678 = tpu.memref_slice %arg2[%dma_start3A_677, %mul3A_668] : memref<64x1000000xf32, #tpu.memory_space<hbm>> -> memref<8x512xf32, #tpu.memory_space<hbm>>
      tpu.enqueue_dma source(%dma_start3A_678 : memref<8x512xf32, #tpu.memory_space<hbm>>) target(%dma_start3A_676 : memref<8x512xf32, #tpu.memory_space<vmem>>) target_semaphore(%arg11 : memref<!tpu.dma_semaphore, #tpu.memory_space<semaphore_mem>>)
      %dma_wait3A_679 = arith.constant 0 : i32
      %dma_wait3A_680 = arith.constant 0 : i32
      %dma_wait3A_681 = tpu.memref_slice %arg8[%dma_wait3A_679, %dma_wait3A_680] : memref<64x512xf32, #tpu.memory_space<vmem>> -> memref<8x512xf32, #tpu.memory_space<vmem>>
      %dma_wait3A_682 = arith.constant 0 : i32
      %dma_wait3A_683 = arith.constant 0 : i32
      %dma_wait3A_684 = tpu.memref_slice %arg2[%dma_wait3A_682, %dma_wait3A_683] : memref<64x1000000xf32, #tpu.memory_space<hbm>> -> memref<8x512xf32, #tpu.memory_space<hbm>>
      %dma_wait3A_685 = arith.constant 0 : i32
      %dma_wait3A_686 = arith.constant 0 : i32
      %dma_wait3A_687 = tpu.memref_slice %arg8[%dma_wait3A_685, %dma_wait3A_686] : memref<64x512xf32, #tpu.memory_space<vmem>> -> memref<8x512xf32, #tpu.memory_space<vmem>>
      %dma_wait3A_688 = arith.constant 0 : i32
      %dma_wait3A_689 = arith.constant 0 : i32
      %dma_wait3A_690 = tpu.memref_slice %arg2[%dma_wait3A_688, %dma_wait3A_689] : memref<64x1000000xf32, #tpu.memory_space<hbm>> -> memref<8x512xf32, #tpu.memory_space<hbm>>
      tpu.wait_dma2 semaphore(%arg12 : memref<!tpu.dma_semaphore, #tpu.memory_space<semaphore_mem>>) src(%dma_wait3A_690 : memref<8x512xf32, #tpu.memory_space<hbm>>) dst(%dma_wait3A_687 : memref<8x512xf32, #tpu.memory_space<vmem>>)
      %dma_wait3A_691 = arith.constant 8 : i32
      %dma_wait3A_692 = arith.constant 0 : i32
      %dma_wait3A_693 = tpu.memref_slice %arg8[%dma_wait3A_691, %dma_wait3A_692] : memref<64x512xf32, #tpu.memory_space<vmem>> -> memref<8x512xf32, #tpu.memory_space<vmem>>
      %dma_wait3A_694 = arith.constant 8 : i32
      %dma_wait3A_695 = arith.constant 0 : i32
      %dma_wait3A_696 = tpu.memref_slice %arg2[%dma_wait3A_694, %dma_wait3A_695] : memref<64x1000000xf32, #tpu.memory_space<hbm>> -> memref<8x512xf32, #tpu.memory_space<hbm>>
      %dma_wait3A_697 = arith.constant 8 : i32
      %dma_wait3A_698 = arith.constant 0 : i32
      %dma_wait3A_699 = tpu.memref_slice %arg8[%dma_wait3A_697, %dma_wait3A_698] : memref<64x512xf32, #tpu.memory_space<vmem>> -> memref<8x512xf32, #tpu.memory_space<vmem>>
      %dma_wait3A_700 = arith.constant 8 : i32
      %dma_wait3A_701 = arith.constant 0 : i32
      %dma_wait3A_702 = tpu.memref_slice %arg2[%dma_wait3A_700, %dma_wait3A_701] : memref<64x1000000xf32, #tpu.memory_space<hbm>> -> memref<8x512xf32, #tpu.memory_space<hbm>>
      tpu.wait_dma2 semaphore(%arg12 : memref<!tpu.dma_semaphore, #tpu.memory_space<semaphore_mem>>) src(%dma_wait3A_702 : memref<8x512xf32, #tpu.memory_space<hbm>>) dst(%dma_wait3A_699 : memref<8x512xf32, #tpu.memory_space<vmem>>)
      %dma_wait3A_703 = arith.constant 16 : i32
      %dma_wait3A_704 = arith.constant 0 : i32
      %dma_wait3A_705 = tpu.memref_slice %arg8[%dma_wait3A_703, %dma_wait3A_704] : memref<64x512xf32, #tpu.memory_space<vmem>> -> memref<8x512xf32, #tpu.memory_space<vmem>>
      %dma_wait3A_706 = arith.constant 16 : i32
      %dma_wait3A_707 = arith.constant 0 : i32
      %dma_wait3A_708 = tpu.memref_slice %arg2[%dma_wait3A_706, %dma_wait3A_707] : memref<64x1000000xf32, #tpu.memory_space<hbm>> -> memref<8x512xf32, #tpu.memory_space<hbm>>
      %dma_wait3A_709 = arith.constant 16 : i32
      %dma_wait3A_710 = arith.constant 0 : i32
      %dma_wait3A_711 = tpu.memref_slice %arg8[%dma_wait3A_709, %dma_wait3A_710] : memref<64x512xf32, #tpu.memory_space<vmem>> -> memref<8x512xf32, #tpu.memory_space<vmem>>
      %dma_wait3A_712 = arith.constant 16 : i32
      %dma_wait3A_713 = arith.constant 0 : i32
      %dma_wait3A_714 = tpu.memref_slice %arg2[%dma_wait3A_712, %dma_wait3A_713] : memref<64x1000000xf32, #tpu.memory_space<hbm>> -> memref<8x512xf32, #tpu.memory_space<hbm>>
      tpu.wait_dma2 semaphore(%arg12 : memref<!tpu.dma_semaphore, #tpu.memory_space<semaphore_mem>>) src(%dma_wait3A_714 : memref<8x512xf32, #tpu.memory_space<hbm>>) dst(%dma_wait3A_711 : memref<8x512xf32, #tpu.memory_space<vmem>>)
      %dma_wait3A_715 = arith.constant 24 : i32
      %dma_wait3A_716 = arith.constant 0 : i32
      %dma_wait3A_717 = tpu.memref_slice %arg8[%dma_wait3A_715, %dma_wait3A_716] : memref<64x512xf32, #tpu.memory_space<vmem>> -> memref<8x512xf32, #tpu.memory_space<vmem>>
      %dma_wait3A_718 = arith.constant 24 : i32
      %dma_wait3A_719 = arith.constant 0 : i32
      %dma_wait3A_720 = tpu.memref_slice %arg2[%dma_wait3A_718, %dma_wait3A_719] : memref<64x1000000xf32, #tpu.memory_space<hbm>> -> memref<8x512xf32, #tpu.memory_space<hbm>>
      %dma_wait3A_721 = arith.constant 24 : i32
      %dma_wait3A_722 = arith.constant 0 : i32
      %dma_wait3A_723 = tpu.memref_slice %arg8[%dma_wait3A_721, %dma_wait3A_722] : memref<64x512xf32, #tpu.memory_space<vmem>> -> memref<8x512xf32, #tpu.memory_space<vmem>>
      %dma_wait3A_724 = arith.constant 24 : i32
      %dma_wait3A_725 = arith.constant 0 : i32
      %dma_wait3A_726 = tpu.memref_slice %arg2[%dma_wait3A_724, %dma_wait3A_725] : memref<64x1000000xf32, #tpu.memory_space<hbm>> -> memref<8x512xf32, #tpu.memory_space<hbm>>
      tpu.wait_dma2 semaphore(%arg12 : memref<!tpu.dma_semaphore, #tpu.memory_space<semaphore_mem>>) src(%dma_wait3A_726 : memref<8x512xf32, #tpu.memory_space<hbm>>) dst(%dma_wait3A_723 : memref<8x512xf32, #tpu.memory_space<vmem>>)
      %dma_wait3A_727 = arith.constant 32 : i32
      %dma_wait3A_728 = arith.constant 0 : i32
      %dma_wait3A_729 = tpu.memref_slice %arg8[%dma_wait3A_727, %dma_wait3A_728] : memref<64x512xf32, #tpu.memory_space<vmem>> -> memref<8x512xf32, #tpu.memory_space<vmem>>
      %dma_wait3A_730 = arith.constant 32 : i32
      %dma_wait3A_731 = arith.constant 0 : i32
      %dma_wait3A_732 = tpu.memref_slice %arg2[%dma_wait3A_730, %dma_wait3A_731] : memref<64x1000000xf32, #tpu.memory_space<hbm>> -> memref<8x512xf32, #tpu.memory_space<hbm>>
      %dma_wait3A_733 = arith.constant 32 : i32
      %dma_wait3A_734 = arith.constant 0 : i32
      %dma_wait3A_735 = tpu.memref_slice %arg8[%dma_wait3A_733, %dma_wait3A_734] : memref<64x512xf32, #tpu.memory_space<vmem>> -> memref<8x512xf32, #tpu.memory_space<vmem>>
      %dma_wait3A_736 = arith.constant 32 : i32
      %dma_wait3A_737 = arith.constant 0 : i32
      %dma_wait3A_738 = tpu.memref_slice %arg2[%dma_wait3A_736, %dma_wait3A_737] : memref<64x1000000xf32, #tpu.memory_space<hbm>> -> memref<8x512xf32, #tpu.memory_space<hbm>>
      tpu.wait_dma2 semaphore(%arg12 : memref<!tpu.dma_semaphore, #tpu.memory_space<semaphore_mem>>) src(%dma_wait3A_738 : memref<8x512xf32, #tpu.memory_space<hbm>>) dst(%dma_wait3A_735 : memref<8x512xf32, #tpu.memory_space<vmem>>)
      %dma_wait3A_739 = arith.constant 40 : i32
      %dma_wait3A_740 = arith.constant 0 : i32
      %dma_wait3A_741 = tpu.memref_slice %arg8[%dma_wait3A_739, %dma_wait3A_740] : memref<64x512xf32, #tpu.memory_space<vmem>> -> memref<8x512xf32, #tpu.memory_space<vmem>>
      %dma_wait3A_742 = arith.constant 40 : i32
      %dma_wait3A_743 = arith.constant 0 : i32
      %dma_wait3A_744 = tpu.memref_slice %arg2[%dma_wait3A_742, %dma_wait3A_743] : memref<64x1000000xf32, #tpu.memory_space<hbm>> -> memref<8x512xf32, #tpu.memory_space<hbm>>
      %dma_wait3A_745 = arith.constant 40 : i32
      %dma_wait3A_746 = arith.constant 0 : i32
      %dma_wait3A_747 = tpu.memref_slice %arg8[%dma_wait3A_745, %dma_wait3A_746] : memref<64x512xf32, #tpu.memory_space<vmem>> -> memref<8x512xf32, #tpu.memory_space<vmem>>
      %dma_wait3A_748 = arith.constant 40 : i32
      %dma_wait3A_749 = arith.constant 0 : i32
      %dma_wait3A_750 = tpu.memref_slice %arg2[%dma_wait3A_748, %dma_wait3A_749] : memref<64x1000000xf32, #tpu.memory_space<hbm>> -> memref<8x512xf32, #tpu.memory_space<hbm>>
      tpu.wait_dma2 semaphore(%arg12 : memref<!tpu.dma_semaphore, #tpu.memory_space<semaphore_mem>>) src(%dma_wait3A_750 : memref<8x512xf32, #tpu.memory_space<hbm>>) dst(%dma_wait3A_747 : memref<8x512xf32, #tpu.memory_space<vmem>>)
      %dma_wait3A_751 = arith.constant 48 : i32
      %dma_wait3A_752 = arith.constant 0 : i32
      %dma_wait3A_753 = tpu.memref_slice %arg8[%dma_wait3A_751, %dma_wait3A_752] : memref<64x512xf32, #tpu.memory_space<vmem>> -> memref<8x512xf32, #tpu.memory_space<vmem>>
      %dma_wait3A_754 = arith.constant 48 : i32
      %dma_wait3A_755 = arith.constant 0 : i32
      %dma_wait3A_756 = tpu.memref_slice %arg2[%dma_wait3A_754, %dma_wait3A_755] : memref<64x1000000xf32, #tpu.memory_space<hbm>> -> memref<8x512xf32, #tpu.memory_space<hbm>>
      %dma_wait3A_757 = arith.constant 48 : i32
      %dma_wait3A_758 = arith.constant 0 : i32
      %dma_wait3A_759 = tpu.memref_slice %arg8[%dma_wait3A_757, %dma_wait3A_758] : memref<64x512xf32, #tpu.memory_space<vmem>> -> memref<8x512xf32, #tpu.memory_space<vmem>>
      %dma_wait3A_760 = arith.constant 48 : i32
      %dma_wait3A_761 = arith.constant 0 : i32
      %dma_wait3A_762 = tpu.memref_slice %arg2[%dma_wait3A_760, %dma_wait3A_761] : memref<64x1000000xf32, #tpu.memory_space<hbm>> -> memref<8x512xf32, #tpu.memory_space<hbm>>
      tpu.wait_dma2 semaphore(%arg12 : memref<!tpu.dma_semaphore, #tpu.memory_space<semaphore_mem>>) src(%dma_wait3A_762 : memref<8x512xf32, #tpu.memory_space<hbm>>) dst(%dma_wait3A_759 : memref<8x512xf32, #tpu.memory_space<vmem>>)
      %dma_wait3A_763 = arith.constant 56 : i32
      %dma_wait3A_764 = arith.constant 0 : i32
      %dma_wait3A_765 = tpu.memref_slice %arg8[%dma_wait3A_763, %dma_wait3A_764] : memref<64x512xf32, #tpu.memory_space<vmem>> -> memref<8x512xf32, #tpu.memory_space<vmem>>
      %dma_wait3A_766 = arith.constant 56 : i32
      %dma_wait3A_767 = arith.constant 0 : i32
      %dma_wait3A_768 = tpu.memref_slice %arg2[%dma_wait3A_766, %dma_wait3A_767] : memref<64x1000000xf32, #tpu.memory_space<hbm>> -> memref<8x512xf32, #tpu.memory_space<hbm>>
      %dma_wait3A_769 = arith.constant 56 : i32
      %dma_wait3A_770 = arith.constant 0 : i32
      %dma_wait3A_771 = tpu.memref_slice %arg8[%dma_wait3A_769, %dma_wait3A_770] : memref<64x512xf32, #tpu.memory_space<vmem>> -> memref<8x512xf32, #tpu.memory_space<vmem>>
      %dma_wait3A_772 = arith.constant 56 : i32
      %dma_wait3A_773 = arith.constant 0 : i32
      %dma_wait3A_774 = tpu.memref_slice %arg2[%dma_wait3A_772, %dma_wait3A_773] : memref<64x1000000xf32, #tpu.memory_space<hbm>> -> memref<8x512xf32, #tpu.memory_space<hbm>>
      tpu.wait_dma2 semaphore(%arg12 : memref<!tpu.dma_semaphore, #tpu.memory_space<semaphore_mem>>) src(%dma_wait3A_774 : memref<8x512xf32, #tpu.memory_space<hbm>>) dst(%dma_wait3A_771 : memref<8x512xf32, #tpu.memory_space<vmem>>)
      %mul3A_775 = arith.constant 2 : i32
      %mul3A_776 = arith.muli %mul3A_775, %scan3A_431 : i32
      %add3A_777 = arith.constant 1 : i32
      %add3A_778 = arith.addi %mul3A_776, %add3A_777 : i32
      %mul3A_779 = arith.constant 4 : i32
      %mul3A_780 = arith.muli %add3A_778, %mul3A_779 : i32
      %add3A_781 = arith.addi %add3A_4, %mul3A_780 : i32
      %sub3A_782 = arith.constant 4 : i32
      %sub3A_783 = arith.subi %add3A_8, %sub3A_782 : i32
      %min3A_784 = arith.minsi %add3A_781, %sub3A_783 : i32
      %sub3A_785 = arith.subi %min3A_784, %add3A_4 : i32
      %mul3A_786 = arith.constant 128 : i32
      %mul3A_787 = arith.muli %sub3A_785, %mul3A_786 : i32
      %mul3A_788 = arith.constant 512 : i32
      %mul3A_789 = arith.muli %add3A_778, %mul3A_788 : i32
      %add3A_790 = arith.constant 512 : i32
      %add3A_791 = arith.addi %mul3A_789, %add3A_790 : i32
      %min3A_792 = arith.minsi %add3A_791, %mul3A_10 : i32
      %while3A_793 = arith.constant 0 : i32
      %while3A_794 = arith.constant 0 : i32
      %while3A_795 = arith.subi %div3A_221, %while3A_793 : i32
      %while3A_796 = arith.addi %while3A_793, %while3A_795 : i32
      %while3A_797 = arith.constant 1 : i32
      %while3A_798 = arith.divsi %while3A_795, %while3A_797 : i32
      %while3A_799 = arith.muli %while3A_798, %while3A_797 : i32
      %while3A_800 = arith.addi %while3A_793, %while3A_799 : i32
      %while3A_801 = arith.constant 1 : i32
      %while3A_802 = scf.for %while3A_929 = %while3A_793 to %while3A_800 step %while3A_801 iter_args(%while3A_930 = %while3A_794) -> (i32)  : i32 {
        %mul3A_931 = arith.constant 16 : i32
        %mul3A_932 = arith.muli %while3A_929, %mul3A_931 : i32
        %get3A = arith.index_cast %mul3A_932 : i32 to index
        %get3A_933 = tpu.vector_load %arg6[%get3A] {strides = array<i32>} : memref<16400xi32, #tpu.memory_space<vmem>>, vector<16xi32>,
        %shift_right_arithmetic3A = arith.constant 14 : i32
        %shift_right_arithmetic3A_934 = vector.broadcast %shift_right_arithmetic3A : i32 to vector<16xi32>
        %shift_right_arithmetic3A_935 = arith.shrsi %get3A_933, %shift_right_arithmetic3A_934 : vector<16xi32>
        %ge3A = vector.broadcast %mul3A_789 : i32 to vector<16xi32>
        %ge3A_936 = arith.cmpi sge, %shift_right_arithmetic3A_935, %ge3A : vector<16xi32>
        %lt3A_937 = vector.broadcast %min3A_792 : i32 to vector<16xi32>
        %lt3A_938 = arith.cmpi slt, %shift_right_arithmetic3A_935, %lt3A_937 : vector<16xi32>
        %and3A = arith.andi %ge3A_936, %lt3A_938 : vector<16xi1>
        %mul3A_939 = arith.constant 16 : i32
        %mul3A_940 = arith.muli %while3A_929, %mul3A_939 : i32
        %add3A_941 = vector.broadcast %mul3A_940 : i32 to vector<16xi32>
        %add3A_942 = arith.addi %add3A_941, %iota3A : vector<16xi32>
        %lt3A_943 = vector.broadcast %scan3A_215 : i32 to vector<16xi32>
        %lt3A_944 = arith.cmpi slt, %add3A_942, %lt3A_943 : vector<16xi32>
        %and3A_945 = arith.andi %and3A, %lt3A_944 : vector<16xi1>
        %swap3A = arith.index_cast %while3A_930 : i32 to index
        %swap3A_946 = tpu.vector_load %arg7[%swap3A] masked %and3A_945 {strides = array<i32>} : memref<16400xi32, #tpu.memory_space<vmem>>, vector<16xi32>, vector<16xi1>
        tpu.vector_store %arg7[%swap3A], %get3A_933 masked %and3A_945 {strides = array<i32>} : memref<16400xi32, #tpu.memory_space<vmem>>, vector<16xi32>, vector<16xi1>
        %all_reduce_population_count3A = tpu.all_reduce %and3A_945 {dim = 0 : i64, kind = #tpu.reduction_kind<sum>} : vector<16xi1> -> vector<16xi32>
        %slice3A = vector.extract_strided_slice %all_reduce_population_count3A {offsets = [0], sizes = [1], strides = [1]} : vector<16xi32> to vector<1xi32>
        %squeeze3A = vector.extract %slice3A[0] : i32 from vector<1xi32>
        %add3A_947 = arith.addi %while3A_930, %squeeze3A : i32
        scf.yield %add3A_947 : i32
      }
      %while3A_803 = arith.constant 1 : i32
      %while3A_804 = scf.for %while3A_929 = %while3A_800 to %while3A_796 step %while3A_803 iter_args(%while3A_930 = %while3A_802) -> (i32)  : i32 {
        %mul3A_931 = arith.constant 16 : i32
        %mul3A_932 = arith.muli %while3A_929, %mul3A_931 : i32
        %get3A = arith.index_cast %mul3A_932 : i32 to index
        %get3A_933 = tpu.vector_load %arg6[%get3A] {strides = array<i32>} : memref<16400xi32, #tpu.memory_space<vmem>>, vector<16xi32>,
        %shift_right_arithmetic3A = arith.constant 14 : i32
        %shift_right_arithmetic3A_934 = vector.broadcast %shift_right_arithmetic3A : i32 to vector<16xi32>
        %shift_right_arithmetic3A_935 = arith.shrsi %get3A_933, %shift_right_arithmetic3A_934 : vector<16xi32>
        %ge3A = vector.broadcast %mul3A_789 : i32 to vector<16xi32>
        %ge3A_936 = arith.cmpi sge, %shift_right_arithmetic3A_935, %ge3A : vector<16xi32>
        %lt3A_937 = vector.broadcast %min3A_792 : i32 to vector<16xi32>
        %lt3A_938 = arith.cmpi slt, %shift_right_arithmetic3A_935, %lt3A_937 : vector<16xi32>
        %and3A = arith.andi %ge3A_936, %lt3A_938 : vector<16xi1>
        %mul3A_939 = arith.constant 16 : i32
        %mul3A_940 = arith.muli %while3A_929, %mul3A_939 : i32
        %add3A_941 = vector.broadcast %mul3A_940 : i32 to vector<16xi32>
        %add3A_942 = arith.addi %add3A_941, %iota3A : vector<16xi32>
        %lt3A_943 = vector.broadcast %scan3A_215 : i32 to vector<16xi32>
        %lt3A_944 = arith.cmpi slt, %add3A_942, %lt3A_943 : vector<16xi32>
        %and3A_945 = arith.andi %and3A, %lt3A_944 : vector<16xi1>
        %swap3A = arith.index_cast %while3A_930 : i32 to index
        %swap3A_946 = tpu.vector_load %arg7[%swap3A] masked %and3A_945 {strides = array<i32>} : memref<16400xi32, #tpu.memory_space<vmem>>, vector<16xi32>, vector<16xi1>
        tpu.vector_store %arg7[%swap3A], %get3A_933 masked %and3A_945 {strides = array<i32>} : memref<16400xi32, #tpu.memory_space<vmem>>, vector<16xi32>, vector<16xi1>
        %all_reduce_population_count3A = tpu.all_reduce %and3A_945 {dim = 0 : i64, kind = #tpu.reduction_kind<sum>} : vector<16xi1> -> vector<16xi32>
        %slice3A = vector.extract_strided_slice %all_reduce_population_count3A {offsets = [0], sizes = [1], strides = [1]} : vector<16xi32> to vector<1xi32>
        %squeeze3A = vector.extract %slice3A[0] : i32 from vector<1xi32>
        %add3A_947 = arith.addi %while3A_930, %squeeze3A : i32
        scf.yield %add3A_947 : i32
      }
      %add3A_805 = arith.constant 64 : i32
      %add3A_806 = arith.addi %while3A_804, %add3A_805 : i32
      %sub3A_807 = arith.constant 1 : i32
      %sub3A_808 = arith.subi %add3A_806, %sub3A_807 : i32
      %div3A_809 = arith.constant 64 : i32
      %div3A_810 = arith.divsi %sub3A_808, %div3A_809 : i32
      %while3A_811 = arith.constant 0 : i32
      %while3A_812 = arith.constant 0 : i32
      %while3A_813 = arith.subi %div3A_810, %while3A_812 : i32
      %while3A_814 = arith.addi %while3A_812, %while3A_813 : i32
      %while3A_815 = arith.constant 1 : i32
      %while3A_816 = arith.divsi %while3A_813, %while3A_815 : i32
      %while3A_817 = arith.muli %while3A_816, %while3A_815 : i32
      %while3A_818 = arith.addi %while3A_812, %while3A_817 : i32
      %while3A_819 = arith.constant 1 : i32
      scf.for %while3A_929 = %while3A_812 to %while3A_818 step %while3A_819  : i32 {
        %mul3A_930 = arith.constant 64 : i32
        %mul3A_931 = arith.muli %while3A_929, %mul3A_930 : i32
        %sub3A_932 = arith.subi %while3A_804, %mul3A_931 : i32
        %min3A_933 = arith.constant 64 : i32
        %min3A_934 = arith.minsi %sub3A_932, %min3A_933 : i32
        %while3A_935 = arith.constant 0 : i32
        %while3A_936 = arith.constant 0 : i32
        %while3A_937 = arith.subi %min3A_934, %while3A_936 : i32
        %while3A_938 = arith.addi %while3A_936, %while3A_937 : i32
        %while3A_939 = arith.constant 1 : i32
        %while3A_940 = arith.divsi %while3A_937, %while3A_939 : i32
        %while3A_941 = arith.muli %while3A_940, %while3A_939 : i32
        %while3A_942 = arith.addi %while3A_936, %while3A_941 : i32
        %while3A_943 = arith.constant 1 : i32
        scf.for %while3A_965 = %while3A_936 to %while3A_942 step %while3A_943  : i32 {
          %mul3A_966 = arith.constant 64 : i32
          %mul3A_967 = arith.muli %while3A_929, %mul3A_966 : i32
          %add3A_968 = arith.addi %mul3A_967, %while3A_965 : i32
          %get3A = arith.index_cast %add3A_968 : i32 to index
          %get3A_969 = tpu.vector_load %arg7[%get3A] {strides = array<i32>} : memref<16400xi32, #tpu.memory_space<vmem>>, vector<16xi32>,
          %slice3A = vector.extract_strided_slice %get3A_969 {offsets = [0], sizes = [1], strides = [1]} : vector<16xi32> to vector<1xi32>
          %squeeze3A = vector.extract %slice3A[0] : i32 from vector<1xi32>
          %shift_right_arithmetic3A = arith.constant 14 : i32
          %shift_right_arithmetic3A_970 = arith.shrsi %squeeze3A, %shift_right_arithmetic3A : i32
          %sub3A_971 = arith.subi %shift_right_arithmetic3A_970, %mul3A_787 : i32
          %broadcast_in_dim3A = vector.broadcast %sub3A_971 : i32 to vector<16xi32>
          %gather3A = tpu.vector_load_idx %arg9[%add3A_224, %broadcast_in_dim3A] : memref<64x512xf32, #tpu.memory_space<vmem>>[vector<16xi32>, vector<16xi32>], vector<16xf32>,
          %mul3A_972 = arith.constant 8.000000e+00 : f32
          %mul3A_973 = vector.broadcast %mul3A_972 : f32 to vector<16xf32>
          %mul3A_974 = arith.mulf %gather3A, %mul3A_973 : vector<16xf32>
          %swap3A = arith.index_cast %while3A_965 : i32 to index
          %swap3A_975 = arith.constant 0 : index
          %swap3A_976 = tpu.vector_load %arg10[%swap3A, %swap3A_975] {strides = array<i32>} : memref<64x64xf32, #tpu.memory_space<vmem>>, vector<16xf32>,
          tpu.vector_store %arg10[%swap3A, %swap3A_975], %mul3A_974 {strides = array<i32>} : memref<64x64xf32, #tpu.memory_space<vmem>>, vector<16xf32>,
          %gather3A_977 = tpu.vector_load_idx %arg9[%add3A_227, %broadcast_in_dim3A] : memref<64x512xf32, #tpu.memory_space<vmem>>[vector<16xi32>, vector<16xi32>], vector<16xf32>,
          %mul3A_978 = arith.constant 8.000000e+00 : f32
          %mul3A_979 = vector.broadcast %mul3A_978 : f32 to vector<16xf32>
          %mul3A_980 = arith.mulf %gather3A_977, %mul3A_979 : vector<16xf32>
          %swap3A_981 = arith.index_cast %while3A_965 : i32 to index
          %swap3A_982 = arith.constant 16 : index
          %swap3A_983 = tpu.vector_load %arg10[%swap3A_981, %swap3A_982] {strides = array<i32>} : memref<64x64xf32, #tpu.memory_space<vmem>>, vector<16xf32>,
          tpu.vector_store %arg10[%swap3A_981, %swap3A_982], %mul3A_980 {strides = array<i32>} : memref<64x64xf32, #tpu.memory_space<vmem>>, vector<16xf32>,
          %gather3A_984 = tpu.vector_load_idx %arg9[%add3A_230, %broadcast_in_dim3A] : memref<64x512xf32, #tpu.memory_space<vmem>>[vector<16xi32>, vector<16xi32>], vector<16xf32>,
          %mul3A_985 = arith.constant 8.000000e+00 : f32
          %mul3A_986 = vector.broadcast %mul3A_985 : f32 to vector<16xf32>
          %mul3A_987 = arith.mulf %gather3A_984, %mul3A_986 : vector<16xf32>
          %swap3A_988 = arith.index_cast %while3A_965 : i32 to index
          %swap3A_989 = arith.constant 32 : index
          %swap3A_990 = tpu.vector_load %arg10[%swap3A_988, %swap3A_989] {strides = array<i32>} : memref<64x64xf32, #tpu.memory_space<vmem>>, vector<16xf32>,
          tpu.vector_store %arg10[%swap3A_988, %swap3A_989], %mul3A_987 {strides = array<i32>} : memref<64x64xf32, #tpu.memory_space<vmem>>, vector<16xf32>,
          %gather3A_991 = tpu.vector_load_idx %arg9[%add3A_233, %broadcast_in_dim3A] : memref<64x512xf32, #tpu.memory_space<vmem>>[vector<16xi32>, vector<16xi32>], vector<16xf32>,
          %mul3A_992 = arith.constant 8.000000e+00 : f32
          %mul3A_993 = vector.broadcast %mul3A_992 : f32 to vector<16xf32>
          %mul3A_994 = arith.mulf %gather3A_991, %mul3A_993 : vector<16xf32>
          %swap3A_995 = arith.index_cast %while3A_965 : i32 to index
          %swap3A_996 = arith.constant 48 : index
          %swap3A_997 = tpu.vector_load %arg10[%swap3A_995, %swap3A_996] {strides = array<i32>} : memref<64x64xf32, #tpu.memory_space<vmem>>, vector<16xf32>,
          tpu.vector_store %arg10[%swap3A_995, %swap3A_996], %mul3A_994 {strides = array<i32>} : memref<64x64xf32, #tpu.memory_space<vmem>>, vector<16xf32>,
        }
        %while3A_944 = arith.constant 1 : i32
        scf.for %while3A_965 = %while3A_942 to %while3A_938 step %while3A_944  : i32 {
          %mul3A_966 = arith.constant 64 : i32
          %mul3A_967 = arith.muli %while3A_929, %mul3A_966 : i32
          %add3A_968 = arith.addi %mul3A_967, %while3A_965 : i32
          %get3A = arith.index_cast %add3A_968 : i32 to index
          %get3A_969 = tpu.vector_load %arg7[%get3A] {strides = array<i32>} : memref<16400xi32, #tpu.memory_space<vmem>>, vector<16xi32>,
          %slice3A = vector.extract_strided_slice %get3A_969 {offsets = [0], sizes = [1], strides = [1]} : vector<16xi32> to vector<1xi32>
          %squeeze3A = vector.extract %slice3A[0] : i32 from vector<1xi32>
          %shift_right_arithmetic3A = arith.constant 14 : i32
          %shift_right_arithmetic3A_970 = arith.shrsi %squeeze3A, %shift_right_arithmetic3A : i32
          %sub3A_971 = arith.subi %shift_right_arithmetic3A_970, %mul3A_787 : i32
          %broadcast_in_dim3A = vector.broadcast %sub3A_971 : i32 to vector<16xi32>
          %gather3A = tpu.vector_load_idx %arg9[%add3A_224, %broadcast_in_dim3A] : memref<64x512xf32, #tpu.memory_space<vmem>>[vector<16xi32>, vector<16xi32>], vector<16xf32>,
          %mul3A_972 = arith.constant 8.000000e+00 : f32
          %mul3A_973 = vector.broadcast %mul3A_972 : f32 to vector<16xf32>
          %mul3A_974 = arith.mulf %gather3A, %mul3A_973 : vector<16xf32>
          %swap3A = arith.index_cast %while3A_965 : i32 to index
          %swap3A_975 = arith.constant 0 : index
          %swap3A_976 = tpu.vector_load %arg10[%swap3A, %swap3A_975] {strides = array<i32>} : memref<64x64xf32, #tpu.memory_space<vmem>>, vector<16xf32>,
          tpu.vector_store %arg10[%swap3A, %swap3A_975], %mul3A_974 {strides = array<i32>} : memref<64x64xf32, #tpu.memory_space<vmem>>, vector<16xf32>,
          %gather3A_977 = tpu.vector_load_idx %arg9[%add3A_227, %broadcast_in_dim3A] : memref<64x512xf32, #tpu.memory_space<vmem>>[vector<16xi32>, vector<16xi32>], vector<16xf32>,
          %mul3A_978 = arith.constant 8.000000e+00 : f32
          %mul3A_979 = vector.broadcast %mul3A_978 : f32 to vector<16xf32>
          %mul3A_980 = arith.mulf %gather3A_977, %mul3A_979 : vector<16xf32>
          %swap3A_981 = arith.index_cast %while3A_965 : i32 to index
          %swap3A_982 = arith.constant 16 : index
          %swap3A_983 = tpu.vector_load %arg10[%swap3A_981, %swap3A_982] {strides = array<i32>} : memref<64x64xf32, #tpu.memory_space<vmem>>, vector<16xf32>,
          tpu.vector_store %arg10[%swap3A_981, %swap3A_982], %mul3A_980 {strides = array<i32>} : memref<64x64xf32, #tpu.memory_space<vmem>>, vector<16xf32>,
          %gather3A_984 = tpu.vector_load_idx %arg9[%add3A_230, %broadcast_in_dim3A] : memref<64x512xf32, #tpu.memory_space<vmem>>[vector<16xi32>, vector<16xi32>], vector<16xf32>,
          %mul3A_985 = arith.constant 8.000000e+00 : f32
          %mul3A_986 = vector.broadcast %mul3A_985 : f32 to vector<16xf32>
          %mul3A_987 = arith.mulf %gather3A_984, %mul3A_986 : vector<16xf32>
          %swap3A_988 = arith.index_cast %while3A_965 : i32 to index
          %swap3A_989 = arith.constant 32 : index
          %swap3A_990 = tpu.vector_load %arg10[%swap3A_988, %swap3A_989] {strides = array<i32>} : memref<64x64xf32, #tpu.memory_space<vmem>>, vector<16xf32>,
          tpu.vector_store %arg10[%swap3A_988, %swap3A_989], %mul3A_987 {strides = array<i32>} : memref<64x64xf32, #tpu.memory_space<vmem>>, vector<16xf32>,
          %gather3A_991 = tpu.vector_load_idx %arg9[%add3A_233, %broadcast_in_dim3A] : memref<64x512xf32, #tpu.memory_space<vmem>>[vector<16xi32>, vector<16xi32>], vector<16xf32>,
          %mul3A_992 = arith.constant 8.000000e+00 : f32
          %mul3A_993 = vector.broadcast %mul3A_992 : f32 to vector<16xf32>
          %mul3A_994 = arith.mulf %gather3A_991, %mul3A_993 : vector<16xf32>
          %swap3A_995 = arith.index_cast %while3A_965 : i32 to index
          %swap3A_996 = arith.constant 48 : index
          %swap3A_997 = tpu.vector_load %arg10[%swap3A_995, %swap3A_996] {strides = array<i32>} : memref<64x64xf32, #tpu.memory_space<vmem>>, vector<16xf32>,
          tpu.vector_store %arg10[%swap3A_995, %swap3A_996], %mul3A_994 {strides = array<i32>} : memref<64x64xf32, #tpu.memory_space<vmem>>, vector<16xf32>,
        }
        %while3A_945 = arith.constant 0 : i32
        %while3A_946 = arith.constant 0 : i32
        %while3A_947 = arith.subi %min3A_934, %while3A_946 : i32
        %while3A_948 = arith.addi %while3A_946, %while3A_947 : i32
        %while3A_949 = arith.constant 1 : i32
        %while3A_950 = arith.divsi %while3A_947, %while3A_949 : i32
        %while3A_951 = arith.muli %while3A_950, %while3A_949 : i32
        %while3A_952 = arith.addi %while3A_946, %while3A_951 : i32
        %while3A_953 = arith.constant 1 : i32
        scf.for %while3A_965 = %while3A_946 to %while3A_952 step %while3A_953  : i32 {
          %mul3A_966 = arith.constant 64 : i32
          %mul3A_967 = arith.muli %while3A_929, %mul3A_966 : i32
          %add3A_968 = arith.addi %mul3A_967, %while3A_965 : i32
          %get3A = arith.index_cast %add3A_968 : i32 to index
          %get3A_969 = tpu.vector_load %arg7[%get3A] {strides = array<i32>} : memref<16400xi32, #tpu.memory_space<vmem>>, vector<16xi32>,
          %slice3A = vector.extract_strided_slice %get3A_969 {offsets = [0], sizes = [1], strides = [1]} : vector<16xi32> to vector<1xi32>
          %squeeze3A = vector.extract %slice3A[0] : i32 from vector<1xi32>
          %and3A = arith.constant 16383 : i32
          %and3A_970 = arith.andi %squeeze3A, %and3A : i32
          %dma_start3A_971 = arith.constant 0 : i32
          %dma_start3A_972 = tpu.memref_slice %arg10[%while3A_965, %dma_start3A_971] : memref<64x64xf32, #tpu.memory_space<vmem>> -> memref<1x64xf32, #tpu.memory_space<vmem>>
          %dma_start3A_973 = arith.constant 0 : i32
          %dma_start3A_974 = tpu.memref_slice %arg4[%and3A_970, %dma_start3A_973] : memref<16384x64xf32, #tpu.memory_space<hbm>> -> memref<1x64xf32, #tpu.memory_space<hbm>>
          %dma_start3A_975 = arith.constant 0 : i32
          %dma_start3A_976 = tpu.memref_slice %arg4[%and3A_970, %dma_start3A_975] : memref<16384x64xf32, #tpu.memory_space<hbm>> -> memref<1x64xf32, #tpu.memory_space<hbm>>
          %dma_start3A_977 = arith.constant 0 : i32
          %dma_start3A_978 = tpu.memref_slice %arg10[%while3A_965, %dma_start3A_977] : memref<64x64xf32, #tpu.memory_space<vmem>> -> memref<1x64xf32, #tpu.memory_space<vmem>>
          tpu.enqueue_dma source(%dma_start3A_978 : memref<1x64xf32, #tpu.memory_space<vmem>>) target(%dma_start3A_976 : memref<1x64xf32, #tpu.memory_space<hbm>>) target_semaphore(%arg13 : memref<!tpu.dma_semaphore, #tpu.memory_space<semaphore_mem>>)
        }
        %while3A_954 = arith.constant 1 : i32
        scf.for %while3A_965 = %while3A_952 to %while3A_948 step %while3A_954  : i32 {
          %mul3A_966 = arith.constant 64 : i32
          %mul3A_967 = arith.muli %while3A_929, %mul3A_966 : i32
          %add3A_968 = arith.addi %mul3A_967, %while3A_965 : i32
          %get3A = arith.index_cast %add3A_968 : i32 to index
          %get3A_969 = tpu.vector_load %arg7[%get3A] {strides = array<i32>} : memref<16400xi32, #tpu.memory_space<vmem>>, vector<16xi32>,
          %slice3A = vector.extract_strided_slice %get3A_969 {offsets = [0], sizes = [1], strides = [1]} : vector<16xi32> to vector<1xi32>
          %squeeze3A = vector.extract %slice3A[0] : i32 from vector<1xi32>
          %and3A = arith.constant 16383 : i32
          %and3A_970 = arith.andi %squeeze3A, %and3A : i32
          %dma_start3A_971 = arith.constant 0 : i32
          %dma_start3A_972 = tpu.memref_slice %arg10[%while3A_965, %dma_start3A_971] : memref<64x64xf32, #tpu.memory_space<vmem>> -> memref<1x64xf32, #tpu.memory_space<vmem>>
          %dma_start3A_973 = arith.constant 0 : i32
          %dma_start3A_974 = tpu.memref_slice %arg4[%and3A_970, %dma_start3A_973] : memref<16384x64xf32, #tpu.memory_space<hbm>> -> memref<1x64xf32, #tpu.memory_space<hbm>>
          %dma_start3A_975 = arith.constant 0 : i32
          %dma_start3A_976 = tpu.memref_slice %arg4[%and3A_970, %dma_start3A_975] : memref<16384x64xf32, #tpu.memory_space<hbm>> -> memref<1x64xf32, #tpu.memory_space<hbm>>
          %dma_start3A_977 = arith.constant 0 : i32
          %dma_start3A_978 = tpu.memref_slice %arg10[%while3A_965, %dma_start3A_977] : memref<64x64xf32, #tpu.memory_space<vmem>> -> memref<1x64xf32, #tpu.memory_space<vmem>>
          tpu.enqueue_dma source(%dma_start3A_978 : memref<1x64xf32, #tpu.memory_space<vmem>>) target(%dma_start3A_976 : memref<1x64xf32, #tpu.memory_space<hbm>>) target_semaphore(%arg13 : memref<!tpu.dma_semaphore, #tpu.memory_space<semaphore_mem>>)
        }
        %while3A_955 = arith.constant 0 : i32
        %while3A_956 = arith.constant 0 : i32
        %while3A_957 = arith.subi %min3A_934, %while3A_956 : i32
        %while3A_958 = arith.addi %while3A_956, %while3A_957 : i32
        %while3A_959 = arith.constant 1 : i32
        %while3A_960 = arith.divsi %while3A_957, %while3A_959 : i32
        %while3A_961 = arith.muli %while3A_960, %while3A_959 : i32
        %while3A_962 = arith.addi %while3A_956, %while3A_961 : i32
        %while3A_963 = arith.constant 1 : i32
        scf.for %while3A_965 = %while3A_956 to %while3A_962 step %while3A_963  : i32 {
          %dma_wait3A_966 = arith.constant 0 : i32
          %dma_wait3A_967 = arith.constant 0 : i32
          %dma_wait3A_968 = tpu.memref_slice %arg10[%dma_wait3A_966, %dma_wait3A_967] : memref<64x64xf32, #tpu.memory_space<vmem>> -> memref<1x64xf32, #tpu.memory_space<vmem>>
          %dma_wait3A_969 = arith.constant 0 : i32
          %dma_wait3A_970 = arith.constant 0 : i32
          %dma_wait3A_971 = tpu.memref_slice %arg4[%dma_wait3A_969, %dma_wait3A_970] : memref<16384x64xf32, #tpu.memory_space<hbm>> -> memref<1x64xf32, #tpu.memory_space<hbm>>
          %dma_wait3A_972 = arith.constant 0 : i32
          %dma_wait3A_973 = arith.constant 0 : i32
          %dma_wait3A_974 = tpu.memref_slice %arg4[%dma_wait3A_972, %dma_wait3A_973] : memref<16384x64xf32, #tpu.memory_space<hbm>> -> memref<1x64xf32, #tpu.memory_space<hbm>>
          %dma_wait3A_975 = arith.constant 0 : i32
          %dma_wait3A_976 = arith.constant 0 : i32
          %dma_wait3A_977 = tpu.memref_slice %arg10[%dma_wait3A_975, %dma_wait3A_976] : memref<64x64xf32, #tpu.memory_space<vmem>> -> memref<1x64xf32, #tpu.memory_space<vmem>>
          tpu.wait_dma2 semaphore(%arg13 : memref<!tpu.dma_semaphore, #tpu.memory_space<semaphore_mem>>) src(%dma_wait3A_977 : memref<1x64xf32, #tpu.memory_space<vmem>>) dst(%dma_wait3A_974 : memref<1x64xf32, #tpu.memory_space<hbm>>)
        }
        %while3A_964 = arith.constant 1 : i32
        scf.for %while3A_965 = %while3A_962 to %while3A_958 step %while3A_964  : i32 {
          %dma_wait3A_966 = arith.constant 0 : i32
          %dma_wait3A_967 = arith.constant 0 : i32
          %dma_wait3A_968 = tpu.memref_slice %arg10[%dma_wait3A_966, %dma_wait3A_967] : memref<64x64xf32, #tpu.memory_space<vmem>> -> memref<1x64xf32, #tpu.memory_space<vmem>>
          %dma_wait3A_969 = arith.constant 0 : i32
          %dma_wait3A_970 = arith.constant 0 : i32
          %dma_wait3A_971 = tpu.memref_slice %arg4[%dma_wait3A_969, %dma_wait3A_970] : memref<16384x64xf32, #tpu.memory_space<hbm>> -> memref<1x64xf32, #tpu.memory_space<hbm>>
          %dma_wait3A_972 = arith.constant 0 : i32
          %dma_wait3A_973 = arith.constant 0 : i32
          %dma_wait3A_974 = tpu.memref_slice %arg4[%dma_wait3A_972, %dma_wait3A_973] : memref<16384x64xf32, #tpu.memory_space<hbm>> -> memref<1x64xf32, #tpu.memory_space<hbm>>
          %dma_wait3A_975 = arith.constant 0 : i32
          %dma_wait3A_976 = arith.constant 0 : i32
          %dma_wait3A_977 = tpu.memref_slice %arg10[%dma_wait3A_975, %dma_wait3A_976] : memref<64x64xf32, #tpu.memory_space<vmem>> -> memref<1x64xf32, #tpu.memory_space<vmem>>
          tpu.wait_dma2 semaphore(%arg13 : memref<!tpu.dma_semaphore, #tpu.memory_space<semaphore_mem>>) src(%dma_wait3A_977 : memref<1x64xf32, #tpu.memory_space<vmem>>) dst(%dma_wait3A_974 : memref<1x64xf32, #tpu.memory_space<hbm>>)
        }
      }
      %while3A_820 = arith.constant 1 : i32
      scf.for %while3A_929 = %while3A_818 to %while3A_814 step %while3A_820  : i32 {
        %mul3A_930 = arith.constant 64 : i32
        %mul3A_931 = arith.muli %while3A_929, %mul3A_930 : i32
        %sub3A_932 = arith.subi %while3A_804, %mul3A_931 : i32
        %min3A_933 = arith.constant 64 : i32
        %min3A_934 = arith.minsi %sub3A_932, %min3A_933 : i32
        %while3A_935 = arith.constant 0 : i32
        %while3A_936 = arith.constant 0 : i32
        %while3A_937 = arith.subi %min3A_934, %while3A_936 : i32
        %while3A_938 = arith.addi %while3A_936, %while3A_937 : i32
        %while3A_939 = arith.constant 1 : i32
        %while3A_940 = arith.divsi %while3A_937, %while3A_939 : i32
        %while3A_941 = arith.muli %while3A_940, %while3A_939 : i32
        %while3A_942 = arith.addi %while3A_936, %while3A_941 : i32
        %while3A_943 = arith.constant 1 : i32
        scf.for %while3A_965 = %while3A_936 to %while3A_942 step %while3A_943  : i32 {
          %mul3A_966 = arith.constant 64 : i32
          %mul3A_967 = arith.muli %while3A_929, %mul3A_966 : i32
          %add3A_968 = arith.addi %mul3A_967, %while3A_965 : i32
          %get3A = arith.index_cast %add3A_968 : i32 to index
          %get3A_969 = tpu.vector_load %arg7[%get3A] {strides = array<i32>} : memref<16400xi32, #tpu.memory_space<vmem>>, vector<16xi32>,
          %slice3A = vector.extract_strided_slice %get3A_969 {offsets = [0], sizes = [1], strides = [1]} : vector<16xi32> to vector<1xi32>
          %squeeze3A = vector.extract %slice3A[0] : i32 from vector<1xi32>
          %shift_right_arithmetic3A = arith.constant 14 : i32
          %shift_right_arithmetic3A_970 = arith.shrsi %squeeze3A, %shift_right_arithmetic3A : i32
          %sub3A_971 = arith.subi %shift_right_arithmetic3A_970, %mul3A_787 : i32
          %broadcast_in_dim3A = vector.broadcast %sub3A_971 : i32 to vector<16xi32>
          %gather3A = tpu.vector_load_idx %arg9[%add3A_224, %broadcast_in_dim3A] : memref<64x512xf32, #tpu.memory_space<vmem>>[vector<16xi32>, vector<16xi32>], vector<16xf32>,
          %mul3A_972 = arith.constant 8.000000e+00 : f32
          %mul3A_973 = vector.broadcast %mul3A_972 : f32 to vector<16xf32>
          %mul3A_974 = arith.mulf %gather3A, %mul3A_973 : vector<16xf32>
          %swap3A = arith.index_cast %while3A_965 : i32 to index
          %swap3A_975 = arith.constant 0 : index
          %swap3A_976 = tpu.vector_load %arg10[%swap3A, %swap3A_975] {strides = array<i32>} : memref<64x64xf32, #tpu.memory_space<vmem>>, vector<16xf32>,
          tpu.vector_store %arg10[%swap3A, %swap3A_975], %mul3A_974 {strides = array<i32>} : memref<64x64xf32, #tpu.memory_space<vmem>>, vector<16xf32>,
          %gather3A_977 = tpu.vector_load_idx %arg9[%add3A_227, %broadcast_in_dim3A] : memref<64x512xf32, #tpu.memory_space<vmem>>[vector<16xi32>, vector<16xi32>], vector<16xf32>,
          %mul3A_978 = arith.constant 8.000000e+00 : f32
          %mul3A_979 = vector.broadcast %mul3A_978 : f32 to vector<16xf32>
          %mul3A_980 = arith.mulf %gather3A_977, %mul3A_979 : vector<16xf32>
          %swap3A_981 = arith.index_cast %while3A_965 : i32 to index
          %swap3A_982 = arith.constant 16 : index
          %swap3A_983 = tpu.vector_load %arg10[%swap3A_981, %swap3A_982] {strides = array<i32>} : memref<64x64xf32, #tpu.memory_space<vmem>>, vector<16xf32>,
          tpu.vector_store %arg10[%swap3A_981, %swap3A_982], %mul3A_980 {strides = array<i32>} : memref<64x64xf32, #tpu.memory_space<vmem>>, vector<16xf32>,
          %gather3A_984 = tpu.vector_load_idx %arg9[%add3A_230, %broadcast_in_dim3A] : memref<64x512xf32, #tpu.memory_space<vmem>>[vector<16xi32>, vector<16xi32>], vector<16xf32>,
          %mul3A_985 = arith.constant 8.000000e+00 : f32
          %mul3A_986 = vector.broadcast %mul3A_985 : f32 to vector<16xf32>
          %mul3A_987 = arith.mulf %gather3A_984, %mul3A_986 : vector<16xf32>
          %swap3A_988 = arith.index_cast %while3A_965 : i32 to index
          %swap3A_989 = arith.constant 32 : index
          %swap3A_990 = tpu.vector_load %arg10[%swap3A_988, %swap3A_989] {strides = array<i32>} : memref<64x64xf32, #tpu.memory_space<vmem>>, vector<16xf32>,
          tpu.vector_store %arg10[%swap3A_988, %swap3A_989], %mul3A_987 {strides = array<i32>} : memref<64x64xf32, #tpu.memory_space<vmem>>, vector<16xf32>,
          %gather3A_991 = tpu.vector_load_idx %arg9[%add3A_233, %broadcast_in_dim3A] : memref<64x512xf32, #tpu.memory_space<vmem>>[vector<16xi32>, vector<16xi32>], vector<16xf32>,
          %mul3A_992 = arith.constant 8.000000e+00 : f32
          %mul3A_993 = vector.broadcast %mul3A_992 : f32 to vector<16xf32>
          %mul3A_994 = arith.mulf %gather3A_991, %mul3A_993 : vector<16xf32>
          %swap3A_995 = arith.index_cast %while3A_965 : i32 to index
          %swap3A_996 = arith.constant 48 : index
          %swap3A_997 = tpu.vector_load %arg10[%swap3A_995, %swap3A_996] {strides = array<i32>} : memref<64x64xf32, #tpu.memory_space<vmem>>, vector<16xf32>,
          tpu.vector_store %arg10[%swap3A_995, %swap3A_996], %mul3A_994 {strides = array<i32>} : memref<64x64xf32, #tpu.memory_space<vmem>>, vector<16xf32>,
        }
        %while3A_944 = arith.constant 1 : i32
        scf.for %while3A_965 = %while3A_942 to %while3A_938 step %while3A_944  : i32 {
          %mul3A_966 = arith.constant 64 : i32
          %mul3A_967 = arith.muli %while3A_929, %mul3A_966 : i32
          %add3A_968 = arith.addi %mul3A_967, %while3A_965 : i32
          %get3A = arith.index_cast %add3A_968 : i32 to index
          %get3A_969 = tpu.vector_load %arg7[%get3A] {strides = array<i32>} : memref<16400xi32, #tpu.memory_space<vmem>>, vector<16xi32>,
          %slice3A = vector.extract_strided_slice %get3A_969 {offsets = [0], sizes = [1], strides = [1]} : vector<16xi32> to vector<1xi32>
          %squeeze3A = vector.extract %slice3A[0] : i32 from vector<1xi32>
          %shift_right_arithmetic3A = arith.constant 14 : i32
          %shift_right_arithmetic3A_970 = arith.shrsi %squeeze3A, %shift_right_arithmetic3A : i32
          %sub3A_971 = arith.subi %shift_right_arithmetic3A_970, %mul3A_787 : i32
          %broadcast_in_dim3A = vector.broadcast %sub3A_971 : i32 to vector<16xi32>
          %gather3A = tpu.vector_load_idx %arg9[%add3A_224, %broadcast_in_dim3A] : memref<64x512xf32, #tpu.memory_space<vmem>>[vector<16xi32>, vector<16xi32>], vector<16xf32>,
          %mul3A_972 = arith.constant 8.000000e+00 : f32
          %mul3A_973 = vector.broadcast %mul3A_972 : f32 to vector<16xf32>
          %mul3A_974 = arith.mulf %gather3A, %mul3A_973 : vector<16xf32>
          %swap3A = arith.index_cast %while3A_965 : i32 to index
          %swap3A_975 = arith.constant 0 : index
          %swap3A_976 = tpu.vector_load %arg10[%swap3A, %swap3A_975] {strides = array<i32>} : memref<64x64xf32, #tpu.memory_space<vmem>>, vector<16xf32>,
          tpu.vector_store %arg10[%swap3A, %swap3A_975], %mul3A_974 {strides = array<i32>} : memref<64x64xf32, #tpu.memory_space<vmem>>, vector<16xf32>,
          %gather3A_977 = tpu.vector_load_idx %arg9[%add3A_227, %broadcast_in_dim3A] : memref<64x512xf32, #tpu.memory_space<vmem>>[vector<16xi32>, vector<16xi32>], vector<16xf32>,
          %mul3A_978 = arith.constant 8.000000e+00 : f32
          %mul3A_979 = vector.broadcast %mul3A_978 : f32 to vector<16xf32>
          %mul3A_980 = arith.mulf %gather3A_977, %mul3A_979 : vector<16xf32>
          %swap3A_981 = arith.index_cast %while3A_965 : i32 to index
          %swap3A_982 = arith.constant 16 : index
          %swap3A_983 = tpu.vector_load %arg10[%swap3A_981, %swap3A_982] {strides = array<i32>} : memref<64x64xf32, #tpu.memory_space<vmem>>, vector<16xf32>,
          tpu.vector_store %arg10[%swap3A_981, %swap3A_982], %mul3A_980 {strides = array<i32>} : memref<64x64xf32, #tpu.memory_space<vmem>>, vector<16xf32>,
          %gather3A_984 = tpu.vector_load_idx %arg9[%add3A_230, %broadcast_in_dim3A] : memref<64x512xf32, #tpu.memory_space<vmem>>[vector<16xi32>, vector<16xi32>], vector<16xf32>,
          %mul3A_985 = arith.constant 8.000000e+00 : f32
          %mul3A_986 = vector.broadcast %mul3A_985 : f32 to vector<16xf32>
          %mul3A_987 = arith.mulf %gather3A_984, %mul3A_986 : vector<16xf32>
          %swap3A_988 = arith.index_cast %while3A_965 : i32 to index
          %swap3A_989 = arith.constant 32 : index
          %swap3A_990 = tpu.vector_load %arg10[%swap3A_988, %swap3A_989] {strides = array<i32>} : memref<64x64xf32, #tpu.memory_space<vmem>>, vector<16xf32>,
          tpu.vector_store %arg10[%swap3A_988, %swap3A_989], %mul3A_987 {strides = array<i32>} : memref<64x64xf32, #tpu.memory_space<vmem>>, vector<16xf32>,
          %gather3A_991 = tpu.vector_load_idx %arg9[%add3A_233, %broadcast_in_dim3A] : memref<64x512xf32, #tpu.memory_space<vmem>>[vector<16xi32>, vector<16xi32>], vector<16xf32>,
          %mul3A_992 = arith.constant 8.000000e+00 : f32
          %mul3A_993 = vector.broadcast %mul3A_992 : f32 to vector<16xf32>
          %mul3A_994 = arith.mulf %gather3A_991, %mul3A_993 : vector<16xf32>
          %swap3A_995 = arith.index_cast %while3A_965 : i32 to index
          %swap3A_996 = arith.constant 48 : index
          %swap3A_997 = tpu.vector_load %arg10[%swap3A_995, %swap3A_996] {strides = array<i32>} : memref<64x64xf32, #tpu.memory_space<vmem>>, vector<16xf32>,
          tpu.vector_store %arg10[%swap3A_995, %swap3A_996], %mul3A_994 {strides = array<i32>} : memref<64x64xf32, #tpu.memory_space<vmem>>, vector<16xf32>,
        }
        %while3A_945 = arith.constant 0 : i32
        %while3A_946 = arith.constant 0 : i32
        %while3A_947 = arith.subi %min3A_934, %while3A_946 : i32
        %while3A_948 = arith.addi %while3A_946, %while3A_947 : i32
        %while3A_949 = arith.constant 1 : i32
        %while3A_950 = arith.divsi %while3A_947, %while3A_949 : i32
        %while3A_951 = arith.muli %while3A_950, %while3A_949 : i32
        %while3A_952 = arith.addi %while3A_946, %while3A_951 : i32
        %while3A_953 = arith.constant 1 : i32
        scf.for %while3A_965 = %while3A_946 to %while3A_952 step %while3A_953  : i32 {
          %mul3A_966 = arith.constant 64 : i32
          %mul3A_967 = arith.muli %while3A_929, %mul3A_966 : i32
          %add3A_968 = arith.addi %mul3A_967, %while3A_965 : i32
          %get3A = arith.index_cast %add3A_968 : i32 to index
          %get3A_969 = tpu.vector_load %arg7[%get3A] {strides = array<i32>} : memref<16400xi32, #tpu.memory_space<vmem>>, vector<16xi32>,
          %slice3A = vector.extract_strided_slice %get3A_969 {offsets = [0], sizes = [1], strides = [1]} : vector<16xi32> to vector<1xi32>
          %squeeze3A = vector.extract %slice3A[0] : i32 from vector<1xi32>
          %and3A = arith.constant 16383 : i32
          %and3A_970 = arith.andi %squeeze3A, %and3A : i32
          %dma_start3A_971 = arith.constant 0 : i32
          %dma_start3A_972 = tpu.memref_slice %arg10[%while3A_965, %dma_start3A_971] : memref<64x64xf32, #tpu.memory_space<vmem>> -> memref<1x64xf32, #tpu.memory_space<vmem>>
          %dma_start3A_973 = arith.constant 0 : i32
          %dma_start3A_974 = tpu.memref_slice %arg4[%and3A_970, %dma_start3A_973] : memref<16384x64xf32, #tpu.memory_space<hbm>> -> memref<1x64xf32, #tpu.memory_space<hbm>>
          %dma_start3A_975 = arith.constant 0 : i32
          %dma_start3A_976 = tpu.memref_slice %arg4[%and3A_970, %dma_start3A_975] : memref<16384x64xf32, #tpu.memory_space<hbm>> -> memref<1x64xf32, #tpu.memory_space<hbm>>
          %dma_start3A_977 = arith.constant 0 : i32
          %dma_start3A_978 = tpu.memref_slice %arg10[%while3A_965, %dma_start3A_977] : memref<64x64xf32, #tpu.memory_space<vmem>> -> memref<1x64xf32, #tpu.memory_space<vmem>>
          tpu.enqueue_dma source(%dma_start3A_978 : memref<1x64xf32, #tpu.memory_space<vmem>>) target(%dma_start3A_976 : memref<1x64xf32, #tpu.memory_space<hbm>>) target_semaphore(%arg13 : memref<!tpu.dma_semaphore, #tpu.memory_space<semaphore_mem>>)
        }
        %while3A_954 = arith.constant 1 : i32
        scf.for %while3A_965 = %while3A_952 to %while3A_948 step %while3A_954  : i32 {
          %mul3A_966 = arith.constant 64 : i32
          %mul3A_967 = arith.muli %while3A_929, %mul3A_966 : i32
          %add3A_968 = arith.addi %mul3A_967, %while3A_965 : i32
          %get3A = arith.index_cast %add3A_968 : i32 to index
          %get3A_969 = tpu.vector_load %arg7[%get3A] {strides = array<i32>} : memref<16400xi32, #tpu.memory_space<vmem>>, vector<16xi32>,
          %slice3A = vector.extract_strided_slice %get3A_969 {offsets = [0], sizes = [1], strides = [1]} : vector<16xi32> to vector<1xi32>
          %squeeze3A = vector.extract %slice3A[0] : i32 from vector<1xi32>
          %and3A = arith.constant 16383 : i32
          %and3A_970 = arith.andi %squeeze3A, %and3A : i32
          %dma_start3A_971 = arith.constant 0 : i32
          %dma_start3A_972 = tpu.memref_slice %arg10[%while3A_965, %dma_start3A_971] : memref<64x64xf32, #tpu.memory_space<vmem>> -> memref<1x64xf32, #tpu.memory_space<vmem>>
          %dma_start3A_973 = arith.constant 0 : i32
          %dma_start3A_974 = tpu.memref_slice %arg4[%and3A_970, %dma_start3A_973] : memref<16384x64xf32, #tpu.memory_space<hbm>> -> memref<1x64xf32, #tpu.memory_space<hbm>>
          %dma_start3A_975 = arith.constant 0 : i32
          %dma_start3A_976 = tpu.memref_slice %arg4[%and3A_970, %dma_start3A_975] : memref<16384x64xf32, #tpu.memory_space<hbm>> -> memref<1x64xf32, #tpu.memory_space<hbm>>
          %dma_start3A_977 = arith.constant 0 : i32
          %dma_start3A_978 = tpu.memref_slice %arg10[%while3A_965, %dma_start3A_977] : memref<64x64xf32, #tpu.memory_space<vmem>> -> memref<1x64xf32, #tpu.memory_space<vmem>>
          tpu.enqueue_dma source(%dma_start3A_978 : memref<1x64xf32, #tpu.memory_space<vmem>>) target(%dma_start3A_976 : memref<1x64xf32, #tpu.memory_space<hbm>>) target_semaphore(%arg13 : memref<!tpu.dma_semaphore, #tpu.memory_space<semaphore_mem>>)
        }
        %while3A_955 = arith.constant 0 : i32
        %while3A_956 = arith.constant 0 : i32
        %while3A_957 = arith.subi %min3A_934, %while3A_956 : i32
        %while3A_958 = arith.addi %while3A_956, %while3A_957 : i32
        %while3A_959 = arith.constant 1 : i32
        %while3A_960 = arith.divsi %while3A_957, %while3A_959 : i32
        %while3A_961 = arith.muli %while3A_960, %while3A_959 : i32
        %while3A_962 = arith.addi %while3A_956, %while3A_961 : i32
        %while3A_963 = arith.constant 1 : i32
        scf.for %while3A_965 = %while3A_956 to %while3A_962 step %while3A_963  : i32 {
          %dma_wait3A_966 = arith.constant 0 : i32
          %dma_wait3A_967 = arith.constant 0 : i32
          %dma_wait3A_968 = tpu.memref_slice %arg10[%dma_wait3A_966, %dma_wait3A_967] : memref<64x64xf32, #tpu.memory_space<vmem>> -> memref<1x64xf32, #tpu.memory_space<vmem>>
          %dma_wait3A_969 = arith.constant 0 : i32
          %dma_wait3A_970 = arith.constant 0 : i32
          %dma_wait3A_971 = tpu.memref_slice %arg4[%dma_wait3A_969, %dma_wait3A_970] : memref<16384x64xf32, #tpu.memory_space<hbm>> -> memref<1x64xf32, #tpu.memory_space<hbm>>
          %dma_wait3A_972 = arith.constant 0 : i32
          %dma_wait3A_973 = arith.constant 0 : i32
          %dma_wait3A_974 = tpu.memref_slice %arg4[%dma_wait3A_972, %dma_wait3A_973] : memref<16384x64xf32, #tpu.memory_space<hbm>> -> memref<1x64xf32, #tpu.memory_space<hbm>>
          %dma_wait3A_975 = arith.constant 0 : i32
          %dma_wait3A_976 = arith.constant 0 : i32
          %dma_wait3A_977 = tpu.memref_slice %arg10[%dma_wait3A_975, %dma_wait3A_976] : memref<64x64xf32, #tpu.memory_space<vmem>> -> memref<1x64xf32, #tpu.memory_space<vmem>>
          tpu.wait_dma2 semaphore(%arg13 : memref<!tpu.dma_semaphore, #tpu.memory_space<semaphore_mem>>) src(%dma_wait3A_977 : memref<1x64xf32, #tpu.memory_space<vmem>>) dst(%dma_wait3A_974 : memref<1x64xf32, #tpu.memory_space<hbm>>)
        }
        %while3A_964 = arith.constant 1 : i32
        scf.for %while3A_965 = %while3A_962 to %while3A_958 step %while3A_964  : i32 {
          %dma_wait3A_966 = arith.constant 0 : i32
          %dma_wait3A_967 = arith.constant 0 : i32
          %dma_wait3A_968 = tpu.memref_slice %arg10[%dma_wait3A_966, %dma_wait3A_967] : memref<64x64xf32, #tpu.memory_space<vmem>> -> memref<1x64xf32, #tpu.memory_space<vmem>>
          %dma_wait3A_969 = arith.constant 0 : i32
          %dma_wait3A_970 = arith.constant 0 : i32
          %dma_wait3A_971 = tpu.memref_slice %arg4[%dma_wait3A_969, %dma_wait3A_970] : memref<16384x64xf32, #tpu.memory_space<hbm>> -> memref<1x64xf32, #tpu.memory_space<hbm>>
          %dma_wait3A_972 = arith.constant 0 : i32
          %dma_wait3A_973 = arith.constant 0 : i32
          %dma_wait3A_974 = tpu.memref_slice %arg4[%dma_wait3A_972, %dma_wait3A_973] : memref<16384x64xf32, #tpu.memory_space<hbm>> -> memref<1x64xf32, #tpu.memory_space<hbm>>
          %dma_wait3A_975 = arith.constant 0 : i32
          %dma_wait3A_976 = arith.constant 0 : i32
          %dma_wait3A_977 = tpu.memref_slice %arg10[%dma_wait3A_975, %dma_wait3A_976] : memref<64x64xf32, #tpu.memory_space<vmem>> -> memref<1x64xf32, #tpu.memory_space<vmem>>
          tpu.wait_dma2 semaphore(%arg13 : memref<!tpu.dma_semaphore, #tpu.memory_space<semaphore_mem>>) src(%dma_wait3A_977 : memref<1x64xf32, #tpu.memory_space<vmem>>) dst(%dma_wait3A_974 : memref<1x64xf32, #tpu.memory_space<hbm>>)
        }
      }
      %mul3A_821 = arith.constant 2 : i32
      %mul3A_822 = arith.muli %mul3A_821, %scan3A_431 : i32
      %add3A_823 = arith.constant 3 : i32
      %add3A_824 = arith.addi %mul3A_822, %add3A_823 : i32
      %min3A_825 = arith.constant 61 : i32
      %min3A_826 = arith.minsi %add3A_824, %min3A_825 : i32
      %mul3A_827 = arith.constant 4 : i32
      %mul3A_828 = arith.muli %min3A_826, %mul3A_827 : i32
      %add3A_829 = arith.addi %add3A_4, %mul3A_828 : i32
      %sub3A_830 = arith.constant 4 : i32
      %sub3A_831 = arith.subi %add3A_8, %sub3A_830 : i32
      %min3A_832 = arith.minsi %add3A_829, %sub3A_831 : i32
      %mul3A_833 = arith.constant 128 : i32
      %mul3A_834 = arith.muli %min3A_832, %mul3A_833 : i32
      %dma_start3A_835 = arith.constant 0 : i32
      %dma_start3A_836 = arith.constant 0 : i32
      %dma_start3A_837 = tpu.memref_slice %arg9[%dma_start3A_835, %dma_start3A_836] : memref<64x512xf32, #tpu.memory_space<vmem>> -> memref<8x512xf32, #tpu.memory_space<vmem>>
      %dma_start3A_838 = arith.constant 0 : i32
      %dma_start3A_839 = tpu.memref_slice %arg2[%dma_start3A_838, %mul3A_834] : memref<64x1000000xf32, #tpu.memory_space<hbm>> -> memref<8x512xf32, #tpu.memory_space<hbm>>
      %dma_start3A_840 = arith.constant 0 : i32
      %dma_start3A_841 = arith.constant 0 : i32
      %dma_start3A_842 = tpu.memref_slice %arg9[%dma_start3A_840, %dma_start3A_841] : memref<64x512xf32, #tpu.memory_space<vmem>> -> memref<8x512xf32, #tpu.memory_space<vmem>>
      %dma_start3A_843 = arith.constant 0 : i32
      %dma_start3A_844 = tpu.memref_slice %arg2[%dma_start3A_843, %mul3A_834] : memref<64x1000000xf32, #tpu.memory_space<hbm>> -> memref<8x512xf32, #tpu.memory_space<hbm>>
      tpu.enqueue_dma source(%dma_start3A_844 : memref<8x512xf32, #tpu.memory_space<hbm>>) target(%dma_start3A_842 : memref<8x512xf32, #tpu.memory_space<vmem>>) target_semaphore(%arg12 : memref<!tpu.dma_semaphore, #tpu.memory_space<semaphore_mem>>)
      %mul3A_845 = arith.constant 128 : i32
      %mul3A_846 = arith.muli %min3A_832, %mul3A_845 : i32
      %dma_start3A_847 = arith.constant 8 : i32
      %dma_start3A_848 = arith.constant 0 : i32
      %dma_start3A_849 = tpu.memref_slice %arg9[%dma_start3A_847, %dma_start3A_848] : memref<64x512xf32, #tpu.memory_space<vmem>> -> memref<8x512xf32, #tpu.memory_space<vmem>>
      %dma_start3A_850 = arith.constant 8 : i32
      %dma_start3A_851 = tpu.memref_slice %arg2[%dma_start3A_850, %mul3A_846] : memref<64x1000000xf32, #tpu.memory_space<hbm>> -> memref<8x512xf32, #tpu.memory_space<hbm>>
      %dma_start3A_852 = arith.constant 8 : i32
      %dma_start3A_853 = arith.constant 0 : i32
      %dma_start3A_854 = tpu.memref_slice %arg9[%dma_start3A_852, %dma_start3A_853] : memref<64x512xf32, #tpu.memory_space<vmem>> -> memref<8x512xf32, #tpu.memory_space<vmem>>
      %dma_start3A_855 = arith.constant 8 : i32
      %dma_start3A_856 = tpu.memref_slice %arg2[%dma_start3A_855, %mul3A_846] : memref<64x1000000xf32, #tpu.memory_space<hbm>> -> memref<8x512xf32, #tpu.memory_space<hbm>>
      tpu.enqueue_dma source(%dma_start3A_856 : memref<8x512xf32, #tpu.memory_space<hbm>>) target(%dma_start3A_854 : memref<8x512xf32, #tpu.memory_space<vmem>>) target_semaphore(%arg12 : memref<!tpu.dma_semaphore, #tpu.memory_space<semaphore_mem>>)
      %mul3A_857 = arith.constant 128 : i32
      %mul3A_858 = arith.muli %min3A_832, %mul3A_857 : i32
      %dma_start3A_859 = arith.constant 16 : i32
      %dma_start3A_860 = arith.constant 0 : i32
      %dma_start3A_861 = tpu.memref_slice %arg9[%dma_start3A_859, %dma_start3A_860] : memref<64x512xf32, #tpu.memory_space<vmem>> -> memref<8x512xf32, #tpu.memory_space<vmem>>
      %dma_start3A_862 = arith.constant 16 : i32
      %dma_start3A_863 = tpu.memref_slice %arg2[%dma_start3A_862, %mul3A_858] : memref<64x1000000xf32, #tpu.memory_space<hbm>> -> memref<8x512xf32, #tpu.memory_space<hbm>>
      %dma_start3A_864 = arith.constant 16 : i32
      %dma_start3A_865 = arith.constant 0 : i32
      %dma_start3A_866 = tpu.memref_slice %arg9[%dma_start3A_864, %dma_start3A_865] : memref<64x512xf32, #tpu.memory_space<vmem>> -> memref<8x512xf32, #tpu.memory_space<vmem>>
      %dma_start3A_867 = arith.constant 16 : i32
      %dma_start3A_868 = tpu.memref_slice %arg2[%dma_start3A_867, %mul3A_858] : memref<64x1000000xf32, #tpu.memory_space<hbm>> -> memref<8x512xf32, #tpu.memory_space<hbm>>
      tpu.enqueue_dma source(%dma_start3A_868 : memref<8x512xf32, #tpu.memory_space<hbm>>) target(%dma_start3A_866 : memref<8x512xf32, #tpu.memory_space<vmem>>) target_semaphore(%arg12 : memref<!tpu.dma_semaphore, #tpu.memory_space<semaphore_mem>>)
      %mul3A_869 = arith.constant 128 : i32
      %mul3A_870 = arith.muli %min3A_832, %mul3A_869 : i32
      %dma_start3A_871 = arith.constant 24 : i32
      %dma_start3A_872 = arith.constant 0 : i32
      %dma_start3A_873 = tpu.memref_slice %arg9[%dma_start3A_871, %dma_start3A_872] : memref<64x512xf32, #tpu.memory_space<vmem>> -> memref<8x512xf32, #tpu.memory_space<vmem>>
      %dma_start3A_874 = arith.constant 24 : i32
      %dma_start3A_875 = tpu.memref_slice %arg2[%dma_start3A_874, %mul3A_870] : memref<64x1000000xf32, #tpu.memory_space<hbm>> -> memref<8x512xf32, #tpu.memory_space<hbm>>
      %dma_start3A_876 = arith.constant 24 : i32
      %dma_start3A_877 = arith.constant 0 : i32
      %dma_start3A_878 = tpu.memref_slice %arg9[%dma_start3A_876, %dma_start3A_877] : memref<64x512xf32, #tpu.memory_space<vmem>> -> memref<8x512xf32, #tpu.memory_space<vmem>>
      %dma_start3A_879 = arith.constant 24 : i32
      %dma_start3A_880 = tpu.memref_slice %arg2[%dma_start3A_879, %mul3A_870] : memref<64x1000000xf32, #tpu.memory_space<hbm>> -> memref<8x512xf32, #tpu.memory_space<hbm>>
      tpu.enqueue_dma source(%dma_start3A_880 : memref<8x512xf32, #tpu.memory_space<hbm>>) target(%dma_start3A_878 : memref<8x512xf32, #tpu.memory_space<vmem>>) target_semaphore(%arg12 : memref<!tpu.dma_semaphore, #tpu.memory_space<semaphore_mem>>)
      %mul3A_881 = arith.constant 128 : i32
      %mul3A_882 = arith.muli %min3A_832, %mul3A_881 : i32
      %dma_start3A_883 = arith.constant 32 : i32
      %dma_start3A_884 = arith.constant 0 : i32
      %dma_start3A_885 = tpu.memref_slice %arg9[%dma_start3A_883, %dma_start3A_884] : memref<64x512xf32, #tpu.memory_space<vmem>> -> memref<8x512xf32, #tpu.memory_space<vmem>>
      %dma_start3A_886 = arith.constant 32 : i32
      %dma_start3A_887 = tpu.memref_slice %arg2[%dma_start3A_886, %mul3A_882] : memref<64x1000000xf32, #tpu.memory_space<hbm>> -> memref<8x512xf32, #tpu.memory_space<hbm>>
      %dma_start3A_888 = arith.constant 32 : i32
      %dma_start3A_889 = arith.constant 0 : i32
      %dma_start3A_890 = tpu.memref_slice %arg9[%dma_start3A_888, %dma_start3A_889] : memref<64x512xf32, #tpu.memory_space<vmem>> -> memref<8x512xf32, #tpu.memory_space<vmem>>
      %dma_start3A_891 = arith.constant 32 : i32
      %dma_start3A_892 = tpu.memref_slice %arg2[%dma_start3A_891, %mul3A_882] : memref<64x1000000xf32, #tpu.memory_space<hbm>> -> memref<8x512xf32, #tpu.memory_space<hbm>>
      tpu.enqueue_dma source(%dma_start3A_892 : memref<8x512xf32, #tpu.memory_space<hbm>>) target(%dma_start3A_890 : memref<8x512xf32, #tpu.memory_space<vmem>>) target_semaphore(%arg12 : memref<!tpu.dma_semaphore, #tpu.memory_space<semaphore_mem>>)
      %mul3A_893 = arith.constant 128 : i32
      %mul3A_894 = arith.muli %min3A_832, %mul3A_893 : i32
      %dma_start3A_895 = arith.constant 40 : i32
      %dma_start3A_896 = arith.constant 0 : i32
      %dma_start3A_897 = tpu.memref_slice %arg9[%dma_start3A_895, %dma_start3A_896] : memref<64x512xf32, #tpu.memory_space<vmem>> -> memref<8x512xf32, #tpu.memory_space<vmem>>
      %dma_start3A_898 = arith.constant 40 : i32
      %dma_start3A_899 = tpu.memref_slice %arg2[%dma_start3A_898, %mul3A_894] : memref<64x1000000xf32, #tpu.memory_space<hbm>> -> memref<8x512xf32, #tpu.memory_space<hbm>>
      %dma_start3A_900 = arith.constant 40 : i32
      %dma_start3A_901 = arith.constant 0 : i32
      %dma_start3A_902 = tpu.memref_slice %arg9[%dma_start3A_900, %dma_start3A_901] : memref<64x512xf32, #tpu.memory_space<vmem>> -> memref<8x512xf32, #tpu.memory_space<vmem>>
      %dma_start3A_903 = arith.constant 40 : i32
      %dma_start3A_904 = tpu.memref_slice %arg2[%dma_start3A_903, %mul3A_894] : memref<64x1000000xf32, #tpu.memory_space<hbm>> -> memref<8x512xf32, #tpu.memory_space<hbm>>
      tpu.enqueue_dma source(%dma_start3A_904 : memref<8x512xf32, #tpu.memory_space<hbm>>) target(%dma_start3A_902 : memref<8x512xf32, #tpu.memory_space<vmem>>) target_semaphore(%arg12 : memref<!tpu.dma_semaphore, #tpu.memory_space<semaphore_mem>>)
      %mul3A_905 = arith.constant 128 : i32
      %mul3A_906 = arith.muli %min3A_832, %mul3A_905 : i32
      %dma_start3A_907 = arith.constant 48 : i32
      %dma_start3A_908 = arith.constant 0 : i32
      %dma_start3A_909 = tpu.memref_slice %arg9[%dma_start3A_907, %dma_start3A_908] : memref<64x512xf32, #tpu.memory_space<vmem>> -> memref<8x512xf32, #tpu.memory_space<vmem>>
      %dma_start3A_910 = arith.constant 48 : i32
      %dma_start3A_911 = tpu.memref_slice %arg2[%dma_start3A_910, %mul3A_906] : memref<64x1000000xf32, #tpu.memory_space<hbm>> -> memref<8x512xf32, #tpu.memory_space<hbm>>
      %dma_start3A_912 = arith.constant 48 : i32
      %dma_start3A_913 = arith.constant 0 : i32
      %dma_start3A_914 = tpu.memref_slice %arg9[%dma_start3A_912, %dma_start3A_913] : memref<64x512xf32, #tpu.memory_space<vmem>> -> memref<8x512xf32, #tpu.memory_space<vmem>>
      %dma_start3A_915 = arith.constant 48 : i32
      %dma_start3A_916 = tpu.memref_slice %arg2[%dma_start3A_915, %mul3A_906] : memref<64x1000000xf32, #tpu.memory_space<hbm>> -> memref<8x512xf32, #tpu.memory_space<hbm>>
      tpu.enqueue_dma source(%dma_start3A_916 : memref<8x512xf32, #tpu.memory_space<hbm>>) target(%dma_start3A_914 : memref<8x512xf32, #tpu.memory_space<vmem>>) target_semaphore(%arg12 : memref<!tpu.dma_semaphore, #tpu.memory_space<semaphore_mem>>)
      %mul3A_917 = arith.constant 128 : i32
      %mul3A_918 = arith.muli %min3A_832, %mul3A_917 : i32
      %dma_start3A_919 = arith.constant 56 : i32
      %dma_start3A_920 = arith.constant 0 : i32
      %dma_start3A_921 = tpu.memref_slice %arg9[%dma_start3A_919, %dma_start3A_920] : memref<64x512xf32, #tpu.memory_space<vmem>> -> memref<8x512xf32, #tpu.memory_space<vmem>>
      %dma_start3A_922 = arith.constant 56 : i32
      %dma_start3A_923 = tpu.memref_slice %arg2[%dma_start3A_922, %mul3A_918] : memref<64x1000000xf32, #tpu.memory_space<hbm>> -> memref<8x512xf32, #tpu.memory_space<hbm>>
      %dma_start3A_924 = arith.constant 56 : i32
      %dma_start3A_925 = arith.constant 0 : i32
      %dma_start3A_926 = tpu.memref_slice %arg9[%dma_start3A_924, %dma_start3A_925] : memref<64x512xf32, #tpu.memory_space<vmem>> -> memref<8x512xf32, #tpu.memory_space<vmem>>
      %dma_start3A_927 = arith.constant 56 : i32
      %dma_start3A_928 = tpu.memref_slice %arg2[%dma_start3A_927, %mul3A_918] : memref<64x1000000xf32, #tpu.memory_space<hbm>> -> memref<8x512xf32, #tpu.memory_space<hbm>>
      tpu.enqueue_dma source(%dma_start3A_928 : memref<8x512xf32, #tpu.memory_space<hbm>>) target(%dma_start3A_926 : memref<8x512xf32, #tpu.memory_space<vmem>>) target_semaphore(%arg12 : memref<!tpu.dma_semaphore, #tpu.memory_space<semaphore_mem>>)
    }
    %scan3A_239 = arith.constant 31 : i32
    %dma_wait3A = arith.constant 0 : i32
    %dma_wait3A_240 = arith.constant 0 : i32
    %dma_wait3A_241 = tpu.memref_slice %arg8[%dma_wait3A, %dma_wait3A_240] : memref<64x512xf32, #tpu.memory_space<vmem>> -> memref<8x512xf32, #tpu.memory_space<vmem>>
    %dma_wait3A_242 = arith.constant 0 : i32
    %dma_wait3A_243 = arith.constant 0 : i32
    %dma_wait3A_244 = tpu.memref_slice %arg2[%dma_wait3A_242, %dma_wait3A_243] : memref<64x1000000xf32, #tpu.memory_space<hbm>> -> memref<8x512xf32, #tpu.memory_space<hbm>>
    %dma_wait3A_245 = arith.constant 0 : i32
    %dma_wait3A_246 = arith.constant 0 : i32
    %dma_wait3A_247 = tpu.memref_slice %arg8[%dma_wait3A_245, %dma_wait3A_246] : memref<64x512xf32, #tpu.memory_space<vmem>> -> memref<8x512xf32, #tpu.memory_space<vmem>>
    %dma_wait3A_248 = arith.constant 0 : i32
    %dma_wait3A_249 = arith.constant 0 : i32
    %dma_wait3A_250 = tpu.memref_slice %arg2[%dma_wait3A_248, %dma_wait3A_249] : memref<64x1000000xf32, #tpu.memory_space<hbm>> -> memref<8x512xf32, #tpu.memory_space<hbm>>
    tpu.wait_dma2 semaphore(%arg11 : memref<!tpu.dma_semaphore, #tpu.memory_space<semaphore_mem>>) src(%dma_wait3A_250 : memref<8x512xf32, #tpu.memory_space<hbm>>) dst(%dma_wait3A_247 : memref<8x512xf32, #tpu.memory_space<vmem>>)
    %dma_wait3A_251 = arith.constant 8 : i32
    %dma_wait3A_252 = arith.constant 0 : i32
    %dma_wait3A_253 = tpu.memref_slice %arg8[%dma_wait3A_251, %dma_wait3A_252] : memref<64x512xf32, #tpu.memory_space<vmem>> -> memref<8x512xf32, #tpu.memory_space<vmem>>
    %dma_wait3A_254 = arith.constant 8 : i32
    %dma_wait3A_255 = arith.constant 0 : i32
    %dma_wait3A_256 = tpu.memref_slice %arg2[%dma_wait3A_254, %dma_wait3A_255] : memref<64x1000000xf32, #tpu.memory_space<hbm>> -> memref<8x512xf32, #tpu.memory_space<hbm>>
    %dma_wait3A_257 = arith.constant 8 : i32
    %dma_wait3A_258 = arith.constant 0 : i32
    %dma_wait3A_259 = tpu.memref_slice %arg8[%dma_wait3A_257, %dma_wait3A_258] : memref<64x512xf32, #tpu.memory_space<vmem>> -> memref<8x512xf32, #tpu.memory_space<vmem>>
    %dma_wait3A_260 = arith.constant 8 : i32
    %dma_wait3A_261 = arith.constant 0 : i32
    %dma_wait3A_262 = tpu.memref_slice %arg2[%dma_wait3A_260, %dma_wait3A_261] : memref<64x1000000xf32, #tpu.memory_space<hbm>> -> memref<8x512xf32, #tpu.memory_space<hbm>>
    tpu.wait_dma2 semaphore(%arg11 : memref<!tpu.dma_semaphore, #tpu.memory_space<semaphore_mem>>) src(%dma_wait3A_262 : memref<8x512xf32, #tpu.memory_space<hbm>>) dst(%dma_wait3A_259 : memref<8x512xf32, #tpu.memory_space<vmem>>)
    %dma_wait3A_263 = arith.constant 16 : i32
    %dma_wait3A_264 = arith.constant 0 : i32
    %dma_wait3A_265 = tpu.memref_slice %arg8[%dma_wait3A_263, %dma_wait3A_264] : memref<64x512xf32, #tpu.memory_space<vmem>> -> memref<8x512xf32, #tpu.memory_space<vmem>>
    %dma_wait3A_266 = arith.constant 16 : i32
    %dma_wait3A_267 = arith.constant 0 : i32
    %dma_wait3A_268 = tpu.memref_slice %arg2[%dma_wait3A_266, %dma_wait3A_267] : memref<64x1000000xf32, #tpu.memory_space<hbm>> -> memref<8x512xf32, #tpu.memory_space<hbm>>
    %dma_wait3A_269 = arith.constant 16 : i32
    %dma_wait3A_270 = arith.constant 0 : i32
    %dma_wait3A_271 = tpu.memref_slice %arg8[%dma_wait3A_269, %dma_wait3A_270] : memref<64x512xf32, #tpu.memory_space<vmem>> -> memref<8x512xf32, #tpu.memory_space<vmem>>
    %dma_wait3A_272 = arith.constant 16 : i32
    %dma_wait3A_273 = arith.constant 0 : i32
    %dma_wait3A_274 = tpu.memref_slice %arg2[%dma_wait3A_272, %dma_wait3A_273] : memref<64x1000000xf32, #tpu.memory_space<hbm>> -> memref<8x512xf32, #tpu.memory_space<hbm>>
    tpu.wait_dma2 semaphore(%arg11 : memref<!tpu.dma_semaphore, #tpu.memory_space<semaphore_mem>>) src(%dma_wait3A_274 : memref<8x512xf32, #tpu.memory_space<hbm>>) dst(%dma_wait3A_271 : memref<8x512xf32, #tpu.memory_space<vmem>>)
    %dma_wait3A_275 = arith.constant 24 : i32
    %dma_wait3A_276 = arith.constant 0 : i32
    %dma_wait3A_277 = tpu.memref_slice %arg8[%dma_wait3A_275, %dma_wait3A_276] : memref<64x512xf32, #tpu.memory_space<vmem>> -> memref<8x512xf32, #tpu.memory_space<vmem>>
    %dma_wait3A_278 = arith.constant 24 : i32
    %dma_wait3A_279 = arith.constant 0 : i32
    %dma_wait3A_280 = tpu.memref_slice %arg2[%dma_wait3A_278, %dma_wait3A_279] : memref<64x1000000xf32, #tpu.memory_space<hbm>> -> memref<8x512xf32, #tpu.memory_space<hbm>>
    %dma_wait3A_281 = arith.constant 24 : i32
    %dma_wait3A_282 = arith.constant 0 : i32
    %dma_wait3A_283 = tpu.memref_slice %arg8[%dma_wait3A_281, %dma_wait3A_282] : memref<64x512xf32, #tpu.memory_space<vmem>> -> memref<8x512xf32, #tpu.memory_space<vmem>>
    %dma_wait3A_284 = arith.constant 24 : i32
    %dma_wait3A_285 = arith.constant 0 : i32
    %dma_wait3A_286 = tpu.memref_slice %arg2[%dma_wait3A_284, %dma_wait3A_285] : memref<64x1000000xf32, #tpu.memory_space<hbm>> -> memref<8x512xf32, #tpu.memory_space<hbm>>
    tpu.wait_dma2 semaphore(%arg11 : memref<!tpu.dma_semaphore, #tpu.memory_space<semaphore_mem>>) src(%dma_wait3A_286 : memref<8x512xf32, #tpu.memory_space<hbm>>) dst(%dma_wait3A_283 : memref<8x512xf32, #tpu.memory_space<vmem>>)
    %dma_wait3A_287 = arith.constant 32 : i32
    %dma_wait3A_288 = arith.constant 0 : i32
    %dma_wait3A_289 = tpu.memref_slice %arg8[%dma_wait3A_287, %dma_wait3A_288] : memref<64x512xf32, #tpu.memory_space<vmem>> -> memref<8x512xf32, #tpu.memory_space<vmem>>
    %dma_wait3A_290 = arith.constant 32 : i32
    %dma_wait3A_291 = arith.constant 0 : i32
    %dma_wait3A_292 = tpu.memref_slice %arg2[%dma_wait3A_290, %dma_wait3A_291] : memref<64x1000000xf32, #tpu.memory_space<hbm>> -> memref<8x512xf32, #tpu.memory_space<hbm>>
    %dma_wait3A_293 = arith.constant 32 : i32
    %dma_wait3A_294 = arith.constant 0 : i32
    %dma_wait3A_295 = tpu.memref_slice %arg8[%dma_wait3A_293, %dma_wait3A_294] : memref<64x512xf32, #tpu.memory_space<vmem>> -> memref<8x512xf32, #tpu.memory_space<vmem>>
    %dma_wait3A_296 = arith.constant 32 : i32
    %dma_wait3A_297 = arith.constant 0 : i32
    %dma_wait3A_298 = tpu.memref_slice %arg2[%dma_wait3A_296, %dma_wait3A_297] : memref<64x1000000xf32, #tpu.memory_space<hbm>> -> memref<8x512xf32, #tpu.memory_space<hbm>>
    tpu.wait_dma2 semaphore(%arg11 : memref<!tpu.dma_semaphore, #tpu.memory_space<semaphore_mem>>) src(%dma_wait3A_298 : memref<8x512xf32, #tpu.memory_space<hbm>>) dst(%dma_wait3A_295 : memref<8x512xf32, #tpu.memory_space<vmem>>)
    %dma_wait3A_299 = arith.constant 40 : i32
    %dma_wait3A_300 = arith.constant 0 : i32
    %dma_wait3A_301 = tpu.memref_slice %arg8[%dma_wait3A_299, %dma_wait3A_300] : memref<64x512xf32, #tpu.memory_space<vmem>> -> memref<8x512xf32, #tpu.memory_space<vmem>>
    %dma_wait3A_302 = arith.constant 40 : i32
    %dma_wait3A_303 = arith.constant 0 : i32
    %dma_wait3A_304 = tpu.memref_slice %arg2[%dma_wait3A_302, %dma_wait3A_303] : memref<64x1000000xf32, #tpu.memory_space<hbm>> -> memref<8x512xf32, #tpu.memory_space<hbm>>
    %dma_wait3A_305 = arith.constant 40 : i32
    %dma_wait3A_306 = arith.constant 0 : i32
    %dma_wait3A_307 = tpu.memref_slice %arg8[%dma_wait3A_305, %dma_wait3A_306] : memref<64x512xf32, #tpu.memory_space<vmem>> -> memref<8x512xf32, #tpu.memory_space<vmem>>
    %dma_wait3A_308 = arith.constant 40 : i32
    %dma_wait3A_309 = arith.constant 0 : i32
    %dma_wait3A_310 = tpu.memref_slice %arg2[%dma_wait3A_308, %dma_wait3A_309] : memref<64x1000000xf32, #tpu.memory_space<hbm>> -> memref<8x512xf32, #tpu.memory_space<hbm>>
    tpu.wait_dma2 semaphore(%arg11 : memref<!tpu.dma_semaphore, #tpu.memory_space<semaphore_mem>>) src(%dma_wait3A_310 : memref<8x512xf32, #tpu.memory_space<hbm>>) dst(%dma_wait3A_307 : memref<8x512xf32, #tpu.memory_space<vmem>>)
    %dma_wait3A_311 = arith.constant 48 : i32
    %dma_wait3A_312 = arith.constant 0 : i32
    %dma_wait3A_313 = tpu.memref_slice %arg8[%dma_wait3A_311, %dma_wait3A_312] : memref<64x512xf32, #tpu.memory_space<vmem>> -> memref<8x512xf32, #tpu.memory_space<vmem>>
    %dma_wait3A_314 = arith.constant 48 : i32
    %dma_wait3A_315 = arith.constant 0 : i32
    %dma_wait3A_316 = tpu.memref_slice %arg2[%dma_wait3A_314, %dma_wait3A_315] : memref<64x1000000xf32, #tpu.memory_space<hbm>> -> memref<8x512xf32, #tpu.memory_space<hbm>>
    %dma_wait3A_317 = arith.constant 48 : i32
    %dma_wait3A_318 = arith.constant 0 : i32
    %dma_wait3A_319 = tpu.memref_slice %arg8[%dma_wait3A_317, %dma_wait3A_318] : memref<64x512xf32, #tpu.memory_space<vmem>> -> memref<8x512xf32, #tpu.memory_space<vmem>>
    %dma_wait3A_320 = arith.constant 48 : i32
    %dma_wait3A_321 = arith.constant 0 : i32
    %dma_wait3A_322 = tpu.memref_slice %arg2[%dma_wait3A_320, %dma_wait3A_321] : memref<64x1000000xf32, #tpu.memory_space<hbm>> -> memref<8x512xf32, #tpu.memory_space<hbm>>
    tpu.wait_dma2 semaphore(%arg11 : memref<!tpu.dma_semaphore, #tpu.memory_space<semaphore_mem>>) src(%dma_wait3A_322 : memref<8x512xf32, #tpu.memory_space<hbm>>) dst(%dma_wait3A_319 : memref<8x512xf32, #tpu.memory_space<vmem>>)
    %dma_wait3A_323 = arith.constant 56 : i32
    %dma_wait3A_324 = arith.constant 0 : i32
    %dma_wait3A_325 = tpu.memref_slice %arg8[%dma_wait3A_323, %dma_wait3A_324] : memref<64x512xf32, #tpu.memory_space<vmem>> -> memref<8x512xf32, #tpu.memory_space<vmem>>
    %dma_wait3A_326 = arith.constant 56 : i32
    %dma_wait3A_327 = arith.constant 0 : i32
    %dma_wait3A_328 = tpu.memref_slice %arg2[%dma_wait3A_326, %dma_wait3A_327] : memref<64x1000000xf32, #tpu.memory_space<hbm>> -> memref<8x512xf32, #tpu.memory_space<hbm>>
    %dma_wait3A_329 = arith.constant 56 : i32
    %dma_wait3A_330 = arith.constant 0 : i32
    %dma_wait3A_331 = tpu.memref_slice %arg8[%dma_wait3A_329, %dma_wait3A_330] : memref<64x512xf32, #tpu.memory_space<vmem>> -> memref<8x512xf32, #tpu.memory_space<vmem>>
    %dma_wait3A_332 = arith.constant 56 : i32
    %dma_wait3A_333 = arith.constant 0 : i32
    %dma_wait3A_334 = tpu.memref_slice %arg2[%dma_wait3A_332, %dma_wait3A_333] : memref<64x1000000xf32, #tpu.memory_space<hbm>> -> memref<8x512xf32, #tpu.memory_space<hbm>>
    tpu.wait_dma2 semaphore(%arg11 : memref<!tpu.dma_semaphore, #tpu.memory_space<semaphore_mem>>) src(%dma_wait3A_334 : memref<8x512xf32, #tpu.memory_space<hbm>>) dst(%dma_wait3A_331 : memref<8x512xf32, #tpu.memory_space<vmem>>)
    %dma_wait3A_335 = arith.constant 0 : i32
    %dma_wait3A_336 = arith.constant 0 : i32
    %dma_wait3A_337 = tpu.memref_slice %arg8[%dma_wait3A_335, %dma_wait3A_336] : memref<64x512xf32, #tpu.memory_space<vmem>> -> memref<8x512xf32, #tpu.memory_space<vmem>>
    %dma_wait3A_338 = arith.constant 0 : i32
    %dma_wait3A_339 = arith.constant 0 : i32
    %dma_wait3A_340 = tpu.memref_slice %arg2[%dma_wait3A_338, %dma_wait3A_339] : memref<64x1000000xf32, #tpu.memory_space<hbm>> -> memref<8x512xf32, #tpu.memory_space<hbm>>
    %dma_wait3A_341 = arith.constant 0 : i32
    %dma_wait3A_342 = arith.constant 0 : i32
    %dma_wait3A_343 = tpu.memref_slice %arg8[%dma_wait3A_341, %dma_wait3A_342] : memref<64x512xf32, #tpu.memory_space<vmem>> -> memref<8x512xf32, #tpu.memory_space<vmem>>
    %dma_wait3A_344 = arith.constant 0 : i32
    %dma_wait3A_345 = arith.constant 0 : i32
    %dma_wait3A_346 = tpu.memref_slice %arg2[%dma_wait3A_344, %dma_wait3A_345] : memref<64x1000000xf32, #tpu.memory_space<hbm>> -> memref<8x512xf32, #tpu.memory_space<hbm>>
    tpu.wait_dma2 semaphore(%arg12 : memref<!tpu.dma_semaphore, #tpu.memory_space<semaphore_mem>>) src(%dma_wait3A_346 : memref<8x512xf32, #tpu.memory_space<hbm>>) dst(%dma_wait3A_343 : memref<8x512xf32, #tpu.memory_space<vmem>>)
    %dma_wait3A_347 = arith.constant 8 : i32
    %dma_wait3A_348 = arith.constant 0 : i32
    %dma_wait3A_349 = tpu.memref_slice %arg8[%dma_wait3A_347, %dma_wait3A_348] : memref<64x512xf32, #tpu.memory_space<vmem>> -> memref<8x512xf32, #tpu.memory_space<vmem>>
    %dma_wait3A_350 = arith.constant 8 : i32
    %dma_wait3A_351 = arith.constant 0 : i32
    %dma_wait3A_352 = tpu.memref_slice %arg2[%dma_wait3A_350, %dma_wait3A_351] : memref<64x1000000xf32, #tpu.memory_space<hbm>> -> memref<8x512xf32, #tpu.memory_space<hbm>>
    %dma_wait3A_353 = arith.constant 8 : i32
    %dma_wait3A_354 = arith.constant 0 : i32
    %dma_wait3A_355 = tpu.memref_slice %arg8[%dma_wait3A_353, %dma_wait3A_354] : memref<64x512xf32, #tpu.memory_space<vmem>> -> memref<8x512xf32, #tpu.memory_space<vmem>>
    %dma_wait3A_356 = arith.constant 8 : i32
    %dma_wait3A_357 = arith.constant 0 : i32
    %dma_wait3A_358 = tpu.memref_slice %arg2[%dma_wait3A_356, %dma_wait3A_357] : memref<64x1000000xf32, #tpu.memory_space<hbm>> -> memref<8x512xf32, #tpu.memory_space<hbm>>
    tpu.wait_dma2 semaphore(%arg12 : memref<!tpu.dma_semaphore, #tpu.memory_space<semaphore_mem>>) src(%dma_wait3A_358 : memref<8x512xf32, #tpu.memory_space<hbm>>) dst(%dma_wait3A_355 : memref<8x512xf32, #tpu.memory_space<vmem>>)
    %dma_wait3A_359 = arith.constant 16 : i32
    %dma_wait3A_360 = arith.constant 0 : i32
    %dma_wait3A_361 = tpu.memref_slice %arg8[%dma_wait3A_359, %dma_wait3A_360] : memref<64x512xf32, #tpu.memory_space<vmem>> -> memref<8x512xf32, #tpu.memory_space<vmem>>
    %dma_wait3A_362 = arith.constant 16 : i32
    %dma_wait3A_363 = arith.constant 0 : i32
    %dma_wait3A_364 = tpu.memref_slice %arg2[%dma_wait3A_362, %dma_wait3A_363] : memref<64x1000000xf32, #tpu.memory_space<hbm>> -> memref<8x512xf32, #tpu.memory_space<hbm>>
    %dma_wait3A_365 = arith.constant 16 : i32
    %dma_wait3A_366 = arith.constant 0 : i32
    %dma_wait3A_367 = tpu.memref_slice %arg8[%dma_wait3A_365, %dma_wait3A_366] : memref<64x512xf32, #tpu.memory_space<vmem>> -> memref<8x512xf32, #tpu.memory_space<vmem>>
    %dma_wait3A_368 = arith.constant 16 : i32
    %dma_wait3A_369 = arith.constant 0 : i32
    %dma_wait3A_370 = tpu.memref_slice %arg2[%dma_wait3A_368, %dma_wait3A_369] : memref<64x1000000xf32, #tpu.memory_space<hbm>> -> memref<8x512xf32, #tpu.memory_space<hbm>>
    tpu.wait_dma2 semaphore(%arg12 : memref<!tpu.dma_semaphore, #tpu.memory_space<semaphore_mem>>) src(%dma_wait3A_370 : memref<8x512xf32, #tpu.memory_space<hbm>>) dst(%dma_wait3A_367 : memref<8x512xf32, #tpu.memory_space<vmem>>)
    %dma_wait3A_371 = arith.constant 24 : i32
    %dma_wait3A_372 = arith.constant 0 : i32
    %dma_wait3A_373 = tpu.memref_slice %arg8[%dma_wait3A_371, %dma_wait3A_372] : memref<64x512xf32, #tpu.memory_space<vmem>> -> memref<8x512xf32, #tpu.memory_space<vmem>>
    %dma_wait3A_374 = arith.constant 24 : i32
    %dma_wait3A_375 = arith.constant 0 : i32
    %dma_wait3A_376 = tpu.memref_slice %arg2[%dma_wait3A_374, %dma_wait3A_375] : memref<64x1000000xf32, #tpu.memory_space<hbm>> -> memref<8x512xf32, #tpu.memory_space<hbm>>
    %dma_wait3A_377 = arith.constant 24 : i32
    %dma_wait3A_378 = arith.constant 0 : i32
    %dma_wait3A_379 = tpu.memref_slice %arg8[%dma_wait3A_377, %dma_wait3A_378] : memref<64x512xf32, #tpu.memory_space<vmem>> -> memref<8x512xf32, #tpu.memory_space<vmem>>
    %dma_wait3A_380 = arith.constant 24 : i32
    %dma_wait3A_381 = arith.constant 0 : i32
    %dma_wait3A_382 = tpu.memref_slice %arg2[%dma_wait3A_380, %dma_wait3A_381] : memref<64x1000000xf32, #tpu.memory_space<hbm>> -> memref<8x512xf32, #tpu.memory_space<hbm>>
    tpu.wait_dma2 semaphore(%arg12 : memref<!tpu.dma_semaphore, #tpu.memory_space<semaphore_mem>>) src(%dma_wait3A_382 : memref<8x512xf32, #tpu.memory_space<hbm>>) dst(%dma_wait3A_379 : memref<8x512xf32, #tpu.memory_space<vmem>>)
    %dma_wait3A_383 = arith.constant 32 : i32
    %dma_wait3A_384 = arith.constant 0 : i32
    %dma_wait3A_385 = tpu.memref_slice %arg8[%dma_wait3A_383, %dma_wait3A_384] : memref<64x512xf32, #tpu.memory_space<vmem>> -> memref<8x512xf32, #tpu.memory_space<vmem>>
    %dma_wait3A_386 = arith.constant 32 : i32
    %dma_wait3A_387 = arith.constant 0 : i32
    %dma_wait3A_388 = tpu.memref_slice %arg2[%dma_wait3A_386, %dma_wait3A_387] : memref<64x1000000xf32, #tpu.memory_space<hbm>> -> memref<8x512xf32, #tpu.memory_space<hbm>>
    %dma_wait3A_389 = arith.constant 32 : i32
    %dma_wait3A_390 = arith.constant 0 : i32
    %dma_wait3A_391 = tpu.memref_slice %arg8[%dma_wait3A_389, %dma_wait3A_390] : memref<64x512xf32, #tpu.memory_space<vmem>> -> memref<8x512xf32, #tpu.memory_space<vmem>>
    %dma_wait3A_392 = arith.constant 32 : i32
    %dma_wait3A_393 = arith.constant 0 : i32
    %dma_wait3A_394 = tpu.memref_slice %arg2[%dma_wait3A_392, %dma_wait3A_393] : memref<64x1000000xf32, #tpu.memory_space<hbm>> -> memref<8x512xf32, #tpu.memory_space<hbm>>
    tpu.wait_dma2 semaphore(%arg12 : memref<!tpu.dma_semaphore, #tpu.memory_space<semaphore_mem>>) src(%dma_wait3A_394 : memref<8x512xf32, #tpu.memory_space<hbm>>) dst(%dma_wait3A_391 : memref<8x512xf32, #tpu.memory_space<vmem>>)
    %dma_wait3A_395 = arith.constant 40 : i32
    %dma_wait3A_396 = arith.constant 0 : i32
    %dma_wait3A_397 = tpu.memref_slice %arg8[%dma_wait3A_395, %dma_wait3A_396] : memref<64x512xf32, #tpu.memory_space<vmem>> -> memref<8x512xf32, #tpu.memory_space<vmem>>
    %dma_wait3A_398 = arith.constant 40 : i32
    %dma_wait3A_399 = arith.constant 0 : i32
    %dma_wait3A_400 = tpu.memref_slice %arg2[%dma_wait3A_398, %dma_wait3A_399] : memref<64x1000000xf32, #tpu.memory_space<hbm>> -> memref<8x512xf32, #tpu.memory_space<hbm>>
    %dma_wait3A_401 = arith.constant 40 : i32
    %dma_wait3A_402 = arith.constant 0 : i32
    %dma_wait3A_403 = tpu.memref_slice %arg8[%dma_wait3A_401, %dma_wait3A_402] : memref<64x512xf32, #tpu.memory_space<vmem>> -> memref<8x512xf32, #tpu.memory_space<vmem>>
    %dma_wait3A_404 = arith.constant 40 : i32
    %dma_wait3A_405 = arith.constant 0 : i32
    %dma_wait3A_406 = tpu.memref_slice %arg2[%dma_wait3A_404, %dma_wait3A_405] : memref<64x1000000xf32, #tpu.memory_space<hbm>> -> memref<8x512xf32, #tpu.memory_space<hbm>>
    tpu.wait_dma2 semaphore(%arg12 : memref<!tpu.dma_semaphore, #tpu.memory_space<semaphore_mem>>) src(%dma_wait3A_406 : memref<8x512xf32, #tpu.memory_space<hbm>>) dst(%dma_wait3A_403 : memref<8x512xf32, #tpu.memory_space<vmem>>)
    %dma_wait3A_407 = arith.constant 48 : i32
    %dma_wait3A_408 = arith.constant 0 : i32
    %dma_wait3A_409 = tpu.memref_slice %arg8[%dma_wait3A_407, %dma_wait3A_408] : memref<64x512xf32, #tpu.memory_space<vmem>> -> memref<8x512xf32, #tpu.memory_space<vmem>>
    %dma_wait3A_410 = arith.constant 48 : i32
    %dma_wait3A_411 = arith.constant 0 : i32
    %dma_wait3A_412 = tpu.memref_slice %arg2[%dma_wait3A_410, %dma_wait3A_411] : memref<64x1000000xf32, #tpu.memory_space<hbm>> -> memref<8x512xf32, #tpu.memory_space<hbm>>
    %dma_wait3A_413 = arith.constant 48 : i32
    %dma_wait3A_414 = arith.constant 0 : i32
    %dma_wait3A_415 = tpu.memref_slice %arg8[%dma_wait3A_413, %dma_wait3A_414] : memref<64x512xf32, #tpu.memory_space<vmem>> -> memref<8x512xf32, #tpu.memory_space<vmem>>
    %dma_wait3A_416 = arith.constant 48 : i32
    %dma_wait3A_417 = arith.constant 0 : i32
    %dma_wait3A_418 = tpu.memref_slice %arg2[%dma_wait3A_416, %dma_wait3A_417] : memref<64x1000000xf32, #tpu.memory_space<hbm>> -> memref<8x512xf32, #tpu.memory_space<hbm>>
    tpu.wait_dma2 semaphore(%arg12 : memref<!tpu.dma_semaphore, #tpu.memory_space<semaphore_mem>>) src(%dma_wait3A_418 : memref<8x512xf32, #tpu.memory_space<hbm>>) dst(%dma_wait3A_415 : memref<8x512xf32, #tpu.memory_space<vmem>>)
    %dma_wait3A_419 = arith.constant 56 : i32
    %dma_wait3A_420 = arith.constant 0 : i32
    %dma_wait3A_421 = tpu.memref_slice %arg8[%dma_wait3A_419, %dma_wait3A_420] : memref<64x512xf32, #tpu.memory_space<vmem>> -> memref<8x512xf32, #tpu.memory_space<vmem>>
    %dma_wait3A_422 = arith.constant 56 : i32
    %dma_wait3A_423 = arith.constant 0 : i32
    %dma_wait3A_424 = tpu.memref_slice %arg2[%dma_wait3A_422, %dma_wait3A_423] : memref<64x1000000xf32, #tpu.memory_space<hbm>> -> memref<8x512xf32, #tpu.memory_space<hbm>>
    %dma_wait3A_425 = arith.constant 56 : i32
    %dma_wait3A_426 = arith.constant 0 : i32
    %dma_wait3A_427 = tpu.memref_slice %arg8[%dma_wait3A_425, %dma_wait3A_426] : memref<64x512xf32, #tpu.memory_space<vmem>> -> memref<8x512xf32, #tpu.memory_space<vmem>>
    %dma_wait3A_428 = arith.constant 56 : i32
    %dma_wait3A_429 = arith.constant 0 : i32
    %dma_wait3A_430 = tpu.memref_slice %arg2[%dma_wait3A_428, %dma_wait3A_429] : memref<64x1000000xf32, #tpu.memory_space<hbm>> -> memref<8x512xf32, #tpu.memory_space<hbm>>
    tpu.wait_dma2 semaphore(%arg12 : memref<!tpu.dma_semaphore, #tpu.memory_space<semaphore_mem>>) src(%dma_wait3A_430 : memref<8x512xf32, #tpu.memory_space<hbm>>) dst(%dma_wait3A_427 : memref<8x512xf32, #tpu.memory_space<vmem>>)
    return
  }
}

</mosaic_0001>

<sc_bundles>
// kernel: kernel.3.cloned.1.call-start
scs
__scs_entry_jumppad:
0x0: {  	(pc) =	sbr.rel $0x88, $3  }
0x1: {  	(tag) =	ssettag $0x0;
	lr =	simm.s32 $0x1  }
0x2: {  	[smem:$0x3F9F] =	sst lr;
	_ =	strace $0xD0000000  }
0x3: {  	_ = 	snop  }
0x4: {  	_ = 	snop  }
0x5: {  	_ = 	snop  }
0x6: {  	_ = 	snop  }
0x7: {  	_ = 	snop  }
__scs_overlays_trampoline_lowered:
0x8: {  	[smem:$0x3FAE] =	sst s0  }
0x9: {  	[smem:$0x3FAF] =	sst s1  }
0xa: {  	[smem:$0x3FB0] =	sst s2  }
0xb: {  	[smem:$0x3FB1] =	sst s3  }
0xc: {  	[smem:$0x3FB2] =	sst s4  }
0xd: {  	[smem:$0x3FB3] =	sst s5  }
0xe: {  	[smem:$0x3FB4] =	sst s6  }
0xf: {  	[smem:$0x3FB5] =	sst s7  }
0x10: {  	[smem:$0x3FB6] =	sst s8  }
0x11: {  	[smem:$0x3FB7] =	sst s9;
	s0 =	simm.s32 @!p0 $0x0  }
0x12: {  	s1 =	sld [smem:$0x3F9D];
	s0 =	simm.s32 @p0 $0x1  }
0x13: {  	[smem:$0x3FB8] =	sst s0;
	s0 =	simm.s32 @!p1 $0x0  }
0x14: {  	s2 =	sld [smem:$0x3F9C];
	s0 =	simm.s32 @p1 $0x1  }
0x15: {  	[smem:$0x3FB9] =	sst s0;
	s0 =	simm.s32 @!p2 $0x0  }
0x16: {  	s3 =	sld [smem:$0x3FDB];
	s0 =	simm.s32 @p2 $0x1  }
0x17: {  	s4 =	simm.s32 $0x1BF5;
	[smem:$0x3FBB] =	sst s0  }
0x18: {  	s0 =	sld [smem:$0x3F9E];
	_ =	swait.ge [sflag:s4], $0x0  }
0x19: {  	s7 =	sld [smem:$0x3F9F]  }
0x1a: {  	s8 =	sadd.s32 $0xFFFFE003, lr  }
0x1b: {  	s9 =	sadd.s32 $0xFFFFFEF7, lr;
	s5 =	simm.s32 $0xFFFFFFFF;
	p2 =	slt.u32 s8, $0xFFFFF086  }
0x1c: {  	p1 =	slt.u32 s9, $0xF7A;
	s5 =	simm.s32 @!p2 $0x0  }
0x1d: {  	s5 =	simm.s32 @p1 $0x1;
	p0 =	seq.s32 s7, s2  }
0x1e: {  	s7 =	smul.u32 @!p0 $0xF7A, s2;
	p2 =	seq.s32 @!p0 s5, $0x0  }
0x1f: {  	s9 =	smul.u32 $0xF7A, s1;
	s8 =	simm.s32 @!p0 $0x1BF5;
	p2 =	por !p2, p0  }
0x20: {  	[sflag:s8] =	ssyncset.s32 @!p0 $0xFFFFF086;
	s6 =	sadd.s32 @!p0 s3, s7;
	s7 =	simm.s32 @!p0 $0x108  }
0x21: {  	s3 =	sadd.s32 s3, s9;
	s6 =	sadd.s32 @!p0 $0x88, s6;
	s7 =	simm.s32 @p2 $0x1082  }
0x22: {  	[simem:s7], [sflag:s8] =	dma.local @!p0 [hbm:s6], $0xF7A  }
0x23: {  	s9 =	sor.u32 $0xD0000000, s2;
	s6 =	simm.s32 $0x108;
	_ =	swait.ge @!p0 [sflag:s8], $0x0  }
0x24: {  	s3 =	sadd.s32 $0x88, s3;
	s6 =	simm.s32 @!p1 $0x1082;
	[sflag:s4] =	ssyncset.s32 $0xFFFFF086  }
0x25: {  	[simem:s6], [sflag:s4] =	dma.local [hbm:s3], $0xF7A  }
0x26: {  	[smem:$0x3F9F] =	sst s1;
	(tag) =	ssettag s2;
	_ =	strace s9  }
0x27: {  	s1 =	sld [smem:$0x3FAF]  }
0x28: {  	s2 =	sld [smem:$0x3FB0]  }
0x29: {  	s4 =	sld [smem:$0x3FB2]  }
0x2a: {  	p0 =	seq.s32 s5, $0x0;
	s5 =	sld [smem:$0x3FB3]  }
0x2b: {  	s6 =	sld [smem:$0x3FB4]  }
0x2c: {  	s7 =	sld [smem:$0x3FB5]  }
0x2d: {  	s3 =	simm.s32 $0x108;
	s8 =	sld [smem:$0x3FB6]  }
0x2e: {  	s3 =	simm.s32 @!p0 $0x1082;
	s9 =	sld [smem:$0x3FB7]  }
0x2f: {  	lr =	sadd.s32 s0, s3;
	s0 =	sld [smem:$0x3FAE]  }
0x30: {  	s3 =	sld [smem:$0x3FB1]  }
0x31: {  	[smem:$0x3FBA] =	sst s10  }
0x32: {  	s10 =	sld [smem:$0x3FB8];
	_ =	sdelay $0x3  }
0x33: {  	p0 =	seq.s32 s10, $0x1;
	s10 =	sld [smem:$0x3FBA];
	_ =	sdelay $0x3  }
0x34: {  	[smem:$0x3FBA] =	sst s10  }
0x35: {  	s10 =	sld [smem:$0x3FB9];
	_ =	sdelay $0x3  }
0x36: {  	p1 =	seq.s32 s10, $0x1;
	s10 =	sld [smem:$0x3FBA];
	_ =	sdelay $0x3  }
0x37: {  	[smem:$0x3FBA] =	sst s10  }
0x38: {  	s10 =	sld [smem:$0x3FBB]  }
0x39: {  	_ = 	snop;
	(pc) =	sbr.ind lr, $3  }
0x3a: {  	_ = 	snop  }
0x3b: {  	_ = 	snop  }
0x3c: {  	p2 =	seq.s32 s10, $0x1;
	s10 =	sld [smem:$0x3FBA]  }
0x3d: {  	_ =	shalt  }
0x3e: {  	_ =	shalt  }
0x3f: {  	_ =	shalt  }
0x40: {  	_ =	shalt  }
0x41: {  	_ =	shalt  }
0x42: {  	_ =	shalt  }
0x43: {  	_ =	shalt  }
0x44: {  	_ =	shalt  }
0x45: {  	_ =	shalt  }
0x46: {  	_ =	shalt  }
0x47: {  	_ =	shalt  }
0x48: {  	_ =	shalt  }
0x49: {  	_ =	shalt  }
0x4a: {  	_ =	shalt  }
0x4b: {  	_ =	shalt  }
0x4c: {  	_ =	shalt  }
0x4d: {  	_ =	shalt  }
0x4e: {  	_ =	shalt  }
0x4f: {  	_ =	shalt  }
0x50: {  	_ =	shalt  }
0x51: {  	_ =	shalt  }
0x52: {  	_ =	shalt  }
0x53: {  	_ =	shalt  }
0x54: {  	_ =	shalt  }
0x55: {  	_ =	shalt  }
0x56: {  	_ =	shalt  }
0x57: {  	_ =	shalt  }
0x58: {  	_ =	shalt  }
0x59: {  	_ =	shalt  }
0x5a: {  	_ =	shalt  }
0x5b: {  	_ =	shalt  }
0x5c: {  	_ =	shalt  }
0x5d: {  	_ =	shalt  }
0x5e: {  	_ =	shalt  }
0x5f: {  	_ =	shalt  }
0x60: {  	_ =	shalt  }
0x61: {  	_ =	shalt  }
0x62: {  	_ =	shalt  }
0x63: {  	_ =	shalt  }
0x64: {  	_ =	shalt  }
0x65: {  	_ =	shalt  }
0x66: {  	_ =	shalt  }
0x67: {  	_ =	shalt  }
0x68: {  	_ =	shalt  }
0x69: {  	_ =	shalt  }
0x6a: {  	_ =	shalt  }
0x6b: {  	_ =	shalt  }
0x6c: {  	_ =	shalt  }
0x6d: {  	_ =	shalt  }
0x6e: {  	_ =	shalt  }
0x6f: {  	_ =	shalt  }
0x70: {  	_ =	shalt  }
0x71: {  	_ =	shalt  }
0x72: {  	_ =	shalt  }
0x73: {  	_ =	shalt  }
0x74: {  	_ =	shalt  }
0x75: {  	_ =	shalt  }
0x76: {  	_ =	shalt  }
0x77: {  	_ =	shalt  }
0x78: {  	_ =	shalt  }
0x79: {  	_ =	shalt  }
0x7a: {  	_ =	shalt  }
0x7b: {  	_ =	shalt  }
0x7c: {  	_ =	shalt  }
0x7d: {  	_ =	shalt  }
0x7e: {  	_ =	shalt  }
0x7f: {  	_ =	shalt  }
0x80: {  	_ =	shalt  }
0x81: {  	_ =	shalt  }
0x82: {  	_ =	shalt  }
0x83: {  	_ =	shalt  }
0x84: {  	_ =	shalt  }
0x85: {  	_ =	shalt  }
0x86: {  	_ =	shalt  }
0x87: {  	_ =	shalt  }
.Lfunc_end0:
.L_simem_size_0:
called_computation_lowered:
.L_overlay_start_0:
0x88: {  	s2 =	sld [smem:$0x3FD9]  }
0x89: {  	s3 =	sld [smem:$0x3FFE];
	_ =	sdelay $0x1  }
0x8a: {  	s1 =	srdreg.scid  }
0x8b: {  	s0 =	sand.u32 $0x1, s1  }
0x8c: {  	s17 =	sshll.u32 s0, $0xA;
	s2 =	sadd.s32 s3, s2  }
0x8d: {  	s2 =	sadd.s32 s2, s17  }
0x8e: {  	[smem:$0x3FC6] =	sst s2  }
0x8f: {  	_ = 	snop  }
0x90: {  	s2 =	sld [smem:$0x3FC9]  }
0x91: {  	s18 =	sld [smem:$0x3FC8];
	(tm) =	ssettm $0x1  }
0x92: {  	s4 =	sld [smem:$0x3FFB];
	_ =	sdelay $0x3  }
0x93: {  	_ =	strace s4  }
0x94: {  	s4 =	sld [smem:$0x3FFC];
	_ =	sdelay $0x3  }
0x95: {  	_ =	strace s4  }
0x96: {  	s4 =	sld [smem:$0x3FFD];
	_ =	sdelay $0x3  }
0x97: {  	_ =	strace s4  }
0x98: {  	_ =	strace $0x8FFFFFFF  }
0x99: {  	s19 =	sld [smem:$0x3FDB];
	_ =	sdelay $0x1  }
0x9a: {  	s5 =	simm.s32 $_scs_section_size  }
0x9b: {  	s6 =	simm.s32 $_size__tile_overlayer_lowered;
	s7 =	simm.s32 $_tile_overlayer_lowered  }
0x9c: {  	s22 =	simm.s32 $0x1BFF;
	s21 =	sshll.u32 s7, $0x1;
	s4 =	sadd.s32 s5, s19  }
0x9d: {  	s8 =	simm.s32 $0x0;
	s20 =	sshll.u32 s6, $0x1;
	s6 =	sadd.s32 s21, s4  }
0x9e: {  	[timem:s8], [sflag:s22] =	dma.local [hbm:s6], s20  }
0x9f: {  	_ =	swait.ge [sflag:s22], s20  }
0xa0: {  	s5 =	ssub.s32 $0x0, s20;
	[sflag:s22] =	ssyncset.done $0x0  }
0xa1: {  	[sflag:s22] =	ssyncadd.s32 s5;
	_ =	sdelay $0x1  }
0xa2: {  	s23 =	simm.s32 $0x1B8B  }
0xa3: {  	_ =	swait.ge [sflag:s23], $0x1  }
0xa4: {  	[sflag:s23] =	ssyncset.done $0x0  }
0xa5: {  	s25 =	simm.s32 $0x1B8E;
	s24 =	sld [smem:$0x3FFE];
	[sflag:s23] =	ssyncadd.s32 $0xFFFFFFFF  }
0xa6: {  	s26 =	simm.s32 $execute0_lowered;
	[smem:$0x3FD2] =	sst s25  }
0xa7: {  	s6 =	sshll.u32 s26, $0x1;
	_ =	strace $0x80000046;
	[dreg:$0x1] =	wrdreg $0xFFFFFFFF  }
0xa8: {  	s28 =	simm.s32 $_size_execute0_lowered;
	s4 =	sadd.s32 s4, s6;
	[dreg:$0x0] =	wrdreg $0x0  }
0xa9: {  	s6 =	sshll.u32 s28, $0x1;
	[dreg:$0x2] =	wrdreg s4  }
0xaa: {  	[dreg:$0x3] =	wrdreg s6  }
0xab: {  	[dreg:$0x4] =	wrdreg $0xC0  }
0xac: {  	_ =	task [dreg:s8], $0x5FFFF  }
0xad: {  	[dreg:$0x1] =	wrdreg $0xFFFFFFFF  }
0xae: {  	[dreg:$0x0] =	wrdreg $0x60  }
0xaf: {  	[dreg:$0x2] =	wrdreg s18  }
0xb0: {  	[dreg:$0x3] =	wrdreg s2  }
0xb1: {  	[dreg:$0x4] =	wrdreg s24  }
0xb2: {  	[dreg:$0x5] =	wrdreg $0x9  }
0xb3: {  	_ =	task.clear_ibuf [dreg:s8], $0x6FFFF;
	_ =	strace $0x90000046  }
0xb4: {  	s29 =	simm.s32 $0x9;
	_ =	strace $0x80000048  }
0xb5: {  	_ =	swait.ge [sflag:s29], $0x1  }
0xb6: {  	[sflag:s29] =	ssyncadd.s32 $0xFFFFFFFF  }
0xb7: {  	_ =	strace $0x90000048  }
0xb8: {  	_ =	sfence  }
0xb9: {  	s30 =	sld [smem:$0x0];
	_ =	sdelay $0x2  }
0xba: {  	s31 =	sshll.u32 s1, $0xD;
	s1 =	sshrl.u32 s1, $0x2  }
0xbb: {  	s3 =	sand.u32 $0x4000, s31;
	s1 =	sadd.s32 s1, s30  }
0xbc: {  	s0 =	sor.u32 s3, s0;
	s1 =	sshll.u32 s1, $0x11  }
0xbd: {  	s0 =	sor.u32 s1, s0  }
0xbe: {  	s0 =	sadd.s32 $0x8F2B, s0  }
0xbf: {  	[sflag:s0] =	ssyncadd.remote.s32 $0x1  }
0xc0: {  	_ =	sfence.sel $0xFFFF  }
0xc1: {  	[dreg:$0x0] =	wrdreg $0xFFFFFFFF;
	(pc) =	sbr.abs _section_cstart, $3  }
0xc2: {  	[dreg:$0x1] =	wrdreg $0xFFFFFFFF  }
0xc3: {  	_ =	task.clear_ibuf [dreg:s8], $0x2FFFF;
	_ =	strace $0x9FFFFFFF  }
0xc4: {  	(tm) =	ssettm $0x7FFFFFFF  }
0xc5: {  	_ =	shalt  }
tec
execute0_lowered:
.L_overlay_start_1:
0x0: {  	(tag) =	ssettag $0x1  }
0x1: {  	v0 =	vimm.s32 $0x1380;
	vm14 =	vcmask $0x300  }
0x2: {  	vm13 =	vcmask $0x704;
	vm12 =	vcmask $0xB08;
	vm11 =	vcmask $0xF0C  }
0x3: {  	vm10 =	vcmask $0x1310;
	vm9 =	vcmask $0x1714;
	s0 =	srdreg.scid;
	s1 =	stileid.u32;
	vm7 =	vcmask $0x1B18  }
0x4: {  	vm8 =	vcmask $0x1F1C;
	vm6 =	vcmask $0x2320;
	vm5 =	vcmask $0x2724;
	s7 =	rddreg [dreg:$0x2];
	s0 =	sand.u32 $0x1, s0;
	s2 =	sshll.u32 s1, $0x1  }
0x5: {  	vm4 =	vcmask $0x2B28;
	vm3 =	vcmask $0x2F2C;
	vm0 =	vcmask $0x3330;
	s5 =	simm.s32 $0x0;
	s29 =	simm.s32 $0xC100;
	s2 =	sor.u32 s0, s2  }
0x6: {  	vm1 =	vcmask $0x3734;
	vm2 =	vcmask $0x3B38;
	v3 =	vlaneseq.u32;
	s1 =	rddreg [dreg:$0x0];
	s0 =	ssub.s32 $0x2, s0;
	s3 =	smul.u32 $0xF4, s2  }
0x7: {  	v5 =	vimm.s32 $0x3380;
	v6 =	vimm.s32 $0x5380;
	v7 =	vimm.s32 $0x7380;
	[smem:$0x7FF] =	sst s5;
	s4 =	smin.u32 s2, $0x5;
	s17 =	sshrl.u32 s0, $0x1  }
0x8: {  	v0 =	vsel vm14, $0x0, v0;
	v5 =	vsel vm14, $0x2000, v5;
	v6 =	vsel vm14, $0x4000, v6;
	_ =	strace $0x80000047;
	s0 =	ssub.s32 s0, s17;
	s4 =	sadd.s32 s4, s3  }
0x9: {  	v7 =	vsel vm14, $0x6000, v7;
	v0 =	vsel vm13, $0x80, v0;
	v5 =	vsel vm13, $0x2080, v5;
	p0 =	slt.u32 s2, $0x5;
	s0 =	smax.u32 s0, $0x1;
	s8 =	sshll.u32 s4, $0x7  }
0xa: {  	v6 =	vsel vm13, $0x4080, v6;
	v7 =	vsel vm13, $0x6080, v7;
	v0 =	vsel vm12, $0x100, v0;
	s2 =	simm.s32 $0xF5;
	[dreg:$0x15] =	wrdreg s0;
	s10 =	sadd.s32 s1, s8  }
0xb: {  	v5 =	vsel vm12, $0x2100, v5;
	v6 =	vsel vm12, $0x4100, v6;
	v7 =	vsel vm12, $0x6100, v7;
	s2 =	simm.s32 @!p0 $0xF4;
	s13 =	sadd.s32 $0x6AD180, s10;
	[dreg:$0x4] =	wrdreg s10  }
0xc: {  	v0 =	vsel vm11, $0x180, v0;
	v5 =	vsel vm11, $0x2180, v5;
	v6 =	vsel vm11, $0x4180, v6;
	s17 =	simm.s32 $0x19100;
	s15 =	sadd.s32 $0x1E8500, s10;
	[dreg:$0x5] =	wrdreg s13  }
0xd: {  	v7 =	vsel vm11, $0x6180, v7;
	v0 =	vsel vm10, $0x200, v0;
	v5 =	vsel vm10, $0x2200, v5;
	s3 =	sadd.s32 s4, s2;
	s11 =	sadd.s32 $0x2DC780, s10;
	[dreg:$0x6] =	wrdreg s15  }
0xe: {  	v6 =	vsel vm10, $0x4200, v6;
	v7 =	vsel vm10, $0x6200, v7;
	v0 =	vsel vm9, $0x280, v0;
	s12 =	sadd.s32 $0x4, s4;
	s19 =	sadd.s32 $0x3D0A00, s10;
	[dreg:$0x8] =	wrdreg s11  }
0xf: {  	v5 =	vsel vm9, $0x2280, v5;
	v6 =	vsel vm9, $0x4280, v6;
	v7 =	vsel vm9, $0x6280, v7;
	s6 =	sadd.s32 $0xFFFFFFFC, s3;
	s21 =	sadd.s32 $0x4C4C80, s10;
	[dreg:$0xa] =	wrdreg s19  }
0x10: {  	v0 =	vsel vm7, $0x300, v0;
	v5 =	vsel vm7, $0x2300, v5;
	v6 =	vsel vm7, $0x4300, v6;
	s3 =	smin.u32 s12, s6;
	s23 =	sadd.s32 $0xF4280, s10;
	[dreg:$0xd] =	wrdreg s21  }
0x11: {  	v7 =	vsel vm7, $0x6300, v7;
	v0 =	vsel vm8, $0x380, v0;
	s24 =	sadd.s32 $0x5B8F00, s10;
	v5 =	vsel vm8, $0x2380, v5;
	s3 =	sshll.u32 s3, $0x7;
	[dreg:$0xf] =	wrdreg s23  }
0x12: {  	s28 =	sadd.s32 $0xC, s4;
	v6 =	vsel vm8, $0x4380, v6;
	v7 =	vsel vm8, $0x6380, v7;
	v0 =	vsel vm6, $0x1000, v0;
	[dreg:$0x10] =	wrdreg s24;
	s9 =	sand.u32 $0x1FFFFF80, s3  }
0x13: {  	v5 =	vsel vm6, $0x3000, v5;
	v6 =	vsel vm6, $0x5000, v6;
	v7 =	vsel vm6, $0x7000, v7;
	s11 =	simm.s32 $0x14100;
	s26 =	sadd.s32 s1, s3;
	s14 =	sadd.s32 s1, s9  }
0x14: {  	s15 =	simm.s32 $0x18100;
	v0 =	vsel vm5, $0x1080, v0;
	v5 =	vsel vm5, $0x3080, v5;
	v6 =	vsel vm5, $0x5080, v6;
	[dreg:$0x12] =	wrdreg s26;
	s16 =	sadd.s32 $0x1E8500, s14  }
0x15: {  	s19 =	simm.s32 $0x1B100;
	v7 =	vsel vm5, $0x7080, v7;
	v0 =	vsel vm4, $0x1100, v0;
	v5 =	vsel vm4, $0x3100, v5;
	s18 =	sadd.s32 $0x2DC780, s14;
	[dreg:$0x7] =	wrdreg s16  }
0x16: {  	s21 =	simm.s32 $0x1;
	v6 =	vsel vm4, $0x5100, v6;
	v7 =	vsel vm4, $0x7100, v7;
	v1 =	vsel vm3, $0x1180, v0;
	s20 =	sadd.s32 $0x3D0A00, s14;
	[dreg:$0x9] =	wrdreg s18  }
0x17: {  	s23 =	simm.s32 $0x2;
	v0 =	vmov s4;
	s22 =	sadd.s32 $0x4C4C80, s14;
	v5 =	vsel vm3, $0x3180, v5;
	v6 =	vsel vm3, $0x5180, v6;
	[dreg:$0xb] =	wrdreg s20  }
.Ltmp0:
0x18: {  	s25 =	sadd.s32 $0x5B8F00, s14;
	v7 =	vsel vm3, $0x7180, v7;
	v2 =	vsel vm0, $0x1200, v1;
	v1 =	vmov s2;
	[dreg:$0xe] =	wrdreg s22;
	(pc) =	sbr.rel .LBB2_1-.Ltmp0, $4  }
0x19: {  	s26 =	sadd.s32 $0x8, s4;
	s30 =	sadd.s32 $0xF4280, s14;
	[dreg:$0x11] =	wrdreg s25;
	v5 =	vsel vm0, $0x3200, v5;
	v6 =	vsel vm0, $0x5200, v6;
	v7 =	vsel vm0, $0x7200, v7  }
0x1a: {  	s31 =	sadd.s32 $0x6AD180, s14;
	s2 =	sshll.u32 s2, $0x7;
	[dreg:$0x13] =	wrdreg s30;
	v4 =	vsel vm1, $0x1280, v2;
	v2 =	vmov s8;
	v5 =	vsel vm1, $0x3280, v5  }
0x1b: {  	[dreg:$0x14] =	wrdreg s31;
	s18 =	simm.s32 $0x1A100;
	s22 =	simm.s32 $0x3;
	v6 =	vsel vm1, $0x5280, v6;
	v7 =	vsel vm1, $0x7280, v7;
	v4 =	vsel vm2, $0x1300, v4  }
0x1c: {  	s8 =	sadd.s32 $0x400, s7;
	[dreg:$0xc] =	wrdreg s2;
	s2 =	simm.s32 $0x0;
	v5 =	vsel vm2, $0x3300, v5;
	v6 =	vsel vm2, $0x5300, v6;
	v7 =	vsel vm2, $0x7300, v7  }
.LBB2_43:
0x1d: {  	_ =	swait.ge [sflag:s21], $0x1000  }
0x1e: {  	[sflag:s21] =	ssyncset.done $0x0  }
0x1f: {  	[sflag:s21] =	ssyncadd.s32 $0xFFFFF000  }
0x20: {  	_ =	swait.ge [sflag:s21], $0x1000  }
0x21: {  	[sflag:s21] =	ssyncset.done $0x0  }
0x22: {  	[sflag:s21] =	ssyncadd.s32 $0xFFFFF000  }
0x23: {  	_ =	swait.ge [sflag:s21], $0x1000  }
0x24: {  	[sflag:s21] =	ssyncset.done $0x0  }
0x25: {  	[sflag:s21] =	ssyncadd.s32 $0xFFFFF000  }
0x26: {  	_ =	swait.ge [sflag:s21], $0x1000  }
0x27: {  	[sflag:s21] =	ssyncset.done $0x0  }
0x28: {  	[sflag:s21] =	ssyncadd.s32 $0xFFFFF000  }
0x29: {  	_ =	swait.ge [sflag:s21], $0x1000  }
0x2a: {  	[sflag:s21] =	ssyncset.done $0x0  }
0x2b: {  	[sflag:s21] =	ssyncadd.s32 $0xFFFFF000  }
0x2c: {  	_ =	swait.ge [sflag:s21], $0x1000  }
0x2d: {  	[sflag:s21] =	ssyncset.done $0x0  }
0x2e: {  	[sflag:s21] =	ssyncadd.s32 $0xFFFFF000  }
0x2f: {  	_ =	swait.ge [sflag:s21], $0x1000  }
0x30: {  	[sflag:s21] =	ssyncset.done $0x0  }
0x31: {  	[sflag:s21] =	ssyncadd.s32 $0xFFFFF000  }
0x32: {  	_ =	swait.ge [sflag:s21], $0x1000  }
0x33: {  	[sflag:s21] =	ssyncset.done $0x0  }
0x34: {  	[sflag:s21] =	ssyncadd.s32 $0xFFFFF000  }
0x35: {  	_ =	swait.ge [sflag:s23], $0x1000  }
0x36: {  	[sflag:s23] =	ssyncset.done $0x0  }
0x37: {  	[sflag:s23] =	ssyncadd.s32 $0xFFFFF000  }
0x38: {  	_ =	swait.ge [sflag:s23], $0x1000  }
0x39: {  	[sflag:s23] =	ssyncset.done $0x0  }
0x3a: {  	[sflag:s23] =	ssyncadd.s32 $0xFFFFF000  }
0x3b: {  	_ =	swait.ge [sflag:s23], $0x1000  }
0x3c: {  	[sflag:s23] =	ssyncset.done $0x0  }
0x3d: {  	[sflag:s23] =	ssyncadd.s32 $0xFFFFF000  }
0x3e: {  	_ =	swait.ge [sflag:s23], $0x1000  }
0x3f: {  	[sflag:s23] =	ssyncset.done $0x0  }
0x40: {  	[sflag:s23] =	ssyncadd.s32 $0xFFFFF000  }
0x41: {  	_ =	swait.ge [sflag:s23], $0x1000  }
0x42: {  	[sflag:s23] =	ssyncset.done $0x0  }
0x43: {  	[sflag:s23] =	ssyncadd.s32 $0xFFFFF000  }
0x44: {  	_ =	swait.ge [sflag:s23], $0x1000  }
0x45: {  	[sflag:s23] =	ssyncset.done $0x0  }
0x46: {  	[sflag:s23] =	ssyncadd.s32 $0xFFFFF000  }
0x47: {  	_ =	swait.ge [sflag:s23], $0x1000  }
0x48: {  	[sflag:s23] =	ssyncset.done $0x0  }
0x49: {  	[sflag:s23] =	ssyncadd.s32 $0xFFFFF000  }
0x4a: {  	_ =	swait.ge [sflag:s23], $0x1000  }
0x4b: {  	s2 =	rddreg [dreg:$0x16]  }
0x4c: {  	s0 =	rddreg [dreg:$0x15];
	s2 =	sadd.s32 $0x1, s2  }
0x4d: {  	p0 =	sne.s32 s2, s0  }
.Ltmp1:
0x4e: {  	_ = 	snop;
	(pc) =	sbr.rel @!p0 .LBB2_44-.Ltmp1, $3  }
0x4f: {  	_ =	sdelay $0x1  }
0x50: {  	[sflag:s23] =	ssyncset.done $0x0  }
0x51: {  	[sflag:s23] =	ssyncadd.s32 $0xFFFFF000  }
.LBB2_1:
0x52: {  	[dreg:$0x16] =	wrdreg s2  }
0x53: {  	s0 =	rddreg [dreg:$0x4]  }
0x54: {  	[tilespmem:s29], [sflag:$0x1] =	stream.linear.gather [hbm4b:s0+s5], $0x1000, $0x38;
	[tilespmem:$0x1E100] =	vst v63  }
0x55: {  	s2 =	rddreg [dreg:$0xf];
	s3 =	simm.s32 $0xD100  }
0x56: {  	[tilespmem:s3], [sflag:$0x1] =	stream.linear.gather [hbm4b:s2+s5], $0x1000, $0x38;
	[tilespmem:$0x1E100] =	vst v63  }
0x57: {  	s7 =	rddreg [dreg:$0x6];
	s9 =	simm.s32 $0xE100  }
0x58: {  	[tilespmem:s9], [sflag:$0x1] =	stream.linear.gather [hbm4b:s7+s5], $0x1000, $0x38;
	[tilespmem:$0x1E100] =	vst v63  }
0x59: {  	s10 =	rddreg [dreg:$0x8];
	s12 =	simm.s32 $0xF100  }
0x5a: {  	[tilespmem:s12], [sflag:$0x1] =	stream.linear.gather [hbm4b:s10+s5], $0x1000, $0x38;
	[tilespmem:$0x1E100] =	vst v63  }
0x5b: {  	s13 =	rddreg [dreg:$0xa];
	s14 =	simm.s32 $0x10100  }
0x5c: {  	[tilespmem:s14], [sflag:$0x1] =	stream.linear.gather [hbm4b:s13+s5], $0x1000, $0x38;
	[tilespmem:$0x1E100] =	vst v63  }
0x5d: {  	s16 =	rddreg [dreg:$0xd];
	s20 =	simm.s32 $0x11100  }
0x5e: {  	[tilespmem:s20], [sflag:$0x1] =	stream.linear.gather [hbm4b:s16+s5], $0x1000, $0x38;
	[tilespmem:$0x1E100] =	vst v63  }
0x5f: {  	s24 =	rddreg [dreg:$0x10];
	s25 =	simm.s32 $0x12100  }
0x60: {  	[tilespmem:s25], [sflag:$0x1] =	stream.linear.gather [hbm4b:s24+s5], $0x1000, $0x38;
	[tilespmem:$0x1E100] =	vst v63  }
0x61: {  	s30 =	rddreg [dreg:$0x5];
	s31 =	simm.s32 $0x13100  }
0x62: {  	[tilespmem:s31], [sflag:$0x1] =	stream.linear.gather [hbm4b:s30+s5], $0x1000, $0x38;
	[tilespmem:$0x1E100] =	vst v63  }
0x63: {  	s3 =	rddreg [dreg:$0x12]  }
0x64: {  	[tilespmem:s11], [sflag:$0x2] =	stream.linear.gather [hbm4b:s3+s5], $0x1000, $0x38;
	[tilespmem:$0x1E100] =	vst v63  }
0x65: {  	s7 =	rddreg [dreg:$0x13];
	s9 =	simm.s32 $0x15100  }
0x66: {  	[tilespmem:s9], [sflag:$0x2] =	stream.linear.gather [hbm4b:s7+s5], $0x1000, $0x38;
	[tilespmem:$0x1E100] =	vst v63  }
0x67: {  	s10 =	rddreg [dreg:$0x7];
	s12 =	simm.s32 $0x16100  }
0x68: {  	[tilespmem:s12], [sflag:$0x2] =	stream.linear.gather [hbm4b:s10+s5], $0x1000, $0x38;
	[tilespmem:$0x1E100] =	vst v63  }
0x69: {  	s13 =	rddreg [dreg:$0x9];
	s14 =	simm.s32 $0x17100  }
0x6a: {  	[tilespmem:s14], [sflag:$0x2] =	stream.linear.gather [hbm4b:s13+s5], $0x1000, $0x38;
	[tilespmem:$0x1E100] =	vst v63  }
0x6b: {  	s16 =	rddreg [dreg:$0xb]  }
0x6c: {  	[tilespmem:s15], [sflag:$0x2] =	stream.linear.gather [hbm4b:s16+s5], $0x1000, $0x38;
	[tilespmem:$0x1E100] =	vst v63  }
0x6d: {  	s20 =	rddreg [dreg:$0xe]  }
0x6e: {  	[tilespmem:s17], [sflag:$0x2] =	stream.linear.gather [hbm4b:s20+s5], $0x1000, $0x38;
	[tilespmem:$0x1E100] =	vst v63  }
0x6f: {  	s24 =	rddreg [dreg:$0x11]  }
0x70: {  	[tilespmem:s18], [sflag:$0x2] =	stream.linear.gather [hbm4b:s24+s5], $0x1000, $0x38;
	[tilespmem:$0x1E100] =	vst v63  }
0x71: {  	s25 =	rddreg [dreg:$0x14]  }
0x72: {  	[tilespmem:s19], [sflag:$0x2] =	stream.linear.gather [hbm4b:s25+s5], $0x1000, $0x38;
	[tilespmem:$0x1E100] =	vst v63  }
0x73: {  	s30 =	rddreg [dreg:$0x1];
	s31 =	simm.s32 $0x4  }
0x74: {  	[tilespmem:s5], [sflag:$0x4] =	stream.linear.gather [hbm4b:s30+s5], $0x4000, $0x38;
	[tilespmem:$0x1E100] =	vst v63  }
0x75: {  	_ =	swait.ge [sflag:s31], $0x4000  }
0x76: {  	[sflag:s31] =	ssyncset.done $0x0  }
0x77: {  	[sflag:s31] =	ssyncadd.s32 $0xFFFFC000  }
0x78: {  	v8 =	vld [tilespmem:s5+$0x0];
	_ =	sdelay $0x4  }
0x79: {  	v9 =	vshra.s32 v8, $0x7  }
0x7a: {  	v9 =	vsub.s32 v9, v0  }
0x7b: {  	vm0 =	vlt.u32 v9, v1  }
0x7c: {  	v9 =	vmpcnt.ones.xlane vm0;
	_ =	sdelay $0x1  }
0x7d: {  	v8 =	vsub.s32 v8, v2;
	(v2sf) =	vpush v9, $0x0  }
0x7e: {  	v8 =	vshll.u32 v8, $0xE  }
0x7f: {  	v8 =	vadd.s32 s5, v8  }
0x80: {  	v8 =	vadd.s32 v3, v8  }
0x81: {  	s0 =	simm.s32 $0x10;
	[tilespmem:s5+$0x4000] =	vst.msk vm0, v8  }
0x82: {  	v8 =	vld [tilespmem:s0+$0x0];
	_ =	sdelay $0x4  }
0x83: {  	v9 =	vshra.s32 v8, $0x7  }
0x84: {  	v9 =	vsub.s32 v9, v0  }
0x85: {  	v8 =	vsub.s32 v8, v2;
	vm0 =	vlt.u32 v9, v1  }
0x86: {  	v8 =	vshll.u32 v8, $0xE;
	v9 =	vmpcnt.ones.xlane vm0  }
0x87: {  	v8 =	vadd.s32 s0, v8  }
0x88: {  	s2 =	simm.s32 $0x20;
	s3 =	simm.s32 $0x0;
	v8 =	vadd.s32 v3, v8;
	(v2sf) =	vpush v9, $0x0;
	s7 =	spop (v2sf)  }
.LBB2_2:
0x89: {  	p0 =	sne.s32 s2, $0x3FF0  }
0x8a: {  	s3 =	sadd.s32 s3, s7;
	s7 =	smov.u32 s2;
	s2 =	sadd.s32 $0x10, s2  }
0x8b: {  	s0 =	sadd.s32 $0x10, s0;
	[tilespmem:s3+$0x4000] =	vst.msk vm0, v8  }
0x8c: {  	v8 =	vld [tilespmem:s0+$0x0];
	_ =	sdelay $0x4  }
0x8d: {  	v9 =	vshra.s32 v8, $0x7;
	v8 =	vsub.s32 v8, v2  }
0x8e: {  	v9 =	vsub.s32 v9, v0;
	v8 =	vshll.u32 v8, $0xE  }
.Ltmp2:
0x8f: {  	vm0 =	vlt.u32 v9, v1;
	v8 =	vadd.s32 s7, v8;
	(pc) =	sbr.rel @p0 .LBB2_2-.Ltmp2, $3  }
0x90: {  	v8 =	vadd.s32 v3, v8;
	v9 =	vmpcnt.ones.xlane vm0;
	_ =	sdelay $0x1  }
0x91: {  	(v2sf) =	vpush v9, $0x0  }
0x92: {  	s7 =	spop (v2sf)  }
0x93: {  	_ =	sdelay $0xc  }
0x94: {  	s0 =	sadd.s32 s3, s7;
	s2 =	spop (v2sf)  }
0x95: {  	s2 =	sadd.s32 s0, s2  }
.Ltmp3:
0x96: {  	s30 =	sadd.s32 $0xF, s2;
	(pc) =	sbr.rel .LBB2_4-.Ltmp3, $4  }
0x97: {  	s31 =	sshra.s32 s30, $0x1F  }
0x98: {  	s7 =	sshrl.u32 s31, $0x1C  }
0x99: {  	s7 =	sadd.s32 s7, s30  }
0x9a: {  	[tilespmem:s0+$0x4000] =	vst.msk vm0, v8;
	v8 =	vmov s2;
	p0 =	slt.s32 s30, $0x10;
	s25 =	sshra.s32 s7, $0x4;
	s7 =	simm.s32 $0x0  }
.LBB2_42:
0x9b: {  	s0 =	smin.u32 s20, $0x3A  }
0x9c: {  	s0 =	sshll.u32 s0, $0x2  }
0x9d: {  	s0 =	sadd.s32 s0, s28  }
0x9e: {  	s2 =	smov.u32 s6;
	p1 =	slt.s32 s0, s6  }
0x9f: {  	s2 =	smov.u32 @p1 s0  }
0xa0: {  	s0 =	sshll.u32 s2, $0xA  }
0xa1: {  	s2 =	sshrl.u32 s0, $0x3  }
0xa2: {  	s12 =	sadd.s32 $0x7A1400, s0;
	s2 =	sadd.s32 s1, s2  }
0xa3: {  	[tilespmem:s11], [sflag:$0x2] =	stream.linear.gather [hbm4b:s2+s5], $0x1000, $0x38;
	[tilespmem:$0x1E100] =	vst v63  }
0xa4: {  	s2 =	sshrl.u32 s12, $0x3  }
0xa5: {  	s3 =	simm.s32 $0x15100;
	s13 =	sadd.s32 $0xF42800, s0;
	s2 =	sadd.s32 s1, s2  }
0xa6: {  	[tilespmem:s3], [sflag:$0x2] =	stream.linear.gather [hbm4b:s2+s5], $0x1000, $0x38;
	[tilespmem:$0x1E100] =	vst v63  }
0xa7: {  	s2 =	sshrl.u32 s13, $0x3  }
0xa8: {  	s14 =	simm.s32 $0x16100;
	s16 =	sadd.s32 $0x16E3C00, s0;
	s2 =	sadd.s32 s1, s2  }
0xa9: {  	[tilespmem:s14], [sflag:$0x2] =	stream.linear.gather [hbm4b:s2+s5], $0x1000, $0x38;
	[tilespmem:$0x1E100] =	vst v63  }
0xaa: {  	s2 =	sshrl.u32 s16, $0x3  }
0xab: {  	s20 =	simm.s32 $0x17100;
	s24 =	sadd.s32 $0x1E85000, s0;
	s2 =	sadd.s32 s1, s2  }
0xac: {  	[tilespmem:s20], [sflag:$0x2] =	stream.linear.gather [hbm4b:s2+s5], $0x1000, $0x38;
	[tilespmem:$0x1E100] =	vst v63  }
0xad: {  	s2 =	sshrl.u32 s24, $0x3  }
0xae: {  	s30 =	sadd.s32 $0x2626400, s0;
	s2 =	sadd.s32 s1, s2  }
0xaf: {  	[tilespmem:s15], [sflag:$0x2] =	stream.linear.gather [hbm4b:s2+s5], $0x1000, $0x38;
	[tilespmem:$0x1E100] =	vst v63  }
0xb0: {  	s7 =	sadd.s32 $0x1, s7;
	s2 =	sshrl.u32 s30, $0x3  }
0xb1: {  	p1 =	sne.s32 s7, $0x1F;
	s31 =	sadd.s32 $0x2DC7800, s0;
	s2 =	sadd.s32 s1, s2  }
0xb2: {  	[tilespmem:s17], [sflag:$0x2] =	stream.linear.gather [hbm4b:s2+s5], $0x1000, $0x38;
	[tilespmem:$0x1E100] =	vst v63  }
.Ltmp4:
0xb3: {  	s0 =	sadd.s32 $0x3568C00, s0;
	s2 =	sshrl.u32 s31, $0x3;
	(pc) =	sbr.rel @!p1 .LBB2_43-.Ltmp4, $4  }
0xb4: {  	s0 =	sshrl.u32 s0, $0x3;
	s2 =	sadd.s32 s1, s2  }
0xb5: {  	[tilespmem:s18], [sflag:$0x2] =	stream.linear.gather [hbm4b:s2+s5], $0x1000, $0x38;
	[tilespmem:$0x1E100] =	vst v63  }
0xb6: {  	s0 =	sadd.s32 s1, s0  }
0xb7: {  	[tilespmem:s19], [sflag:$0x2] =	stream.linear.gather [hbm4b:s0+s5], $0x1000, $0x38;
	[tilespmem:$0x1E100] =	vst v63  }
.LBB2_4:
0xb8: {  	_ =	swait.ge [sflag:s21], $0x1000  }
0xb9: {  	[sflag:s21] =	ssyncset.done $0x0  }
0xba: {  	[sflag:s21] =	ssyncadd.s32 $0xFFFFF000  }
0xbb: {  	_ =	swait.ge [sflag:s21], $0x1000  }
0xbc: {  	[sflag:s21] =	ssyncset.done $0x0  }
0xbd: {  	[sflag:s21] =	ssyncadd.s32 $0xFFFFF000  }
0xbe: {  	_ =	swait.ge [sflag:s21], $0x1000  }
0xbf: {  	[sflag:s21] =	ssyncset.done $0x0  }
0xc0: {  	[sflag:s21] =	ssyncadd.s32 $0xFFFFF000  }
0xc1: {  	_ =	swait.ge [sflag:s21], $0x1000  }
0xc2: {  	[sflag:s21] =	ssyncset.done $0x0  }
0xc3: {  	[sflag:s21] =	ssyncadd.s32 $0xFFFFF000  }
0xc4: {  	_ =	swait.ge [sflag:s21], $0x1000  }
0xc5: {  	[sflag:s21] =	ssyncset.done $0x0  }
0xc6: {  	[sflag:s21] =	ssyncadd.s32 $0xFFFFF000  }
0xc7: {  	_ =	swait.ge [sflag:s21], $0x1000  }
0xc8: {  	[sflag:s21] =	ssyncset.done $0x0  }
0xc9: {  	[sflag:s21] =	ssyncadd.s32 $0xFFFFF000  }
0xca: {  	_ =	swait.ge [sflag:s21], $0x1000  }
.Ltmp5:
0xcb: {  	[sflag:s21] =	ssyncset.done $0x0;
	(pc) =	sbr.rel @p0 .LBB2_23-.Ltmp5, $4  }
0xcc: {  	[sflag:s21] =	ssyncadd.s32 $0xFFFFF000  }
0xcd: {  	_ =	swait.ge [sflag:s21], $0x1000  }
0xce: {  	[sflag:s21] =	ssyncset.done $0x0  }
0xcf: {  	[sflag:s21] =	ssyncadd.s32 $0xFFFFF000  }
0xd0: {  	s0 =	sshll.u32 s7, $0x3;
	p2 =	sne.s32 s25, $0x1  }
.Ltmp6:
0xd1: {  	s0 =	sadd.s32 s4, s0;
	(pc) =	sbr.rel @!p2 .LBB2_6-.Ltmp6, $4  }
0xd2: {  	s2 =	smov.u32 s6;
	p1 =	slt.s32 s0, s6  }
0xd3: {  	s30 =	sshll.u32 s7, $0xA;
	s3 =	simm.s32 $0x4000;
	s2 =	smov.u32 @p1 s0  }
0xd4: {  	s31 =	sor.u32 $0x200, s30;
	p1 =	por $0x0, $0x0;
	s0 =	ssub.s32 s4, s2  }
0xd5: {  	v9 =	vmov s30;
	v10 =	vld [tilespmem:s3+$0x0];
	v11 =	vmov s31;
	s2 =	sadd.s32 $0xFFFFFFFF, s25;
	s20 =	sshll.u32 s0, $0x7;
	s0 =	simm.s32 $0x0  }
0xd6: {  	_ =	sdelay $0x3  }
0xd7: {  	v13 =	vor.u32 s0, v3;
	v12 =	vshra.s32 v10, $0xE  }
0xd8: {  	vm1 =	vlt.s32 v13, v8;
	vm0 =	vlt.s32 v12, v11  }
0xd9: {  	vm2 =	vge.s32 v12, v9;
	vm0 =	vmand vm0, vm1  }
0xda: {  	vm0 =	vmand vm0, vm2  }
0xdb: {  	v63 =	vmpcnt.ones.xlane vm0;
	_ =	sdelay $0x1  }
0xdc: {  	p2 =	sne.s32 s2, $0x1;
	(v2sf) =	vpush v63, $0x0  }
.Ltmp7:
0xdd: {  	_ = 	snop;
	(pc) =	sbr.rel @!p2 .LBB2_8-.Ltmp7, $3  }
0xde: {  	_ =	sdelay $0x1  }
0xdf: {  	s9 =	simm.s32 $0x4010;
	s10 =	sadd.s32 $0xFFFFFFFF, s2;
	[tilespmem:s0+$0x8080] =	vst.msk vm0, v10  }
0xe0: {  	p1 =	por $0x1, $0x1;
	s3 =	simm.s32 $0x0;
	s2 =	simm.s32 $0x0;
	v10 =	vld [tilespmem:s9+$0x0]  }
.LBB2_9:
0xe1: {  	p2 =	sne.s32 s10, $0x1;
	_ =	sdelay $0x2  }
0xe2: {  	s3 =	sadd.s32 $0x10, s3  }
0xe3: {  	v13 =	vor.u32 s3, v3;
	v12 =	vshra.s32 v10, $0xE  }
0xe4: {  	vm1 =	vlt.s32 v13, v8;
	vm0 =	vlt.s32 v12, v11  }
0xe5: {  	vm2 =	vge.s32 v12, v9;
	vm0 =	vmand vm0, vm1  }
0xe6: {  	vm0 =	vmand vm0, vm2  }
0xe7: {  	v12 =	vmpcnt.ones.xlane vm0  }
0xe8: {  	s12 =	spop (v2sf)  }
0xe9: {  	(v2sf) =	vpush v12, $0x0;
	s2 =	sadd.s32 s2, s12  }
.Ltmp8:
0xea: {  	[tilespmem:s2+$0x8080] =	vst.msk vm0, v10;
	(pc) =	sbr.rel @p2 .LBB2_9-.Ltmp8, $3  }
0xeb: {  	_ =	sdelay $0x1  }
0xec: {  	s9 =	sadd.s32 $0x10, s9  }
0xed: {  	s10 =	sadd.s32 $0xFFFFFFFF, s10;
	v10 =	vld [tilespmem:s9+$0x0]  }
.LBB2_10:
0xee: {  	_ =	sdelay $0x1  }
0xef: {  	s3 =	sadd.s32 @p1 $0x10, s3;
	s9 =	simm.s32 $0x0  }
0xf0: {  	s9 =	smov.u32 @p1 s3  }
0xf1: {  	v13 =	vor.u32 s9, v3;
	v12 =	vshra.s32 v10, $0xE  }
0xf2: {  	vm1 =	vlt.s32 v13, v8;
	vm0 =	vlt.s32 v12, v11  }
0xf3: {  	vm2 =	vge.s32 v12, v9;
	vm0 =	vmand vm0, vm1  }
0xf4: {  	vm0 =	vmand vm0, vm2  }
0xf5: {  	v9 =	vmpcnt.ones.xlane vm0;
	_ =	sdelay $0x1  }
0xf6: {  	(v2sf) =	vpush v9, $0x0;
	_ =	sdelay $0xc  }
0xf7: {  	s3 =	spop @p1 (v2sf)  }
0xf8: {  	s2 =	sadd.s32 @p1 s2, s3  }
0xf9: {  	s0 =	smov.u32 @p1 s2;
	s31 =	spop (v2sf)  }
0xfa: {  	s24 =	sadd.s32 s0, s31  }
0xfb: {  	s2 =	sadd.s32 $0x3F, s24  }
0xfc: {  	p1 =	slt.s32 s2, $0x40  }
.Ltmp9:
0xfd: {  	_ = 	snop;
	(pc) =	sbr.rel @p1 .LBB2_23-.Ltmp9, $2  }
0xfe: {  	_ =	sdelay $0x2  }
0xff: {  	[tilespmem:s0+$0x8080] =	vst.msk vm0, v10  }
.Ltmp10:
0x100: {  	(pc) =	sbr.rel .LBB2_12-.Ltmp10, $4  }
0x101: {  	s0 =	sshra.s32 s2, $0x1F  }
0x102: {  	s0 =	sshrl.u32 s0, $0x1A  }
0x103: {  	s30 =	simm.s32 $0x0;
	s0 =	sadd.s32 s0, s2  }
0x104: {  	s31 =	simm.s32 $0x8080;
	s3 =	smov.u32 s24;
	s16 =	sshra.s32 s0, $0x6  }
.LBB2_21:
0x105: {  	[sflag:s22] =	ssyncadd.s32 $0xFFFFFF80  }
.LBB2_22:
0x106: {  	s30 =	sadd.s32 $0x1, s30  }
0x107: {  	p1 =	sne.s32 s30, s16  }
.Ltmp11:
0x108: {  	_ = 	snop;
	(pc) =	sbr.rel @!p1 .LBB2_23-.Ltmp11, $2  }
0x109: {  	_ =	sdelay $0x2  }
0x10a: {  	s3 =	sadd.s32 $0xFFFFFFC0, s3;
	s31 =	sadd.s32 $0x40, s31  }
.LBB2_12:
0x10b: {  	s2 =	sshll.u32 s30, $0x6  }
0x10c: {  	p1 =	sgt.s32 s3, $0x1;
	s0 =	smov.u32 s3;
	s2 =	ssub.s32 s24, s2  }
0x10d: {  	s0 =	simm.s32 @!p1 $0x1;
	p1 =	slt.s32 s2, $0x1  }
.Ltmp12:
0x10e: {  	_ = 	snop;
	(pc) =	sbr.rel @p1 .LBB2_22-.Ltmp12, $3  }
0x10f: {  	_ =	sdelay $0x1  }
0x110: {  	s0 =	smin.u32 s0, $0x40  }
0x111: {  	s9 =	smov.u32 s31;
	s2 =	simm.s32 $0x1C120;
	s10 =	smov.u32 s0  }
.LBB2_13:
0x112: {  	v9 =	vld [tilespmem:s9+$0x0];
	_ =	sdelay $0x4  }
0x113: {  	(v2sf) =	vpush v9, $0x0;
	_ =	sdelay $0xe  }
0x114: {  	s12 =	spop (v2sf)  }
0x115: {  	s12 =	sshra.s32 s12, $0xE  }
0x116: {  	s12 =	sadd.s32 s20, s12  }
0x117: {  	v9 =	vmov s12  }
0x118: {  	v10 =	vshll.u32 v9, $0x3  }
0x119: {  	v9 =	vand.u32 $0x7F, v9;
	v10 =	vand.u32 $0xFFFFFC00, v10  }
0x11a: {  	v9 =	vor.u32 v9, v10  }
0x11b: {  	v10 =	vadd.s32 v4, v9;
	_ =	sdelay $0x4  }
0x11c: {  	v10 =	vld.idx.msk [tilespmem:v10+s29+$0x0], $0xffff;
	_ =	sdelay $0x2  }
0x11d: {  	v11 =	vadd.s32 v5, v9;
	_ =	sdelay $0x1  }
0x11e: {  	v10 =	vmul.f32 $8.000000000e+00, v10;
	_ =	sdelay $0x1  }
0x11f: {  	[tilespmem:s2+$0xFFFFFFE0] =	vst v10  }
0x120: {  	v10 =	vld.idx.msk [tilespmem:v11+s29+$0x0], $0xffff;
	_ =	sdelay $0x2  }
0x121: {  	v11 =	vadd.s32 v6, v9;
	_ =	sdelay $0x1  }
0x122: {  	v10 =	vmul.f32 $8.000000000e+00, v10;
	_ =	sdelay $0x1  }
0x123: {  	[tilespmem:s2+$0xFFFFFFF0] =	vst v10  }
0x124: {  	v10 =	vld.idx.msk [tilespmem:v11+s29+$0x0], $0xffff;
	_ =	sdelay $0x2  }
0x125: {  	v9 =	vadd.s32 v7, v9;
	_ =	sdelay $0x1  }
0x126: {  	v10 =	vmul.f32 $8.000000000e+00, v10;
	_ =	sdelay $0x1  }
0x127: {  	[tilespmem:s2+$0x0] =	vst v10  }
0x128: {  	v9 =	vld.idx.msk [tilespmem:v9+s29+$0x0], $0xffff;
	_ =	sdelay $0x1  }
0x129: {  	p1 =	sne.s32 s10, $0x1  }
.Ltmp13:
0x12a: {  	_ = 	snop;
	(pc) =	sbr.rel @p1 .LBB2_13-.Ltmp13, $3  }
0x12b: {  	_ = 	snop  }
0x12c: {  	v9 =	vmul.f32 $8.000000000e+00, v9;
	_ =	sdelay $0x1  }
0x12d: {  	s9 =	sadd.s32 $0x1, s9;
	s10 =	sadd.s32 $0xFFFFFFFF, s10;
	[tilespmem:s2+$0x10] =	vst v9;
	s2 =	sadd.s32 $0x80, s2  }
0x12e: {  	p1 =	sne.s32 s0, $0x1  }
.Ltmp14:
0x12f: {  	_ = 	snop;
	(pc) =	sbr.rel @!p1 .LBB2_15-.Ltmp14, $2  }
0x130: {  	_ =	sdelay $0x2  }
0x131: {  	s2 =	simm.s32 $0x1C100;
	v9 =	vld [tilespmem:s31+$0x0];
	s0 =	sadd.s32 $0xFFFFFFFF, s0;
	p2 =	por $0x0, $0x0  }
0x132: {  	_ =	sdelay $0x3  }
0x133: {  	(v2sf) =	vpush v9, $0x0;
	_ =	sdelay $0xe  }
0x134: {  	p3 =	sne.s32 s0, $0x1;
	s9 =	spop (v2sf)  }
.Ltmp15:
0x135: {  	s9 =	sshll.u32 s9, $0x4;
	(pc) =	sbr.rel @!p3 .LBB2_17-.Ltmp15, $4  }
0x136: {  	s9 =	sand.u32 $0x3FFF0, s9  }
0x137: {  	s10 =	sadd.s32 $0x1, s31;
	s9 =	sadd.s32 s8, s9  }
0x138: {  	[hbm4b:s9+s5] =	stream.linear.scatter [tilespmem:s2], [sflag:$0x3], $0x80, $0x38;
	[tilespmem:$0x1E100] =	vst v63  }
0x139: {  	s12 =	sadd.s32 $0xFFFFFFFF, s0;
	p2 =	por $0x1, $0x1;
	s9 =	simm.s32 $0x1C100;
	v9 =	vld [tilespmem:s10+$0x0]  }
.LBB2_18:
0x13a: {  	p3 =	sne.s32 s12, $0x1;
	_ =	sdelay $0x3  }
0x13b: {  	(v2sf) =	vpush v9, $0x0;
	_ =	sdelay $0xe  }
0x13c: {  	s13 =	spop (v2sf)  }
.Ltmp16:
0x13d: {  	s13 =	sshll.u32 s13, $0x4;
	(pc) =	sbr.rel @p3 .LBB2_18-.Ltmp16, $4  }
0x13e: {  	s13 =	sand.u32 $0x3FFF0, s13  }
0x13f: {  	s10 =	sadd.s32 $0x1, s10;
	s9 =	sadd.s32 $0x80, s9;
	s13 =	sadd.s32 s8, s13  }
0x140: {  	[hbm4b:s13+s5] =	stream.linear.scatter [tilespmem:s9], [sflag:$0x3], $0x80, $0x38;
	[tilespmem:$0x1E100] =	vst v63  }
0x141: {  	s12 =	sadd.s32 $0xFFFFFFFF, s12;
	v9 =	vld [tilespmem:s10+$0x0]  }
.LBB2_19:
0x142: {  	_ =	sdelay $0x3  }
0x143: {  	(v2sf) =	vpush v9, $0x0;
	_ =	sdelay $0xe  }
0x144: {  	s10 =	spop (v2sf)  }
0x145: {  	s10 =	sshll.u32 s10, $0x4  }
.Ltmp17:
0x146: {  	s9 =	sadd.s32 @p2 $0x80, s9;
	s10 =	sand.u32 $0x3FFF0, s10;
	(pc) =	sbr.rel @!p1 .LBB2_21-.Ltmp17, $4  }
0x147: {  	s2 =	smov.u32 @p2 s9;
	s10 =	sadd.s32 s8, s10  }
0x148: {  	[hbm4b:s10+s5] =	stream.linear.scatter [tilespmem:s2], [sflag:$0x3], $0x80, $0x38;
	[tilespmem:$0x1E100] =	vst v63  }
0x149: {  	_ =	swait.ge [sflag:s22], $0x80  }
0x14a: {  	[sflag:s22] =	ssyncset.done $0x0  }
.LBB2_20:
0x14b: {  	p1 =	sne.s32 s0, $0x1;
	s0 =	sadd.s32 $0xFFFFFFFF, s0;
	[sflag:s22] =	ssyncadd.s32 $0xFFFFFF80  }
.Ltmp18:
0x14c: {  	(pc) =	sbr.rel @p1 .LBB2_20-.Ltmp18, $3  }
0x14d: {  	_ =	sdelay $0x1  }
0x14e: {  	_ =	swait.ge [sflag:s22], $0x80  }
0x14f: {  	[sflag:s22] =	ssyncset.done $0x0  }
.Ltmp19:
0x150: {  	_ = 	snop;
	(pc) =	sbr.rel .LBB2_21-.Ltmp19, $1  }
0x151: {  	_ =	sdelay $0x3  }
.LBB2_15:
.Ltmp20:
0x152: {  	(pc) =	sbr.rel .LBB2_19-.Ltmp20, $2  }
0x153: {  	_ =	sdelay $0x2  }
0x154: {  	s9 =	simm.s32 $0x1C100  }
.LBB2_17:
.Ltmp21:
0x155: {  	(pc) =	sbr.rel .LBB2_19-.Ltmp21, $2  }
0x156: {  	_ =	sdelay $0x2  }
0x157: {  	s9 =	simm.s32 $0x1C100  }
.LBB2_23:
0x158: {  	s20 =	sshll.u32 s7, $0x1  }
0x159: {  	s0 =	smin.u32 s20, $0x3B  }
0x15a: {  	s0 =	sshll.u32 s0, $0x2  }
0x15b: {  	s0 =	sadd.s32 s0, s26  }
0x15c: {  	s2 =	smov.u32 s6;
	p1 =	slt.s32 s0, s6  }
0x15d: {  	s2 =	smov.u32 @p1 s0  }
0x15e: {  	s0 =	sshll.u32 s2, $0xA  }
0x15f: {  	s2 =	sshrl.u32 s0, $0x3  }
0x160: {  	s24 =	sadd.s32 $0x7A1400, s0;
	s2 =	sadd.s32 s1, s2  }
0x161: {  	[tilespmem:s29], [sflag:$0x1] =	stream.linear.gather [hbm4b:s2+s5], $0x1000, $0x38;
	[tilespmem:$0x1E100] =	vst v63  }
0x162: {  	s2 =	sshrl.u32 s24, $0x3  }
0x163: {  	s3 =	simm.s32 $0xD100;
	s30 =	sadd.s32 $0xF42800, s0;
	s2 =	sadd.s32 s1, s2  }
0x164: {  	[tilespmem:s3], [sflag:$0x1] =	stream.linear.gather [hbm4b:s2+s5], $0x1000, $0x38;
	[tilespmem:$0x1E100] =	vst v63  }
0x165: {  	s2 =	sshrl.u32 s30, $0x3  }
0x166: {  	s31 =	simm.s32 $0xE100;
	s9 =	sadd.s32 $0x16E3C00, s0;
	s2 =	sadd.s32 s1, s2  }
0x167: {  	[tilespmem:s31], [sflag:$0x1] =	stream.linear.gather [hbm4b:s2+s5], $0x1000, $0x38;
	[tilespmem:$0x1E100] =	vst v63  }
0x168: {  	s2 =	sshrl.u32 s9, $0x3  }
0x169: {  	s10 =	simm.s32 $0xF100;
	s12 =	sadd.s32 $0x1E85000, s0;
	s2 =	sadd.s32 s1, s2  }
0x16a: {  	[tilespmem:s10], [sflag:$0x1] =	stream.linear.gather [hbm4b:s2+s5], $0x1000, $0x38;
	[tilespmem:$0x1E100] =	vst v63  }
0x16b: {  	s2 =	sshrl.u32 s12, $0x3  }
0x16c: {  	s13 =	simm.s32 $0x10100;
	s14 =	sadd.s32 $0x2626400, s0;
	s2 =	sadd.s32 s1, s2  }
0x16d: {  	[tilespmem:s13], [sflag:$0x1] =	stream.linear.gather [hbm4b:s2+s5], $0x1000, $0x38;
	[tilespmem:$0x1E100] =	vst v63  }
0x16e: {  	s2 =	sshrl.u32 s14, $0x3  }
0x16f: {  	s16 =	simm.s32 $0x11100;
	s24 =	sadd.s32 $0x2DC7800, s0;
	s2 =	sadd.s32 s1, s2  }
0x170: {  	[tilespmem:s16], [sflag:$0x1] =	stream.linear.gather [hbm4b:s2+s5], $0x1000, $0x38;
	[tilespmem:$0x1E100] =	vst v63  }
0x171: {  	s0 =	sadd.s32 $0x3568C00, s0;
	s2 =	sshrl.u32 s24, $0x3  }
0x172: {  	s0 =	sshrl.u32 s0, $0x3;
	s30 =	simm.s32 $0x12100;
	s2 =	sadd.s32 s1, s2  }
0x173: {  	[tilespmem:s30], [sflag:$0x1] =	stream.linear.gather [hbm4b:s2+s5], $0x1000, $0x38;
	[tilespmem:$0x1E100] =	vst v63  }
0x174: {  	s0 =	sadd.s32 s1, s0;
	s31 =	simm.s32 $0x13100  }
0x175: {  	[tilespmem:s31], [sflag:$0x1] =	stream.linear.gather [hbm4b:s0+s5], $0x1000, $0x38;
	[tilespmem:$0x1E100] =	vst v63  }
0x176: {  	_ =	swait.ge [sflag:s23], $0x1000  }
0x177: {  	[sflag:s23] =	ssyncset.done $0x0  }
0x178: {  	[sflag:s23] =	ssyncadd.s32 $0xFFFFF000  }
0x179: {  	_ =	swait.ge [sflag:s23], $0x1000  }
0x17a: {  	[sflag:s23] =	ssyncset.done $0x0  }
0x17b: {  	[sflag:s23] =	ssyncadd.s32 $0xFFFFF000  }
0x17c: {  	_ =	swait.ge [sflag:s23], $0x1000  }
0x17d: {  	[sflag:s23] =	ssyncset.done $0x0  }
0x17e: {  	[sflag:s23] =	ssyncadd.s32 $0xFFFFF000  }
0x17f: {  	_ =	swait.ge [sflag:s23], $0x1000  }
0x180: {  	[sflag:s23] =	ssyncset.done $0x0  }
0x181: {  	[sflag:s23] =	ssyncadd.s32 $0xFFFFF000  }
0x182: {  	_ =	swait.ge [sflag:s23], $0x1000  }
0x183: {  	[sflag:s23] =	ssyncset.done $0x0  }
0x184: {  	[sflag:s23] =	ssyncadd.s32 $0xFFFFF000  }
0x185: {  	_ =	swait.ge [sflag:s23], $0x1000  }
0x186: {  	[sflag:s23] =	ssyncset.done $0x0  }
0x187: {  	[sflag:s23] =	ssyncadd.s32 $0xFFFFF000  }
0x188: {  	_ =	swait.ge [sflag:s23], $0x1000  }
.Ltmp22:
0x189: {  	[sflag:s23] =	ssyncset.done $0x0;
	(pc) =	sbr.rel @p0 .LBB2_42-.Ltmp22, $4  }
0x18a: {  	[sflag:s23] =	ssyncadd.s32 $0xFFFFF000  }
0x18b: {  	_ =	swait.ge [sflag:s23], $0x1000  }
0x18c: {  	[sflag:s23] =	ssyncset.done $0x0  }
0x18d: {  	[sflag:s23] =	ssyncadd.s32 $0xFFFFF000  }
0x18e: {  	s0 =	sshllo.u32 s7, $0x1  }
0x18f: {  	s2 =	sshll.u32 s0, $0x2  }
0x190: {  	p2 =	sne.s32 s25, $0x1;
	s2 =	sadd.s32 s4, s2  }
.Ltmp23:
0x191: {  	s3 =	smov.u32 s6;
	p1 =	slt.s32 s2, s6;
	(pc) =	sbr.rel @!p2 .LBB2_25-.Ltmp23, $4  }
0x192: {  	s0 =	sshll.u32 s0, $0x9;
	s3 =	smov.u32 @p1 s2  }
0x193: {  	s31 =	rddreg [dreg:$0xc];
	s30 =	sadd.s32 $0x200, s0;
	s2 =	ssub.s32 s4, s3  }
0x194: {  	s9 =	simm.s32 $0x4000;
	s24 =	sshll.u32 s2, $0x7;
	s2 =	smin.u32 s30, s31  }
0x195: {  	v10 =	vld [tilespmem:s9+$0x0];
	v9 =	vmov s0;
	s0 =	sadd.s32 $0xFFFFFFFF, s25;
	p1 =	por $0x0, $0x0;
	s3 =	simm.s32 $0x0;
	v11 =	vmov s2  }
0x196: {  	_ =	sdelay $0x3  }
0x197: {  	v13 =	vor.u32 s3, v3;
	v12 =	vshra.s32 v10, $0xE  }
0x198: {  	vm1 =	vlt.s32 v13, v8;
	vm0 =	vlt.s32 v12, v11  }
0x199: {  	vm2 =	vge.s32 v12, v9;
	vm0 =	vmand vm0, vm1  }
0x19a: {  	vm0 =	vmand vm0, vm2  }
0x19b: {  	v63 =	vmpcnt.ones.xlane vm0;
	_ =	sdelay $0x1  }
0x19c: {  	p2 =	sne.s32 s0, $0x1;
	(v2sf) =	vpush v63, $0x0  }
.Ltmp24:
0x19d: {  	_ = 	snop;
	(pc) =	sbr.rel @!p2 .LBB2_27-.Ltmp24, $3  }
0x19e: {  	_ =	sdelay $0x1  }
0x19f: {  	s9 =	simm.s32 $0x4010;
	s10 =	sadd.s32 $0xFFFFFFFF, s0;
	[tilespmem:s3+$0x8080] =	vst.msk vm0, v10  }
0x1a0: {  	p1 =	por $0x1, $0x1;
	s2 =	simm.s32 $0x0;
	s0 =	simm.s32 $0x0;
	v10 =	vld [tilespmem:s9+$0x0]  }
.LBB2_28:
0x1a1: {  	p2 =	sne.s32 s10, $0x1;
	_ =	sdelay $0x2  }
0x1a2: {  	s2 =	sadd.s32 $0x10, s2  }
0x1a3: {  	v13 =	vor.u32 s2, v3;
	v12 =	vshra.s32 v10, $0xE  }
0x1a4: {  	vm1 =	vlt.s32 v13, v8;
	vm0 =	vlt.s32 v12, v11  }
0x1a5: {  	vm2 =	vge.s32 v12, v9;
	vm0 =	vmand vm0, vm1  }
0x1a6: {  	vm0 =	vmand vm0, vm2  }
0x1a7: {  	v12 =	vmpcnt.ones.xlane vm0  }
0x1a8: {  	s12 =	spop (v2sf)  }
0x1a9: {  	(v2sf) =	vpush v12, $0x0;
	s0 =	sadd.s32 s0, s12  }
.Ltmp25:
0x1aa: {  	[tilespmem:s0+$0x8080] =	vst.msk vm0, v10;
	(pc) =	sbr.rel @p2 .LBB2_28-.Ltmp25, $3  }
0x1ab: {  	_ =	sdelay $0x1  }
0x1ac: {  	s9 =	sadd.s32 $0x10, s9  }
0x1ad: {  	s10 =	sadd.s32 $0xFFFFFFFF, s10;
	v10 =	vld [tilespmem:s9+$0x0]  }
.LBB2_29:
0x1ae: {  	_ =	sdelay $0x1  }
0x1af: {  	s2 =	sadd.s32 @p1 $0x10, s2;
	s9 =	simm.s32 $0x0  }
0x1b0: {  	s9 =	smov.u32 @p1 s2  }
0x1b1: {  	v13 =	vor.u32 s9, v3;
	v12 =	vshra.s32 v10, $0xE  }
0x1b2: {  	vm1 =	vlt.s32 v13, v8;
	vm0 =	vlt.s32 v12, v11  }
0x1b3: {  	vm2 =	vge.s32 v12, v9;
	vm0 =	vmand vm0, vm1  }
0x1b4: {  	vm0 =	vmand vm0, vm2  }
0x1b5: {  	v9 =	vmpcnt.ones.xlane vm0;
	_ =	sdelay $0x1  }
0x1b6: {  	(v2sf) =	vpush v9, $0x0;
	_ =	sdelay $0xc  }
0x1b7: {  	s2 =	spop @p1 (v2sf)  }
0x1b8: {  	s0 =	sadd.s32 @p1 s0, s2  }
0x1b9: {  	s3 =	smov.u32 @p1 s0;
	s31 =	spop (v2sf)  }
0x1ba: {  	s0 =	sadd.s32 s3, s31  }
0x1bb: {  	s2 =	sadd.s32 $0x3F, s0  }
0x1bc: {  	p1 =	slt.s32 s2, $0x40  }
.Ltmp26:
0x1bd: {  	_ = 	snop;
	(pc) =	sbr.rel @p1 .LBB2_42-.Ltmp26, $2  }
0x1be: {  	_ =	sdelay $0x2  }
0x1bf: {  	[tilespmem:s3+$0x8080] =	vst.msk vm0, v10  }
.Ltmp27:
0x1c0: {  	(pc) =	sbr.rel .LBB2_31-.Ltmp27, $4  }
0x1c1: {  	s3 =	sshra.s32 s2, $0x1F  }
0x1c2: {  	s3 =	sshrl.u32 s3, $0x1A  }
0x1c3: {  	s31 =	simm.s32 $0x0;
	s16 =	sadd.s32 s3, s2  }
0x1c4: {  	s3 =	simm.s32 $0x8080;
	s30 =	sshra.s32 s16, $0x6;
	s16 =	smov.u32 s0  }
.LBB2_40:
0x1c5: {  	[sflag:s22] =	ssyncadd.s32 $0xFFFFFF80  }
.LBB2_41:
0x1c6: {  	s31 =	sadd.s32 $0x1, s31  }
0x1c7: {  	p1 =	sne.s32 s31, s30  }
.Ltmp28:
0x1c8: {  	_ = 	snop;
	(pc) =	sbr.rel @!p1 .LBB2_42-.Ltmp28, $2  }
0x1c9: {  	_ =	sdelay $0x2  }
0x1ca: {  	s16 =	sadd.s32 $0xFFFFFFC0, s16;
	s3 =	sadd.s32 $0x40, s3  }
.LBB2_31:
0x1cb: {  	s9 =	sshll.u32 s31, $0x6  }
0x1cc: {  	p1 =	sgt.s32 s16, $0x1;
	s2 =	smov.u32 s16;
	s9 =	ssub.s32 s0, s9  }
0x1cd: {  	s2 =	simm.s32 @!p1 $0x1;
	p1 =	slt.s32 s9, $0x1  }
.Ltmp29:
0x1ce: {  	_ = 	snop;
	(pc) =	sbr.rel @p1 .LBB2_41-.Ltmp29, $3  }
0x1cf: {  	_ =	sdelay $0x1  }
0x1d0: {  	s2 =	smin.u32 s2, $0x40  }
0x1d1: {  	s10 =	smov.u32 s3;
	s9 =	simm.s32 $0x1C120;
	s12 =	smov.u32 s2  }
.LBB2_32:
0x1d2: {  	v9 =	vld [tilespmem:s10+$0x0];
	_ =	sdelay $0x4  }
0x1d3: {  	(v2sf) =	vpush v9, $0x0;
	_ =	sdelay $0xe  }
0x1d4: {  	s13 =	spop (v2sf)  }
0x1d5: {  	s13 =	sshra.s32 s13, $0xE  }
0x1d6: {  	s13 =	sadd.s32 s24, s13  }
0x1d7: {  	v9 =	vmov s13  }
0x1d8: {  	v10 =	vshll.u32 v9, $0x3  }
0x1d9: {  	v9 =	vand.u32 $0x7F, v9;
	v10 =	vand.u32 $0xFFFFFC00, v10  }
0x1da: {  	v9 =	vor.u32 v9, v10  }
0x1db: {  	v10 =	vadd.s32 v4, v9;
	_ =	sdelay $0x4  }
0x1dc: {  	v10 =	vld.idx.msk [tilespmem:v10+s11+$0x0], $0xffff;
	_ =	sdelay $0x2  }
0x1dd: {  	v11 =	vadd.s32 v5, v9;
	_ =	sdelay $0x1  }
0x1de: {  	v10 =	vmul.f32 $8.000000000e+00, v10;
	_ =	sdelay $0x1  }
0x1df: {  	[tilespmem:s9+$0xFFFFFFE0] =	vst v10  }
0x1e0: {  	v10 =	vld.idx.msk [tilespmem:v11+s11+$0x0], $0xffff;
	_ =	sdelay $0x2  }
0x1e1: {  	v11 =	vadd.s32 v6, v9;
	_ =	sdelay $0x1  }
0x1e2: {  	v10 =	vmul.f32 $8.000000000e+00, v10;
	_ =	sdelay $0x1  }
0x1e3: {  	[tilespmem:s9+$0xFFFFFFF0] =	vst v10  }
0x1e4: {  	v10 =	vld.idx.msk [tilespmem:v11+s11+$0x0], $0xffff;
	_ =	sdelay $0x2  }
0x1e5: {  	v9 =	vadd.s32 v7, v9;
	_ =	sdelay $0x1  }
0x1e6: {  	v10 =	vmul.f32 $8.000000000e+00, v10;
	_ =	sdelay $0x1  }
0x1e7: {  	[tilespmem:s9+$0x0] =	vst v10  }
0x1e8: {  	v9 =	vld.idx.msk [tilespmem:v9+s11+$0x0], $0xffff;
	_ =	sdelay $0x1  }
0x1e9: {  	p1 =	sne.s32 s12, $0x1  }
.Ltmp30:
0x1ea: {  	_ = 	snop;
	(pc) =	sbr.rel @p1 .LBB2_32-.Ltmp30, $3  }
0x1eb: {  	_ = 	snop  }
0x1ec: {  	v9 =	vmul.f32 $8.000000000e+00, v9;
	_ =	sdelay $0x1  }
0x1ed: {  	s10 =	sadd.s32 $0x1, s10;
	s12 =	sadd.s32 $0xFFFFFFFF, s12;
	[tilespmem:s9+$0x10] =	vst v9;
	s9 =	sadd.s32 $0x80, s9  }
0x1ee: {  	p1 =	sne.s32 s2, $0x1  }
.Ltmp31:
0x1ef: {  	_ = 	snop;
	(pc) =	sbr.rel @!p1 .LBB2_34-.Ltmp31, $2  }
0x1f0: {  	_ =	sdelay $0x2  }
0x1f1: {  	s9 =	simm.s32 $0x1C100;
	v9 =	vld [tilespmem:s3+$0x0];
	s2 =	sadd.s32 $0xFFFFFFFF, s2;
	p2 =	por $0x0, $0x0  }
0x1f2: {  	_ =	sdelay $0x3  }
0x1f3: {  	(v2sf) =	vpush v9, $0x0;
	_ =	sdelay $0xe  }
0x1f4: {  	p3 =	sne.s32 s2, $0x1;
	s10 =	spop (v2sf)  }
.Ltmp32:
0x1f5: {  	s10 =	sshll.u32 s10, $0x4;
	(pc) =	sbr.rel @!p3 .LBB2_36-.Ltmp32, $4  }
0x1f6: {  	s10 =	sand.u32 $0x3FFF0, s10  }
0x1f7: {  	s12 =	sadd.s32 $0x1, s3;
	s10 =	sadd.s32 s8, s10  }
0x1f8: {  	[hbm4b:s10+s5] =	stream.linear.scatter [tilespmem:s9], [sflag:$0x3], $0x80, $0x38;
	[tilespmem:$0x1E100] =	vst v63  }
0x1f9: {  	s13 =	sadd.s32 $0xFFFFFFFF, s2;
	p2 =	por $0x1, $0x1;
	s10 =	simm.s32 $0x1C100;
	v9 =	vld [tilespmem:s12+$0x0]  }
.LBB2_37:
0x1fa: {  	p3 =	sne.s32 s13, $0x1;
	_ =	sdelay $0x3  }
0x1fb: {  	(v2sf) =	vpush v9, $0x0;
	_ =	sdelay $0xe  }
0x1fc: {  	s14 =	spop (v2sf)  }
.Ltmp33:
0x1fd: {  	s14 =	sshll.u32 s14, $0x4;
	(pc) =	sbr.rel @p3 .LBB2_37-.Ltmp33, $4  }
0x1fe: {  	s14 =	sand.u32 $0x3FFF0, s14  }
0x1ff: {  	s12 =	sadd.s32 $0x1, s12;
	s10 =	sadd.s32 $0x80, s10;
	s14 =	sadd.s32 s8, s14  }
0x200: {  	[hbm4b:s14+s5] =	stream.linear.scatter [tilespmem:s10], [sflag:$0x3], $0x80, $0x38;
	[tilespmem:$0x1E100] =	vst v63  }
0x201: {  	s13 =	sadd.s32 $0xFFFFFFFF, s13;
	v9 =	vld [tilespmem:s12+$0x0]  }
.LBB2_38:
0x202: {  	_ =	sdelay $0x3  }
0x203: {  	(v2sf) =	vpush v9, $0x0;
	_ =	sdelay $0xe  }
0x204: {  	s12 =	spop (v2sf)  }
0x205: {  	s12 =	sshll.u32 s12, $0x4  }
.Ltmp34:
0x206: {  	s10 =	sadd.s32 @p2 $0x80, s10;
	s12 =	sand.u32 $0x3FFF0, s12;
	(pc) =	sbr.rel @!p1 .LBB2_40-.Ltmp34, $4  }
0x207: {  	s9 =	smov.u32 @p2 s10;
	s12 =	sadd.s32 s8, s12  }
0x208: {  	[hbm4b:s12+s5] =	stream.linear.scatter [tilespmem:s9], [sflag:$0x3], $0x80, $0x38;
	[tilespmem:$0x1E100] =	vst v63  }
0x209: {  	_ =	swait.ge [sflag:s22], $0x80  }
0x20a: {  	[sflag:s22] =	ssyncset.done $0x0  }
.LBB2_39:
0x20b: {  	p1 =	sne.s32 s2, $0x1;
	s2 =	sadd.s32 $0xFFFFFFFF, s2;
	[sflag:s22] =	ssyncadd.s32 $0xFFFFFF80  }
.Ltmp35:
0x20c: {  	(pc) =	sbr.rel @p1 .LBB2_39-.Ltmp35, $3  }
0x20d: {  	_ =	sdelay $0x1  }
0x20e: {  	_ =	swait.ge [sflag:s22], $0x80  }
0x20f: {  	[sflag:s22] =	ssyncset.done $0x0  }
.Ltmp36:
0x210: {  	_ = 	snop;
	(pc) =	sbr.rel .LBB2_40-.Ltmp36, $1  }
0x211: {  	_ =	sdelay $0x3  }
.LBB2_34:
.Ltmp37:
0x212: {  	(pc) =	sbr.rel .LBB2_38-.Ltmp37, $2  }
0x213: {  	_ =	sdelay $0x2  }
0x214: {  	s10 =	simm.s32 $0x1C100  }
.LBB2_36:
.Ltmp38:
0x215: {  	(pc) =	sbr.rel .LBB2_38-.Ltmp38, $2  }
0x216: {  	_ =	sdelay $0x2  }
0x217: {  	s10 =	simm.s32 $0x1C100  }
.LBB2_6:
.Ltmp39:
0x218: {  	(pc) =	sbr.rel .LBB2_10-.Ltmp39, $2  }
0x219: {  	_ =	sdelay $0x2  }
0x21a: {  	s3 =	simm.s32 $0x0;
	s2 =	simm.s32 $0x0  }
.LBB2_25:
.Ltmp40:
0x21b: {  	(pc) =	sbr.rel .LBB2_29-.Ltmp40, $2  }
0x21c: {  	_ =	sdelay $0x2  }
0x21d: {  	s2 =	simm.s32 $0x0;
	s0 =	simm.s32 $0x0  }
.LBB2_8:
.Ltmp41:
0x21e: {  	(pc) =	sbr.rel .LBB2_10-.Ltmp41, $2  }
0x21f: {  	_ =	sdelay $0x2  }
0x220: {  	s3 =	simm.s32 $0x0;
	s2 =	simm.s32 $0x0  }
.LBB2_27:
.Ltmp42:
0x221: {  	(pc) =	sbr.rel .LBB2_29-.Ltmp42, $2  }
0x222: {  	_ =	sdelay $0x2  }
0x223: {  	s2 =	simm.s32 $0x0;
	s0 =	simm.s32 $0x0  }
.LBB2_44:
0x224: {  	_ =	sfence.sel $0x180000  }
0x225: {  	[bflag:$0x0] =	sbarrier.arrive $0xFFFF  }
0x226: {  	_ =	strace $0x90000047  }
0x227: {  	s0 =	stileid.u32;
	[bflag:$0x2] =	sbarrier.arrive $0xFFFF  }
0x228: {  	p0 =	sne.s32 s0, $0x0;
	s0 =	rddreg [dreg:$0x3]  }
0x229: {  	s0 =	sadd.s32 @!p0 $0x100000, s0  }
0x22a: {  	[sflag:s0] =	ssyncadd.tile.s32 @!p0 $0x1;
	_ =	shalt  }
.Lfunc_end2:
_tile_overlayer_lowered:
.L_overlay_start_2:
0x22b: {  	(tag) =	ssettag $0x2  }
0x22c: {  	s0 =	rddreg [dreg:$0x0];
	s2 =	stileid.u32  }
0x22d: {  	s1 =	rddreg [dreg:$0x1];
	p0 =	sne.s32 s2, $0x0  }
0x22e: {  	s3 =	rddreg [dreg:$0x2];
	[bflag:$0x3] =	sbarrier.arrive $0xFFFF;
	s2 =	simm.s32 @!p0 $0x1C04  }
0x22f: {  	[timem:s3], [sflag:s2] =	dma.local @!p0 [hbm:s0], s1  }
0x230: {  	s0 =	simm.s32 @!p0 $0x4  }
0x231: {  	_ =	swait.ge @!p0 [sflag:s0], s1  }
0x232: {  	s1 =	ssub.s32 @!p0 $0x0, s1;
	[sflag:s0] =	ssyncset.done @!p0 $0x0  }
0x233: {  	[sflag:s0] =	ssyncadd.s32 @!p0 s1  }
0x234: {  	[bflag:$0x3] =	sbarrier.arrive $0xFFFF  }
0x235: {  	_ =	shalt  }

</sc_bundles>
